<compile_context>
chip_gen: v7x
topology: tpu7x:2x2x1
jax: 0.10.2.dev20260603
libtpu: 0.0.44.dev20260713+nightly
codegen_flags: <defaults>
</compile_context>

<pallas_src>
import functools

import jax
import jax.numpy as jnp
from jax import lax
from jax.experimental import pallas as pl
from jax.experimental.pallas import tpu as pltpu
from jax.experimental.pallas import tpu_sc as plsc

NUM_EMB = 1000000
DIM = 32
N_B = 4096
N_T = 200
NC, NS = 2, 16
NW = NC * NS
B_BLK = N_B // NW
T_CHUNK = 10
NSTEPS = N_T // T_CHUNK

E4 = 2048
GRP = 4 * E4
PRE_GRID = 4 * (-(-NUM_EMB // (4 * GRP)))
W_ROWS = PRE_GRID * E4
V_PAD = W_ROWS * 4


def _pre_body(wt_ref, out_ref):
    x = wt_ref[...]
    zs = []
    for h in range(4):
        xh = x[:, h * GRP:(h + 1) * GRP]
        xx = jnp.concatenate(
            [xh[:, q * E4:(q + 1) * E4] for q in range(4)], axis=0
        )
        zs.append(jnp.transpose(xx))
    out_ref[...] = jnp.concatenate(zs, axis=0)


_pre_transpose = pl.pallas_call(
    _pre_body,
    grid=(PRE_GRID // 4,),
    in_specs=[pl.BlockSpec((DIM, 4 * GRP), lambda i: (0, i))],
    out_specs=pl.BlockSpec((4 * E4, 128), lambda i: (i, 0)),
    out_shape=jax.ShapeDtypeStruct((W_ROWS, 128), jnp.float32),
)

_mesh = plsc.VectorSubcoreMesh(
    core_axis_name="c", subcore_axis_name="s", num_cores=NC, num_subcores=NS
)


@functools.partial(
    pl.kernel,
    out_type=jax.ShapeDtypeStruct((N_T, 8, B_BLK, 4, DIM), jnp.float32),
    mesh=_mesh,
    compiler_params=pltpu.CompilerParams(use_tc_tiling_on_sc=False),
    scratch_types=[
        pltpu.VMEM((N_T, B_BLK), jnp.int32),
        pltpu.VMEM((T_CHUNK, B_BLK, DIM), jnp.float32),
        pltpu.VMEM((T_CHUNK, B_BLK, DIM), jnp.float32),
        pltpu.SemaphoreType.DMA,
        pltpu.SemaphoreType.DMA,
        pltpu.SemaphoreType.DMA,
        pltpu.SemaphoreType.DMA,
    ],
)
def _emb_lookup(idx_hbm, table_hbm, out_hbm, idx_v, buf0, buf1,
                g0, g1, w0, w1):
    wid = lax.axis_index("s") * NC + lax.axis_index("c")
    b0 = wid * B_BLK
    jq = wid // 4
    uq = lax.rem(wid, 4)
    pltpu.sync_copy(idx_hbm.at[:, pl.ds(b0, B_BLK)], idx_v)

    @pl.loop(0, N_T)
    def _fix(r):
        for c in range(B_BLK // 16):
            e = idx_v[r, pl.ds(c * 16, 16)]
            m = (e & ~(GRP - 1)) | ((e & (E4 - 1)) << 2) | ((e >> 11) & 3)
            idx_v[r, pl.ds(c * 16, 16)] = m

    def fire(c, buf, sem):
        for tt in range(T_CHUNK):
            pltpu.async_copy(
                table_hbm.at[idx_v.at[c * T_CHUNK + tt]], buf.at[tt], sem
            )

    def drain(c, buf, sem):
        for tt in range(T_CHUNK):
            pltpu.make_async_copy(
                table_hbm.at[idx_v.at[c * T_CHUNK + tt]], buf.at[tt], sem
            ).wait()

    def wb_copy(c, buf, sem):
        return pltpu.make_async_copy(
            buf,
            out_hbm.at[pl.ds(c * T_CHUNK, T_CHUNK), jq, :, uq, :],
            sem,
        )

    def writeback(c, buf, sem):
        wb_copy(c, buf, sem).start()

    def drain_wb(c, buf, sem):
        wb_copy(c, buf, sem).wait()

    fire(0, buf0, g0)
    fire(1, buf1, g1)

    @pl.loop(0, NSTEPS // 2)
    def _pair(j):
        c0 = 2 * j
        drain(c0, buf0, g0)
        writeback(c0, buf0, w0)
        drain_wb(c0, buf0, w0)

        @pl.when(c0 + 2 < NSTEPS)
        def _():
            fire(c0 + 2, buf0, g0)

        drain(c0 + 1, buf1, g1)
        writeback(c0 + 1, buf1, w1)
        drain_wb(c0 + 1, buf1, w1)

        @pl.when(c0 + 3 < NSTEPS)
        def _():
            fire(c0 + 3, buf1, g1)


def _post_body(x_ref, out_ref):
    z = jnp.transpose(x_ref[...])
    for tt in range(8):
        y = jnp.concatenate(
            [z[32 * u:32 * (u + 1), 1024 * tt + 128 * j:1024 * tt + 128 * (j + 1)]
             for j in range(8) for u in range(4)],
            axis=1,
        )
        out_ref[tt] = y


_post_transpose = pl.pallas_call(
    _post_body,
    grid=(N_T // 8,),
    in_specs=[pl.BlockSpec((8192, 128), lambda t: (t, 0))],
    out_specs=pl.BlockSpec((8, DIM, N_B), lambda t: (t, 0, 0)),
    out_shape=jax.ShapeDtypeStruct((N_T, DIM, N_B), jnp.float32),
)


def kernel(tokens, weight):
    tok_t = tokens.T.astype(jnp.int32)
    w128 = _pre_transpose(weight.T)
    g4 = _emb_lookup(tok_t, w128.reshape(V_PAD, DIM))
    out_perm = _post_transpose(g4.reshape(N_T * 8 * B_BLK, 128))
    return jnp.transpose(out_perm, (2, 0, 1))

# --- scband reference (transcript-rebuilt; emitter-appended) ---
"""Pipeline reference for scband-embedding-64312840290663 (READ-ONLY COPY).

The authoritative reference and input builder live on the scoring server;
editing this copy changes nothing except your own understanding.
"""

import jax, jax.numpy as jnp
import numpy as np

NUM_EMBEDDINGS = 1000000
EMBEDDING_DIM = 32

def setup_inputs(seed: int = 0) -> dict:
    key = jax.random.key(seed)
    k_tok, k_w = jax.random.split(key)
    tokens = jax.random.randint(k_tok, (4096, 200), 0, NUM_EMBEDDINGS, dtype=jnp.int64 if jax.config.jax_enable_x64 else jnp.int32)
    # xavier_uniform init for weight (num_embeddings, embedding_dim)
    fan_in, fan_out = NUM_EMBEDDINGS, EMBEDDING_DIM
    limit = float(np.sqrt(6.0 / (fan_in + fan_out)))
    weight = jax.random.uniform(k_w, (NUM_EMBEDDINGS, EMBEDDING_DIM), dtype=jnp.float32, minval=-limit, maxval=limit)
    return {"tokens": tokens, "weight": weight}

def reference(tokens, weight):
    # F.embedding with padding_idx=None, max_norm=None reduces to a plain gather.
    return jnp.take(weight, tokens, axis=0)

if __name__ == "__main__":
    import jax
    _d = setup_inputs()
    print(jax.jit(kernel)(*tuple(_d.values())))

</pallas_src>

<mosaic_0001>
#map = affine_map<(d0, d1) -> (0, 0)>
#map1 = affine_map<(d0, d1) -> (0, 0, 0, 0, 0)>
module attributes {stable_mosaic.version = 14 : i64} {
  func.func @_emb_lookup(%arg0: i32, %arg1: i32, %arg2: memref<200x4096xi32, #tpu.memory_space<hbm>>, %arg3: memref<1015808x32xf32, #tpu.memory_space<hbm>>, %arg4: memref<200x8x128x4x32xf32, #tpu.memory_space<hbm>>, %arg5: memref<200x128xi32, #tpu.memory_space<vmem>>, %arg6: memref<10x128x32xf32, #tpu.memory_space<vmem>>, %arg7: memref<10x128x32xf32, #tpu.memory_space<vmem>>, %arg8: memref<!tpu.dma_semaphore, #tpu.memory_space<semaphore_mem>>, %arg9: memref<!tpu.dma_semaphore, #tpu.memory_space<semaphore_mem>>, %arg10: memref<!tpu.dma_semaphore, #tpu.memory_space<semaphore_mem>>, %arg11: memref<!tpu.dma_semaphore, #tpu.memory_space<semaphore_mem>>) attributes {dimension_semantics = [#tpu.dimension_semantics<core_parallel>, #tpu.dimension_semantics<subcore_parallel>], iteration_bounds = array<i64: 2, 16>, scalar_prefetch = 0 : i64, scratch_operands = 7 : i64, tpu.core_type = #tpu.core_type<sc_vector_subcore>, window_params = [{transform_indices = #map}, {transform_indices = #map}, {transform_indices = #map1}]} {
    %mul3A = arith.constant 2 : i32
    %mul3A_0 = arith.muli %arg1, %mul3A : i32
    %add3A = arith.addi %mul3A_0, %arg0 : i32
    %mul3A_1 = arith.constant 128 : i32
    %mul3A_2 = arith.muli %add3A, %mul3A_1 : i32
    %jit3A = arith.constant 4 : i32
    %div3A = arith.divsi %add3A, %jit3A : i32
    %sign3A = arith.constant 0 : i32
    %sign3A_3 = arith.cmpi sgt, %add3A, %sign3A : i32
    %sign3A_4 = arith.extui %sign3A_3 : i1 to i32
    %sign3A_5 = arith.constant 0 : i32
    %sign3A_6 = arith.cmpi slt, %add3A, %sign3A_5 : i32
    %sign3A_7 = arith.extui %sign3A_6 : i1 to i32
    %sign3A_8 = arith.subi %sign3A_4, %sign3A_7 : i32
    %sign3A_9 = arith.constant 0 : i32
    %sign3A_10 = arith.cmpi sgt, %jit3A, %sign3A_9 : i32
    %sign3A_11 = arith.extui %sign3A_10 : i1 to i32
    %sign3A_12 = arith.constant 0 : i32
    %sign3A_13 = arith.cmpi slt, %jit3A, %sign3A_12 : i32
    %sign3A_14 = arith.extui %sign3A_13 : i1 to i32
    %sign3A_15 = arith.subi %sign3A_11, %sign3A_14 : i32
    %ne3A = arith.cmpi ne, %sign3A_8, %sign3A_15 : i32
    %rem3A = arith.remsi %add3A, %jit3A : i32
    %ne3A_16 = arith.constant 0 : i32
    %ne3A_17 = arith.cmpi ne, %rem3A, %ne3A_16 : i32
    %and3A = arith.andi %ne3A, %ne3A_17 : i1
    %sub3A = arith.constant 1 : i32
    %sub3A_18 = arith.subi %div3A, %sub3A : i32
    %select_n3A = arith.select %and3A, %sub3A_18, %div3A : i32
    %rem3A_19 = arith.constant 4 : i32
    %rem3A_20 = arith.remsi %add3A, %rem3A_19 : i32
    "tpu.region"() ({
      %run_scoped3A = tpu.sem_alloc : memref<!tpu.dma_semaphore, #tpu.memory_space<semaphore_mem>>
      %dma_start3A_269 = arith.constant 0 : i32
      %dma_start3A_270 = tpu.memref_slice %arg2[%dma_start3A_269, %mul3A_2] : memref<200x4096xi32, #tpu.memory_space<hbm>> -> memref<200x128xi32, #tpu.memory_space<hbm>>
      %dma_start3A_271 = arith.constant 0 : i32
      %dma_start3A_272 = tpu.memref_slice %arg2[%dma_start3A_271, %mul3A_2] : memref<200x4096xi32, #tpu.memory_space<hbm>> -> memref<200x128xi32, #tpu.memory_space<hbm>>
      tpu.enqueue_dma source(%dma_start3A_272 : memref<200x128xi32, #tpu.memory_space<hbm>>) target(%arg5 : memref<200x128xi32, #tpu.memory_space<vmem>>) target_semaphore(%run_scoped3A : memref<!tpu.dma_semaphore, #tpu.memory_space<semaphore_mem>>)
      %dma_wait3A = arith.constant 0 : i32
      %dma_wait3A_273 = tpu.memref_slice %arg2[%dma_wait3A, %mul3A_2] : memref<200x4096xi32, #tpu.memory_space<hbm>> -> memref<200x128xi32, #tpu.memory_space<hbm>>
      %dma_wait3A_274 = arith.constant 0 : i32
      %dma_wait3A_275 = tpu.memref_slice %arg2[%dma_wait3A_274, %mul3A_2] : memref<200x4096xi32, #tpu.memory_space<hbm>> -> memref<200x128xi32, #tpu.memory_space<hbm>>
      tpu.wait_dma2 semaphore(%run_scoped3A : memref<!tpu.dma_semaphore, #tpu.memory_space<semaphore_mem>>) src(%dma_wait3A_275 : memref<200x128xi32, #tpu.memory_space<hbm>>) dst(%arg5 : memref<200x128xi32, #tpu.memory_space<vmem>>)
      tpu.yield
    }) : () -> ()
    %scan3A = arith.constant 0 : i32
    %scan3A_21 = arith.constant 200 : i32
    %scan3A_22 = arith.addi %scan3A, %scan3A_21 : i32
    %scan3A_23 = arith.constant 1 : i32
    scf.for %scan3A_269 = %scan3A to %scan3A_22 step %scan3A_23  : i32 {
      %mul3A_270 = arith.constant 1 : i32
      %mul3A_271 = arith.muli %scan3A_269, %mul3A_270 : i32
      %add3A_272 = arith.constant 0 : i32
      %add3A_273 = arith.addi %add3A_272, %mul3A_271 : i32
      %get3A = arith.index_cast %add3A_273 : i32 to index
      %get3A_274 = arith.constant 0 : index
      %get3A_275 = tpu.vector_load %arg5[%get3A, %get3A_274] {strides = array<i32>} : memref<200x128xi32, #tpu.memory_space<vmem>>, vector<1x16xi32>,
      %get3A_276 = vector.shape_cast %get3A_275 : vector<1x16xi32> to vector<16xi32>
      %and3A_277 = arith.constant -8192 : i32
      %and3A_278 = vector.broadcast %and3A_277 : i32 to vector<16xi32>
      %and3A_279 = arith.andi %get3A_276, %and3A_278 : vector<16xi32>
      %and3A_280 = arith.constant 2047 : i32
      %and3A_281 = vector.broadcast %and3A_280 : i32 to vector<16xi32>
      %and3A_282 = arith.andi %get3A_276, %and3A_281 : vector<16xi32>
      %shift_left3A = arith.constant 2 : i32
      %shift_left3A_283 = vector.broadcast %shift_left3A : i32 to vector<16xi32>
      %shift_left3A_284 = arith.shli %and3A_282, %shift_left3A_283 : vector<16xi32>
      %or3A = arith.ori %and3A_279, %shift_left3A_284 : vector<16xi32>
      %shift_right_arithmetic3A = arith.constant 11 : i32
      %shift_right_arithmetic3A_285 = vector.broadcast %shift_right_arithmetic3A : i32 to vector<16xi32>
      %shift_right_arithmetic3A_286 = arith.shrsi %get3A_276, %shift_right_arithmetic3A_285 : vector<16xi32>
      %and3A_287 = arith.constant 3 : i32
      %and3A_288 = vector.broadcast %and3A_287 : i32 to vector<16xi32>
      %and3A_289 = arith.andi %shift_right_arithmetic3A_286, %and3A_288 : vector<16xi32>
      %or3A_290 = arith.ori %or3A, %and3A_289 : vector<16xi32>
      %swap3A = arith.index_cast %add3A_273 : i32 to index
      %swap3A_291 = arith.constant 0 : index
      %swap3A_292 = tpu.vector_load %arg5[%swap3A, %swap3A_291] {strides = array<i32>} : memref<200x128xi32, #tpu.memory_space<vmem>>, vector<1x16xi32>,
      %swap3A_293 = vector.shape_cast %swap3A_292 : vector<1x16xi32> to vector<16xi32>
      %swap3A_294 = vector.shape_cast %or3A_290 : vector<16xi32> to vector<1x16xi32>
      tpu.vector_store %arg5[%swap3A, %swap3A_291], %swap3A_294 {strides = array<i32>} : memref<200x128xi32, #tpu.memory_space<vmem>>, vector<1x16xi32>,
      %get3A_295 = arith.index_cast %add3A_273 : i32 to index
      %get3A_296 = arith.constant 16 : index
      %get3A_297 = tpu.vector_load %arg5[%get3A_295, %get3A_296] {strides = array<i32>} : memref<200x128xi32, #tpu.memory_space<vmem>>, vector<1x16xi32>,
      %get3A_298 = vector.shape_cast %get3A_297 : vector<1x16xi32> to vector<16xi32>
      %and3A_299 = arith.constant -8192 : i32
      %and3A_300 = vector.broadcast %and3A_299 : i32 to vector<16xi32>
      %and3A_301 = arith.andi %get3A_298, %and3A_300 : vector<16xi32>
      %and3A_302 = arith.constant 2047 : i32
      %and3A_303 = vector.broadcast %and3A_302 : i32 to vector<16xi32>
      %and3A_304 = arith.andi %get3A_298, %and3A_303 : vector<16xi32>
      %shift_left3A_305 = arith.constant 2 : i32
      %shift_left3A_306 = vector.broadcast %shift_left3A_305 : i32 to vector<16xi32>
      %shift_left3A_307 = arith.shli %and3A_304, %shift_left3A_306 : vector<16xi32>
      %or3A_308 = arith.ori %and3A_301, %shift_left3A_307 : vector<16xi32>
      %shift_right_arithmetic3A_309 = arith.constant 11 : i32
      %shift_right_arithmetic3A_310 = vector.broadcast %shift_right_arithmetic3A_309 : i32 to vector<16xi32>
      %shift_right_arithmetic3A_311 = arith.shrsi %get3A_298, %shift_right_arithmetic3A_310 : vector<16xi32>
      %and3A_312 = arith.constant 3 : i32
      %and3A_313 = vector.broadcast %and3A_312 : i32 to vector<16xi32>
      %and3A_314 = arith.andi %shift_right_arithmetic3A_311, %and3A_313 : vector<16xi32>
      %or3A_315 = arith.ori %or3A_308, %and3A_314 : vector<16xi32>
      %swap3A_316 = arith.index_cast %add3A_273 : i32 to index
      %swap3A_317 = arith.constant 16 : index
      %swap3A_318 = tpu.vector_load %arg5[%swap3A_316, %swap3A_317] {strides = array<i32>} : memref<200x128xi32, #tpu.memory_space<vmem>>, vector<1x16xi32>,
      %swap3A_319 = vector.shape_cast %swap3A_318 : vector<1x16xi32> to vector<16xi32>
      %swap3A_320 = vector.shape_cast %or3A_315 : vector<16xi32> to vector<1x16xi32>
      tpu.vector_store %arg5[%swap3A_316, %swap3A_317], %swap3A_320 {strides = array<i32>} : memref<200x128xi32, #tpu.memory_space<vmem>>, vector<1x16xi32>,
      %get3A_321 = arith.index_cast %add3A_273 : i32 to index
      %get3A_322 = arith.constant 32 : index
      %get3A_323 = tpu.vector_load %arg5[%get3A_321, %get3A_322] {strides = array<i32>} : memref<200x128xi32, #tpu.memory_space<vmem>>, vector<1x16xi32>,
      %get3A_324 = vector.shape_cast %get3A_323 : vector<1x16xi32> to vector<16xi32>
      %and3A_325 = arith.constant -8192 : i32
      %and3A_326 = vector.broadcast %and3A_325 : i32 to vector<16xi32>
      %and3A_327 = arith.andi %get3A_324, %and3A_326 : vector<16xi32>
      %and3A_328 = arith.constant 2047 : i32
      %and3A_329 = vector.broadcast %and3A_328 : i32 to vector<16xi32>
      %and3A_330 = arith.andi %get3A_324, %and3A_329 : vector<16xi32>
      %shift_left3A_331 = arith.constant 2 : i32
      %shift_left3A_332 = vector.broadcast %shift_left3A_331 : i32 to vector<16xi32>
      %shift_left3A_333 = arith.shli %and3A_330, %shift_left3A_332 : vector<16xi32>
      %or3A_334 = arith.ori %and3A_327, %shift_left3A_333 : vector<16xi32>
      %shift_right_arithmetic3A_335 = arith.constant 11 : i32
      %shift_right_arithmetic3A_336 = vector.broadcast %shift_right_arithmetic3A_335 : i32 to vector<16xi32>
      %shift_right_arithmetic3A_337 = arith.shrsi %get3A_324, %shift_right_arithmetic3A_336 : vector<16xi32>
      %and3A_338 = arith.constant 3 : i32
      %and3A_339 = vector.broadcast %and3A_338 : i32 to vector<16xi32>
      %and3A_340 = arith.andi %shift_right_arithmetic3A_337, %and3A_339 : vector<16xi32>
      %or3A_341 = arith.ori %or3A_334, %and3A_340 : vector<16xi32>
      %swap3A_342 = arith.index_cast %add3A_273 : i32 to index
      %swap3A_343 = arith.constant 32 : index
      %swap3A_344 = tpu.vector_load %arg5[%swap3A_342, %swap3A_343] {strides = array<i32>} : memref<200x128xi32, #tpu.memory_space<vmem>>, vector<1x16xi32>,
      %swap3A_345 = vector.shape_cast %swap3A_344 : vector<1x16xi32> to vector<16xi32>
      %swap3A_346 = vector.shape_cast %or3A_341 : vector<16xi32> to vector<1x16xi32>
      tpu.vector_store %arg5[%swap3A_342, %swap3A_343], %swap3A_346 {strides = array<i32>} : memref<200x128xi32, #tpu.memory_space<vmem>>, vector<1x16xi32>,
      %get3A_347 = arith.index_cast %add3A_273 : i32 to index
      %get3A_348 = arith.constant 48 : index
      %get3A_349 = tpu.vector_load %arg5[%get3A_347, %get3A_348] {strides = array<i32>} : memref<200x128xi32, #tpu.memory_space<vmem>>, vector<1x16xi32>,
      %get3A_350 = vector.shape_cast %get3A_349 : vector<1x16xi32> to vector<16xi32>
      %and3A_351 = arith.constant -8192 : i32
      %and3A_352 = vector.broadcast %and3A_351 : i32 to vector<16xi32>
      %and3A_353 = arith.andi %get3A_350, %and3A_352 : vector<16xi32>
      %and3A_354 = arith.constant 2047 : i32
      %and3A_355 = vector.broadcast %and3A_354 : i32 to vector<16xi32>
      %and3A_356 = arith.andi %get3A_350, %and3A_355 : vector<16xi32>
      %shift_left3A_357 = arith.constant 2 : i32
      %shift_left3A_358 = vector.broadcast %shift_left3A_357 : i32 to vector<16xi32>
      %shift_left3A_359 = arith.shli %and3A_356, %shift_left3A_358 : vector<16xi32>
      %or3A_360 = arith.ori %and3A_353, %shift_left3A_359 : vector<16xi32>
      %shift_right_arithmetic3A_361 = arith.constant 11 : i32
      %shift_right_arithmetic3A_362 = vector.broadcast %shift_right_arithmetic3A_361 : i32 to vector<16xi32>
      %shift_right_arithmetic3A_363 = arith.shrsi %get3A_350, %shift_right_arithmetic3A_362 : vector<16xi32>
      %and3A_364 = arith.constant 3 : i32
      %and3A_365 = vector.broadcast %and3A_364 : i32 to vector<16xi32>
      %and3A_366 = arith.andi %shift_right_arithmetic3A_363, %and3A_365 : vector<16xi32>
      %or3A_367 = arith.ori %or3A_360, %and3A_366 : vector<16xi32>
      %swap3A_368 = arith.index_cast %add3A_273 : i32 to index
      %swap3A_369 = arith.constant 48 : index
      %swap3A_370 = tpu.vector_load %arg5[%swap3A_368, %swap3A_369] {strides = array<i32>} : memref<200x128xi32, #tpu.memory_space<vmem>>, vector<1x16xi32>,
      %swap3A_371 = vector.shape_cast %swap3A_370 : vector<1x16xi32> to vector<16xi32>
      %swap3A_372 = vector.shape_cast %or3A_367 : vector<16xi32> to vector<1x16xi32>
      tpu.vector_store %arg5[%swap3A_368, %swap3A_369], %swap3A_372 {strides = array<i32>} : memref<200x128xi32, #tpu.memory_space<vmem>>, vector<1x16xi32>,
      %get3A_373 = arith.index_cast %add3A_273 : i32 to index
      %get3A_374 = arith.constant 64 : index
      %get3A_375 = tpu.vector_load %arg5[%get3A_373, %get3A_374] {strides = array<i32>} : memref<200x128xi32, #tpu.memory_space<vmem>>, vector<1x16xi32>,
      %get3A_376 = vector.shape_cast %get3A_375 : vector<1x16xi32> to vector<16xi32>
      %and3A_377 = arith.constant -8192 : i32
      %and3A_378 = vector.broadcast %and3A_377 : i32 to vector<16xi32>
      %and3A_379 = arith.andi %get3A_376, %and3A_378 : vector<16xi32>
      %and3A_380 = arith.constant 2047 : i32
      %and3A_381 = vector.broadcast %and3A_380 : i32 to vector<16xi32>
      %and3A_382 = arith.andi %get3A_376, %and3A_381 : vector<16xi32>
      %shift_left3A_383 = arith.constant 2 : i32
      %shift_left3A_384 = vector.broadcast %shift_left3A_383 : i32 to vector<16xi32>
      %shift_left3A_385 = arith.shli %and3A_382, %shift_left3A_384 : vector<16xi32>
      %or3A_386 = arith.ori %and3A_379, %shift_left3A_385 : vector<16xi32>
      %shift_right_arithmetic3A_387 = arith.constant 11 : i32
      %shift_right_arithmetic3A_388 = vector.broadcast %shift_right_arithmetic3A_387 : i32 to vector<16xi32>
      %shift_right_arithmetic3A_389 = arith.shrsi %get3A_376, %shift_right_arithmetic3A_388 : vector<16xi32>
      %and3A_390 = arith.constant 3 : i32
      %and3A_391 = vector.broadcast %and3A_390 : i32 to vector<16xi32>
      %and3A_392 = arith.andi %shift_right_arithmetic3A_389, %and3A_391 : vector<16xi32>
      %or3A_393 = arith.ori %or3A_386, %and3A_392 : vector<16xi32>
      %swap3A_394 = arith.index_cast %add3A_273 : i32 to index
      %swap3A_395 = arith.constant 64 : index
      %swap3A_396 = tpu.vector_load %arg5[%swap3A_394, %swap3A_395] {strides = array<i32>} : memref<200x128xi32, #tpu.memory_space<vmem>>, vector<1x16xi32>,
      %swap3A_397 = vector.shape_cast %swap3A_396 : vector<1x16xi32> to vector<16xi32>
      %swap3A_398 = vector.shape_cast %or3A_393 : vector<16xi32> to vector<1x16xi32>
      tpu.vector_store %arg5[%swap3A_394, %swap3A_395], %swap3A_398 {strides = array<i32>} : memref<200x128xi32, #tpu.memory_space<vmem>>, vector<1x16xi32>,
      %get3A_399 = arith.index_cast %add3A_273 : i32 to index
      %get3A_400 = arith.constant 80 : index
      %get3A_401 = tpu.vector_load %arg5[%get3A_399, %get3A_400] {strides = array<i32>} : memref<200x128xi32, #tpu.memory_space<vmem>>, vector<1x16xi32>,
      %get3A_402 = vector.shape_cast %get3A_401 : vector<1x16xi32> to vector<16xi32>
      %and3A_403 = arith.constant -8192 : i32
      %and3A_404 = vector.broadcast %and3A_403 : i32 to vector<16xi32>
      %and3A_405 = arith.andi %get3A_402, %and3A_404 : vector<16xi32>
      %and3A_406 = arith.constant 2047 : i32
      %and3A_407 = vector.broadcast %and3A_406 : i32 to vector<16xi32>
      %and3A_408 = arith.andi %get3A_402, %and3A_407 : vector<16xi32>
      %shift_left3A_409 = arith.constant 2 : i32
      %shift_left3A_410 = vector.broadcast %shift_left3A_409 : i32 to vector<16xi32>
      %shift_left3A_411 = arith.shli %and3A_408, %shift_left3A_410 : vector<16xi32>
      %or3A_412 = arith.ori %and3A_405, %shift_left3A_411 : vector<16xi32>
      %shift_right_arithmetic3A_413 = arith.constant 11 : i32
      %shift_right_arithmetic3A_414 = vector.broadcast %shift_right_arithmetic3A_413 : i32 to vector<16xi32>
      %shift_right_arithmetic3A_415 = arith.shrsi %get3A_402, %shift_right_arithmetic3A_414 : vector<16xi32>
      %and3A_416 = arith.constant 3 : i32
      %and3A_417 = vector.broadcast %and3A_416 : i32 to vector<16xi32>
      %and3A_418 = arith.andi %shift_right_arithmetic3A_415, %and3A_417 : vector<16xi32>
      %or3A_419 = arith.ori %or3A_412, %and3A_418 : vector<16xi32>
      %swap3A_420 = arith.index_cast %add3A_273 : i32 to index
      %swap3A_421 = arith.constant 80 : index
      %swap3A_422 = tpu.vector_load %arg5[%swap3A_420, %swap3A_421] {strides = array<i32>} : memref<200x128xi32, #tpu.memory_space<vmem>>, vector<1x16xi32>,
      %swap3A_423 = vector.shape_cast %swap3A_422 : vector<1x16xi32> to vector<16xi32>
      %swap3A_424 = vector.shape_cast %or3A_419 : vector<16xi32> to vector<1x16xi32>
      tpu.vector_store %arg5[%swap3A_420, %swap3A_421], %swap3A_424 {strides = array<i32>} : memref<200x128xi32, #tpu.memory_space<vmem>>, vector<1x16xi32>,
      %get3A_425 = arith.index_cast %add3A_273 : i32 to index
      %get3A_426 = arith.constant 96 : index
      %get3A_427 = tpu.vector_load %arg5[%get3A_425, %get3A_426] {strides = array<i32>} : memref<200x128xi32, #tpu.memory_space<vmem>>, vector<1x16xi32>,
      %get3A_428 = vector.shape_cast %get3A_427 : vector<1x16xi32> to vector<16xi32>
      %and3A_429 = arith.constant -8192 : i32
      %and3A_430 = vector.broadcast %and3A_429 : i32 to vector<16xi32>
      %and3A_431 = arith.andi %get3A_428, %and3A_430 : vector<16xi32>
      %and3A_432 = arith.constant 2047 : i32
      %and3A_433 = vector.broadcast %and3A_432 : i32 to vector<16xi32>
      %and3A_434 = arith.andi %get3A_428, %and3A_433 : vector<16xi32>
      %shift_left3A_435 = arith.constant 2 : i32
      %shift_left3A_436 = vector.broadcast %shift_left3A_435 : i32 to vector<16xi32>
      %shift_left3A_437 = arith.shli %and3A_434, %shift_left3A_436 : vector<16xi32>
      %or3A_438 = arith.ori %and3A_431, %shift_left3A_437 : vector<16xi32>
      %shift_right_arithmetic3A_439 = arith.constant 11 : i32
      %shift_right_arithmetic3A_440 = vector.broadcast %shift_right_arithmetic3A_439 : i32 to vector<16xi32>
      %shift_right_arithmetic3A_441 = arith.shrsi %get3A_428, %shift_right_arithmetic3A_440 : vector<16xi32>
      %and3A_442 = arith.constant 3 : i32
      %and3A_443 = vector.broadcast %and3A_442 : i32 to vector<16xi32>
      %and3A_444 = arith.andi %shift_right_arithmetic3A_441, %and3A_443 : vector<16xi32>
      %or3A_445 = arith.ori %or3A_438, %and3A_444 : vector<16xi32>
      %swap3A_446 = arith.index_cast %add3A_273 : i32 to index
      %swap3A_447 = arith.constant 96 : index
      %swap3A_448 = tpu.vector_load %arg5[%swap3A_446, %swap3A_447] {strides = array<i32>} : memref<200x128xi32, #tpu.memory_space<vmem>>, vector<1x16xi32>,
      %swap3A_449 = vector.shape_cast %swap3A_448 : vector<1x16xi32> to vector<16xi32>
      %swap3A_450 = vector.shape_cast %or3A_445 : vector<16xi32> to vector<1x16xi32>
      tpu.vector_store %arg5[%swap3A_446, %swap3A_447], %swap3A_450 {strides = array<i32>} : memref<200x128xi32, #tpu.memory_space<vmem>>, vector<1x16xi32>,
      %get3A_451 = arith.index_cast %add3A_273 : i32 to index
      %get3A_452 = arith.constant 112 : index
      %get3A_453 = tpu.vector_load %arg5[%get3A_451, %get3A_452] {strides = array<i32>} : memref<200x128xi32, #tpu.memory_space<vmem>>, vector<1x16xi32>,
      %get3A_454 = vector.shape_cast %get3A_453 : vector<1x16xi32> to vector<16xi32>
      %and3A_455 = arith.constant -8192 : i32
      %and3A_456 = vector.broadcast %and3A_455 : i32 to vector<16xi32>
      %and3A_457 = arith.andi %get3A_454, %and3A_456 : vector<16xi32>
      %and3A_458 = arith.constant 2047 : i32
      %and3A_459 = vector.broadcast %and3A_458 : i32 to vector<16xi32>
      %and3A_460 = arith.andi %get3A_454, %and3A_459 : vector<16xi32>
      %shift_left3A_461 = arith.constant 2 : i32
      %shift_left3A_462 = vector.broadcast %shift_left3A_461 : i32 to vector<16xi32>
      %shift_left3A_463 = arith.shli %and3A_460, %shift_left3A_462 : vector<16xi32>
      %or3A_464 = arith.ori %and3A_457, %shift_left3A_463 : vector<16xi32>
      %shift_right_arithmetic3A_465 = arith.constant 11 : i32
      %shift_right_arithmetic3A_466 = vector.broadcast %shift_right_arithmetic3A_465 : i32 to vector<16xi32>
      %shift_right_arithmetic3A_467 = arith.shrsi %get3A_454, %shift_right_arithmetic3A_466 : vector<16xi32>
      %and3A_468 = arith.constant 3 : i32
      %and3A_469 = vector.broadcast %and3A_468 : i32 to vector<16xi32>
      %and3A_470 = arith.andi %shift_right_arithmetic3A_467, %and3A_469 : vector<16xi32>
      %or3A_471 = arith.ori %or3A_464, %and3A_470 : vector<16xi32>
      %swap3A_472 = arith.index_cast %add3A_273 : i32 to index
      %swap3A_473 = arith.constant 112 : index
      %swap3A_474 = tpu.vector_load %arg5[%swap3A_472, %swap3A_473] {strides = array<i32>} : memref<200x128xi32, #tpu.memory_space<vmem>>, vector<1x16xi32>,
      %swap3A_475 = vector.shape_cast %swap3A_474 : vector<1x16xi32> to vector<16xi32>
      %swap3A_476 = vector.shape_cast %or3A_471 : vector<16xi32> to vector<1x16xi32>
      tpu.vector_store %arg5[%swap3A_472, %swap3A_473], %swap3A_476 {strides = array<i32>} : memref<200x128xi32, #tpu.memory_space<vmem>>, vector<1x16xi32>,
    }
    %scan3A_24 = arith.constant 200 : i32
    %dma_start3A = arith.constant 0 : i32
    %dma_start3A_25 = arith.constant 0 : i32
    %dma_start3A_26 = arith.constant 0 : i32
    %dma_start3A_27 = arith.constant 0 : i32
    %dma_start3A_28 = tpu.memref_slice %arg6[%dma_start3A_25, %dma_start3A_26, %dma_start3A_27] : memref<10x128x32xf32, #tpu.memory_space<vmem>> -> memref<1x128x32xf32, #tpu.memory_space<vmem>>
    %dma_start3A_29 = tpu.memref_squeeze %dma_start3A_28 : memref<1x128x32xf32, #tpu.memory_space<vmem>> -> memref<128x32xf32, #tpu.memory_space<vmem>>
    %dma_start3A_30 = arith.constant 0 : i32
    %dma_start3A_31 = tpu.memref_slice %arg5[%dma_start3A, %dma_start3A_30] : memref<200x128xi32, #tpu.memory_space<vmem>> -> memref<1x128xi32, #tpu.memory_space<vmem>>
    %dma_start3A_32 = tpu.memref_squeeze %dma_start3A_31 : memref<1x128xi32, #tpu.memory_space<vmem>> -> memref<128xi32, #tpu.memory_space<vmem>>
    %dma_start3A_33 = arith.constant 0 : i32
    %dma_start3A_34 = arith.constant 0 : i32
    %dma_start3A_35 = tpu.memref_slice %arg3[%dma_start3A_33, %dma_start3A_34] : memref<1015808x32xf32, #tpu.memory_space<hbm>> -> memref<1015808x32xf32, #tpu.memory_space<hbm>>
    tpu.enqueue_indirect_dma source(%dma_start3A_35 : memref<1015808x32xf32, #tpu.memory_space<hbm>>) target(%dma_start3A_29 : memref<128x32xf32, #tpu.memory_space<vmem>>) offsets(%dma_start3A_32 : memref<128xi32, #tpu.memory_space<vmem>>) semaphore(%arg8 : memref<!tpu.dma_semaphore, #tpu.memory_space<semaphore_mem>>)
    %dma_start3A_36 = arith.constant 1 : i32
    %dma_start3A_37 = arith.constant 1 : i32
    %dma_start3A_38 = arith.constant 0 : i32
    %dma_start3A_39 = arith.constant 0 : i32
    %dma_start3A_40 = tpu.memref_slice %arg6[%dma_start3A_37, %dma_start3A_38, %dma_start3A_39] : memref<10x128x32xf32, #tpu.memory_space<vmem>> -> memref<1x128x32xf32, #tpu.memory_space<vmem>>
    %dma_start3A_41 = tpu.memref_squeeze %dma_start3A_40 : memref<1x128x32xf32, #tpu.memory_space<vmem>> -> memref<128x32xf32, #tpu.memory_space<vmem>>
    %dma_start3A_42 = arith.constant 0 : i32
    %dma_start3A_43 = tpu.memref_slice %arg5[%dma_start3A_36, %dma_start3A_42] : memref<200x128xi32, #tpu.memory_space<vmem>> -> memref<1x128xi32, #tpu.memory_space<vmem>>
    %dma_start3A_44 = tpu.memref_squeeze %dma_start3A_43 : memref<1x128xi32, #tpu.memory_space<vmem>> -> memref<128xi32, #tpu.memory_space<vmem>>
    %dma_start3A_45 = arith.constant 0 : i32
    %dma_start3A_46 = arith.constant 0 : i32
    %dma_start3A_47 = tpu.memref_slice %arg3[%dma_start3A_45, %dma_start3A_46] : memref<1015808x32xf32, #tpu.memory_space<hbm>> -> memref<1015808x32xf32, #tpu.memory_space<hbm>>
    tpu.enqueue_indirect_dma source(%dma_start3A_47 : memref<1015808x32xf32, #tpu.memory_space<hbm>>) target(%dma_start3A_41 : memref<128x32xf32, #tpu.memory_space<vmem>>) offsets(%dma_start3A_44 : memref<128xi32, #tpu.memory_space<vmem>>) semaphore(%arg8 : memref<!tpu.dma_semaphore, #tpu.memory_space<semaphore_mem>>)
    %dma_start3A_48 = arith.constant 2 : i32
    %dma_start3A_49 = arith.constant 2 : i32
    %dma_start3A_50 = arith.constant 0 : i32
    %dma_start3A_51 = arith.constant 0 : i32
    %dma_start3A_52 = tpu.memref_slice %arg6[%dma_start3A_49, %dma_start3A_50, %dma_start3A_51] : memref<10x128x32xf32, #tpu.memory_space<vmem>> -> memref<1x128x32xf32, #tpu.memory_space<vmem>>
    %dma_start3A_53 = tpu.memref_squeeze %dma_start3A_52 : memref<1x128x32xf32, #tpu.memory_space<vmem>> -> memref<128x32xf32, #tpu.memory_space<vmem>>
    %dma_start3A_54 = arith.constant 0 : i32
    %dma_start3A_55 = tpu.memref_slice %arg5[%dma_start3A_48, %dma_start3A_54] : memref<200x128xi32, #tpu.memory_space<vmem>> -> memref<1x128xi32, #tpu.memory_space<vmem>>
    %dma_start3A_56 = tpu.memref_squeeze %dma_start3A_55 : memref<1x128xi32, #tpu.memory_space<vmem>> -> memref<128xi32, #tpu.memory_space<vmem>>
    %dma_start3A_57 = arith.constant 0 : i32
    %dma_start3A_58 = arith.constant 0 : i32
    %dma_start3A_59 = tpu.memref_slice %arg3[%dma_start3A_57, %dma_start3A_58] : memref<1015808x32xf32, #tpu.memory_space<hbm>> -> memref<1015808x32xf32, #tpu.memory_space<hbm>>
    tpu.enqueue_indirect_dma source(%dma_start3A_59 : memref<1015808x32xf32, #tpu.memory_space<hbm>>) target(%dma_start3A_53 : memref<128x32xf32, #tpu.memory_space<vmem>>) offsets(%dma_start3A_56 : memref<128xi32, #tpu.memory_space<vmem>>) semaphore(%arg8 : memref<!tpu.dma_semaphore, #tpu.memory_space<semaphore_mem>>)
    %dma_start3A_60 = arith.constant 3 : i32
    %dma_start3A_61 = arith.constant 3 : i32
    %dma_start3A_62 = arith.constant 0 : i32
    %dma_start3A_63 = arith.constant 0 : i32
    %dma_start3A_64 = tpu.memref_slice %arg6[%dma_start3A_61, %dma_start3A_62, %dma_start3A_63] : memref<10x128x32xf32, #tpu.memory_space<vmem>> -> memref<1x128x32xf32, #tpu.memory_space<vmem>>
    %dma_start3A_65 = tpu.memref_squeeze %dma_start3A_64 : memref<1x128x32xf32, #tpu.memory_space<vmem>> -> memref<128x32xf32, #tpu.memory_space<vmem>>
    %dma_start3A_66 = arith.constant 0 : i32
    %dma_start3A_67 = tpu.memref_slice %arg5[%dma_start3A_60, %dma_start3A_66] : memref<200x128xi32, #tpu.memory_space<vmem>> -> memref<1x128xi32, #tpu.memory_space<vmem>>
    %dma_start3A_68 = tpu.memref_squeeze %dma_start3A_67 : memref<1x128xi32, #tpu.memory_space<vmem>> -> memref<128xi32, #tpu.memory_space<vmem>>
    %dma_start3A_69 = arith.constant 0 : i32
    %dma_start3A_70 = arith.constant 0 : i32
    %dma_start3A_71 = tpu.memref_slice %arg3[%dma_start3A_69, %dma_start3A_70] : memref<1015808x32xf32, #tpu.memory_space<hbm>> -> memref<1015808x32xf32, #tpu.memory_space<hbm>>
    tpu.enqueue_indirect_dma source(%dma_start3A_71 : memref<1015808x32xf32, #tpu.memory_space<hbm>>) target(%dma_start3A_65 : memref<128x32xf32, #tpu.memory_space<vmem>>) offsets(%dma_start3A_68 : memref<128xi32, #tpu.memory_space<vmem>>) semaphore(%arg8 : memref<!tpu.dma_semaphore, #tpu.memory_space<semaphore_mem>>)
    %dma_start3A_72 = arith.constant 4 : i32
    %dma_start3A_73 = arith.constant 4 : i32
    %dma_start3A_74 = arith.constant 0 : i32
    %dma_start3A_75 = arith.constant 0 : i32
    %dma_start3A_76 = tpu.memref_slice %arg6[%dma_start3A_73, %dma_start3A_74, %dma_start3A_75] : memref<10x128x32xf32, #tpu.memory_space<vmem>> -> memref<1x128x32xf32, #tpu.memory_space<vmem>>
    %dma_start3A_77 = tpu.memref_squeeze %dma_start3A_76 : memref<1x128x32xf32, #tpu.memory_space<vmem>> -> memref<128x32xf32, #tpu.memory_space<vmem>>
    %dma_start3A_78 = arith.constant 0 : i32
    %dma_start3A_79 = tpu.memref_slice %arg5[%dma_start3A_72, %dma_start3A_78] : memref<200x128xi32, #tpu.memory_space<vmem>> -> memref<1x128xi32, #tpu.memory_space<vmem>>
    %dma_start3A_80 = tpu.memref_squeeze %dma_start3A_79 : memref<1x128xi32, #tpu.memory_space<vmem>> -> memref<128xi32, #tpu.memory_space<vmem>>
    %dma_start3A_81 = arith.constant 0 : i32
    %dma_start3A_82 = arith.constant 0 : i32
    %dma_start3A_83 = tpu.memref_slice %arg3[%dma_start3A_81, %dma_start3A_82] : memref<1015808x32xf32, #tpu.memory_space<hbm>> -> memref<1015808x32xf32, #tpu.memory_space<hbm>>
    tpu.enqueue_indirect_dma source(%dma_start3A_83 : memref<1015808x32xf32, #tpu.memory_space<hbm>>) target(%dma_start3A_77 : memref<128x32xf32, #tpu.memory_space<vmem>>) offsets(%dma_start3A_80 : memref<128xi32, #tpu.memory_space<vmem>>) semaphore(%arg8 : memref<!tpu.dma_semaphore, #tpu.memory_space<semaphore_mem>>)
    %dma_start3A_84 = arith.constant 5 : i32
    %dma_start3A_85 = arith.constant 5 : i32
    %dma_start3A_86 = arith.constant 0 : i32
    %dma_start3A_87 = arith.constant 0 : i32
    %dma_start3A_88 = tpu.memref_slice %arg6[%dma_start3A_85, %dma_start3A_86, %dma_start3A_87] : memref<10x128x32xf32, #tpu.memory_space<vmem>> -> memref<1x128x32xf32, #tpu.memory_space<vmem>>
    %dma_start3A_89 = tpu.memref_squeeze %dma_start3A_88 : memref<1x128x32xf32, #tpu.memory_space<vmem>> -> memref<128x32xf32, #tpu.memory_space<vmem>>
    %dma_start3A_90 = arith.constant 0 : i32
    %dma_start3A_91 = tpu.memref_slice %arg5[%dma_start3A_84, %dma_start3A_90] : memref<200x128xi32, #tpu.memory_space<vmem>> -> memref<1x128xi32, #tpu.memory_space<vmem>>
    %dma_start3A_92 = tpu.memref_squeeze %dma_start3A_91 : memref<1x128xi32, #tpu.memory_space<vmem>> -> memref<128xi32, #tpu.memory_space<vmem>>
    %dma_start3A_93 = arith.constant 0 : i32
    %dma_start3A_94 = arith.constant 0 : i32
    %dma_start3A_95 = tpu.memref_slice %arg3[%dma_start3A_93, %dma_start3A_94] : memref<1015808x32xf32, #tpu.memory_space<hbm>> -> memref<1015808x32xf32, #tpu.memory_space<hbm>>
    tpu.enqueue_indirect_dma source(%dma_start3A_95 : memref<1015808x32xf32, #tpu.memory_space<hbm>>) target(%dma_start3A_89 : memref<128x32xf32, #tpu.memory_space<vmem>>) offsets(%dma_start3A_92 : memref<128xi32, #tpu.memory_space<vmem>>) semaphore(%arg8 : memref<!tpu.dma_semaphore, #tpu.memory_space<semaphore_mem>>)
    %dma_start3A_96 = arith.constant 6 : i32
    %dma_start3A_97 = arith.constant 6 : i32
    %dma_start3A_98 = arith.constant 0 : i32
    %dma_start3A_99 = arith.constant 0 : i32
    %dma_start3A_100 = tpu.memref_slice %arg6[%dma_start3A_97, %dma_start3A_98, %dma_start3A_99] : memref<10x128x32xf32, #tpu.memory_space<vmem>> -> memref<1x128x32xf32, #tpu.memory_space<vmem>>
    %dma_start3A_101 = tpu.memref_squeeze %dma_start3A_100 : memref<1x128x32xf32, #tpu.memory_space<vmem>> -> memref<128x32xf32, #tpu.memory_space<vmem>>
    %dma_start3A_102 = arith.constant 0 : i32
    %dma_start3A_103 = tpu.memref_slice %arg5[%dma_start3A_96, %dma_start3A_102] : memref<200x128xi32, #tpu.memory_space<vmem>> -> memref<1x128xi32, #tpu.memory_space<vmem>>
    %dma_start3A_104 = tpu.memref_squeeze %dma_start3A_103 : memref<1x128xi32, #tpu.memory_space<vmem>> -> memref<128xi32, #tpu.memory_space<vmem>>
    %dma_start3A_105 = arith.constant 0 : i32
    %dma_start3A_106 = arith.constant 0 : i32
    %dma_start3A_107 = tpu.memref_slice %arg3[%dma_start3A_105, %dma_start3A_106] : memref<1015808x32xf32, #tpu.memory_space<hbm>> -> memref<1015808x32xf32, #tpu.memory_space<hbm>>
    tpu.enqueue_indirect_dma source(%dma_start3A_107 : memref<1015808x32xf32, #tpu.memory_space<hbm>>) target(%dma_start3A_101 : memref<128x32xf32, #tpu.memory_space<vmem>>) offsets(%dma_start3A_104 : memref<128xi32, #tpu.memory_space<vmem>>) semaphore(%arg8 : memref<!tpu.dma_semaphore, #tpu.memory_space<semaphore_mem>>)
    %dma_start3A_108 = arith.constant 7 : i32
    %dma_start3A_109 = arith.constant 7 : i32
    %dma_start3A_110 = arith.constant 0 : i32
    %dma_start3A_111 = arith.constant 0 : i32
    %dma_start3A_112 = tpu.memref_slice %arg6[%dma_start3A_109, %dma_start3A_110, %dma_start3A_111] : memref<10x128x32xf32, #tpu.memory_space<vmem>> -> memref<1x128x32xf32, #tpu.memory_space<vmem>>
    %dma_start3A_113 = tpu.memref_squeeze %dma_start3A_112 : memref<1x128x32xf32, #tpu.memory_space<vmem>> -> memref<128x32xf32, #tpu.memory_space<vmem>>
    %dma_start3A_114 = arith.constant 0 : i32
    %dma_start3A_115 = tpu.memref_slice %arg5[%dma_start3A_108, %dma_start3A_114] : memref<200x128xi32, #tpu.memory_space<vmem>> -> memref<1x128xi32, #tpu.memory_space<vmem>>
    %dma_start3A_116 = tpu.memref_squeeze %dma_start3A_115 : memref<1x128xi32, #tpu.memory_space<vmem>> -> memref<128xi32, #tpu.memory_space<vmem>>
    %dma_start3A_117 = arith.constant 0 : i32
    %dma_start3A_118 = arith.constant 0 : i32
    %dma_start3A_119 = tpu.memref_slice %arg3[%dma_start3A_117, %dma_start3A_118] : memref<1015808x32xf32, #tpu.memory_space<hbm>> -> memref<1015808x32xf32, #tpu.memory_space<hbm>>
    tpu.enqueue_indirect_dma source(%dma_start3A_119 : memref<1015808x32xf32, #tpu.memory_space<hbm>>) target(%dma_start3A_113 : memref<128x32xf32, #tpu.memory_space<vmem>>) offsets(%dma_start3A_116 : memref<128xi32, #tpu.memory_space<vmem>>) semaphore(%arg8 : memref<!tpu.dma_semaphore, #tpu.memory_space<semaphore_mem>>)
    %dma_start3A_120 = arith.constant 8 : i32
    %dma_start3A_121 = arith.constant 8 : i32
    %dma_start3A_122 = arith.constant 0 : i32
    %dma_start3A_123 = arith.constant 0 : i32
    %dma_start3A_124 = tpu.memref_slice %arg6[%dma_start3A_121, %dma_start3A_122, %dma_start3A_123] : memref<10x128x32xf32, #tpu.memory_space<vmem>> -> memref<1x128x32xf32, #tpu.memory_space<vmem>>
    %dma_start3A_125 = tpu.memref_squeeze %dma_start3A_124 : memref<1x128x32xf32, #tpu.memory_space<vmem>> -> memref<128x32xf32, #tpu.memory_space<vmem>>
    %dma_start3A_126 = arith.constant 0 : i32
    %dma_start3A_127 = tpu.memref_slice %arg5[%dma_start3A_120, %dma_start3A_126] : memref<200x128xi32, #tpu.memory_space<vmem>> -> memref<1x128xi32, #tpu.memory_space<vmem>>
    %dma_start3A_128 = tpu.memref_squeeze %dma_start3A_127 : memref<1x128xi32, #tpu.memory_space<vmem>> -> memref<128xi32, #tpu.memory_space<vmem>>
    %dma_start3A_129 = arith.constant 0 : i32
    %dma_start3A_130 = arith.constant 0 : i32
    %dma_start3A_131 = tpu.memref_slice %arg3[%dma_start3A_129, %dma_start3A_130] : memref<1015808x32xf32, #tpu.memory_space<hbm>> -> memref<1015808x32xf32, #tpu.memory_space<hbm>>
    tpu.enqueue_indirect_dma source(%dma_start3A_131 : memref<1015808x32xf32, #tpu.memory_space<hbm>>) target(%dma_start3A_125 : memref<128x32xf32, #tpu.memory_space<vmem>>) offsets(%dma_start3A_128 : memref<128xi32, #tpu.memory_space<vmem>>) semaphore(%arg8 : memref<!tpu.dma_semaphore, #tpu.memory_space<semaphore_mem>>)
    %dma_start3A_132 = arith.constant 9 : i32
    %dma_start3A_133 = arith.constant 9 : i32
    %dma_start3A_134 = arith.constant 0 : i32
    %dma_start3A_135 = arith.constant 0 : i32
    %dma_start3A_136 = tpu.memref_slice %arg6[%dma_start3A_133, %dma_start3A_134, %dma_start3A_135] : memref<10x128x32xf32, #tpu.memory_space<vmem>> -> memref<1x128x32xf32, #tpu.memory_space<vmem>>
    %dma_start3A_137 = tpu.memref_squeeze %dma_start3A_136 : memref<1x128x32xf32, #tpu.memory_space<vmem>> -> memref<128x32xf32, #tpu.memory_space<vmem>>
    %dma_start3A_138 = arith.constant 0 : i32
    %dma_start3A_139 = tpu.memref_slice %arg5[%dma_start3A_132, %dma_start3A_138] : memref<200x128xi32, #tpu.memory_space<vmem>> -> memref<1x128xi32, #tpu.memory_space<vmem>>
    %dma_start3A_140 = tpu.memref_squeeze %dma_start3A_139 : memref<1x128xi32, #tpu.memory_space<vmem>> -> memref<128xi32, #tpu.memory_space<vmem>>
    %dma_start3A_141 = arith.constant 0 : i32
    %dma_start3A_142 = arith.constant 0 : i32
    %dma_start3A_143 = tpu.memref_slice %arg3[%dma_start3A_141, %dma_start3A_142] : memref<1015808x32xf32, #tpu.memory_space<hbm>> -> memref<1015808x32xf32, #tpu.memory_space<hbm>>
    tpu.enqueue_indirect_dma source(%dma_start3A_143 : memref<1015808x32xf32, #tpu.memory_space<hbm>>) target(%dma_start3A_137 : memref<128x32xf32, #tpu.memory_space<vmem>>) offsets(%dma_start3A_140 : memref<128xi32, #tpu.memory_space<vmem>>) semaphore(%arg8 : memref<!tpu.dma_semaphore, #tpu.memory_space<semaphore_mem>>)
    %dma_start3A_144 = arith.constant 10 : i32
    %dma_start3A_145 = arith.constant 0 : i32
    %dma_start3A_146 = arith.constant 0 : i32
    %dma_start3A_147 = arith.constant 0 : i32
    %dma_start3A_148 = tpu.memref_slice %arg7[%dma_start3A_145, %dma_start3A_146, %dma_start3A_147] : memref<10x128x32xf32, #tpu.memory_space<vmem>> -> memref<1x128x32xf32, #tpu.memory_space<vmem>>
    %dma_start3A_149 = tpu.memref_squeeze %dma_start3A_148 : memref<1x128x32xf32, #tpu.memory_space<vmem>> -> memref<128x32xf32, #tpu.memory_space<vmem>>
    %dma_start3A_150 = arith.constant 0 : i32
    %dma_start3A_151 = tpu.memref_slice %arg5[%dma_start3A_144, %dma_start3A_150] : memref<200x128xi32, #tpu.memory_space<vmem>> -> memref<1x128xi32, #tpu.memory_space<vmem>>
    %dma_start3A_152 = tpu.memref_squeeze %dma_start3A_151 : memref<1x128xi32, #tpu.memory_space<vmem>> -> memref<128xi32, #tpu.memory_space<vmem>>
    %dma_start3A_153 = arith.constant 0 : i32
    %dma_start3A_154 = arith.constant 0 : i32
    %dma_start3A_155 = tpu.memref_slice %arg3[%dma_start3A_153, %dma_start3A_154] : memref<1015808x32xf32, #tpu.memory_space<hbm>> -> memref<1015808x32xf32, #tpu.memory_space<hbm>>
    tpu.enqueue_indirect_dma source(%dma_start3A_155 : memref<1015808x32xf32, #tpu.memory_space<hbm>>) target(%dma_start3A_149 : memref<128x32xf32, #tpu.memory_space<vmem>>) offsets(%dma_start3A_152 : memref<128xi32, #tpu.memory_space<vmem>>) semaphore(%arg9 : memref<!tpu.dma_semaphore, #tpu.memory_space<semaphore_mem>>)
    %dma_start3A_156 = arith.constant 11 : i32
    %dma_start3A_157 = arith.constant 1 : i32
    %dma_start3A_158 = arith.constant 0 : i32
    %dma_start3A_159 = arith.constant 0 : i32
    %dma_start3A_160 = tpu.memref_slice %arg7[%dma_start3A_157, %dma_start3A_158, %dma_start3A_159] : memref<10x128x32xf32, #tpu.memory_space<vmem>> -> memref<1x128x32xf32, #tpu.memory_space<vmem>>
    %dma_start3A_161 = tpu.memref_squeeze %dma_start3A_160 : memref<1x128x32xf32, #tpu.memory_space<vmem>> -> memref<128x32xf32, #tpu.memory_space<vmem>>
    %dma_start3A_162 = arith.constant 0 : i32
    %dma_start3A_163 = tpu.memref_slice %arg5[%dma_start3A_156, %dma_start3A_162] : memref<200x128xi32, #tpu.memory_space<vmem>> -> memref<1x128xi32, #tpu.memory_space<vmem>>
    %dma_start3A_164 = tpu.memref_squeeze %dma_start3A_163 : memref<1x128xi32, #tpu.memory_space<vmem>> -> memref<128xi32, #tpu.memory_space<vmem>>
    %dma_start3A_165 = arith.constant 0 : i32
    %dma_start3A_166 = arith.constant 0 : i32
    %dma_start3A_167 = tpu.memref_slice %arg3[%dma_start3A_165, %dma_start3A_166] : memref<1015808x32xf32, #tpu.memory_space<hbm>> -> memref<1015808x32xf32, #tpu.memory_space<hbm>>
    tpu.enqueue_indirect_dma source(%dma_start3A_167 : memref<1015808x32xf32, #tpu.memory_space<hbm>>) target(%dma_start3A_161 : memref<128x32xf32, #tpu.memory_space<vmem>>) offsets(%dma_start3A_164 : memref<128xi32, #tpu.memory_space<vmem>>) semaphore(%arg9 : memref<!tpu.dma_semaphore, #tpu.memory_space<semaphore_mem>>)
    %dma_start3A_168 = arith.constant 12 : i32
    %dma_start3A_169 = arith.constant 2 : i32
    %dma_start3A_170 = arith.constant 0 : i32
    %dma_start3A_171 = arith.constant 0 : i32
    %dma_start3A_172 = tpu.memref_slice %arg7[%dma_start3A_169, %dma_start3A_170, %dma_start3A_171] : memref<10x128x32xf32, #tpu.memory_space<vmem>> -> memref<1x128x32xf32, #tpu.memory_space<vmem>>
    %dma_start3A_173 = tpu.memref_squeeze %dma_start3A_172 : memref<1x128x32xf32, #tpu.memory_space<vmem>> -> memref<128x32xf32, #tpu.memory_space<vmem>>
    %dma_start3A_174 = arith.constant 0 : i32
    %dma_start3A_175 = tpu.memref_slice %arg5[%dma_start3A_168, %dma_start3A_174] : memref<200x128xi32, #tpu.memory_space<vmem>> -> memref<1x128xi32, #tpu.memory_space<vmem>>
    %dma_start3A_176 = tpu.memref_squeeze %dma_start3A_175 : memref<1x128xi32, #tpu.memory_space<vmem>> -> memref<128xi32, #tpu.memory_space<vmem>>
    %dma_start3A_177 = arith.constant 0 : i32
    %dma_start3A_178 = arith.constant 0 : i32
    %dma_start3A_179 = tpu.memref_slice %arg3[%dma_start3A_177, %dma_start3A_178] : memref<1015808x32xf32, #tpu.memory_space<hbm>> -> memref<1015808x32xf32, #tpu.memory_space<hbm>>
    tpu.enqueue_indirect_dma source(%dma_start3A_179 : memref<1015808x32xf32, #tpu.memory_space<hbm>>) target(%dma_start3A_173 : memref<128x32xf32, #tpu.memory_space<vmem>>) offsets(%dma_start3A_176 : memref<128xi32, #tpu.memory_space<vmem>>) semaphore(%arg9 : memref<!tpu.dma_semaphore, #tpu.memory_space<semaphore_mem>>)
    %dma_start3A_180 = arith.constant 13 : i32
    %dma_start3A_181 = arith.constant 3 : i32
    %dma_start3A_182 = arith.constant 0 : i32
    %dma_start3A_183 = arith.constant 0 : i32
    %dma_start3A_184 = tpu.memref_slice %arg7[%dma_start3A_181, %dma_start3A_182, %dma_start3A_183] : memref<10x128x32xf32, #tpu.memory_space<vmem>> -> memref<1x128x32xf32, #tpu.memory_space<vmem>>
    %dma_start3A_185 = tpu.memref_squeeze %dma_start3A_184 : memref<1x128x32xf32, #tpu.memory_space<vmem>> -> memref<128x32xf32, #tpu.memory_space<vmem>>
    %dma_start3A_186 = arith.constant 0 : i32
    %dma_start3A_187 = tpu.memref_slice %arg5[%dma_start3A_180, %dma_start3A_186] : memref<200x128xi32, #tpu.memory_space<vmem>> -> memref<1x128xi32, #tpu.memory_space<vmem>>
    %dma_start3A_188 = tpu.memref_squeeze %dma_start3A_187 : memref<1x128xi32, #tpu.memory_space<vmem>> -> memref<128xi32, #tpu.memory_space<vmem>>
    %dma_start3A_189 = arith.constant 0 : i32
    %dma_start3A_190 = arith.constant 0 : i32
    %dma_start3A_191 = tpu.memref_slice %arg3[%dma_start3A_189, %dma_start3A_190] : memref<1015808x32xf32, #tpu.memory_space<hbm>> -> memref<1015808x32xf32, #tpu.memory_space<hbm>>
    tpu.enqueue_indirect_dma source(%dma_start3A_191 : memref<1015808x32xf32, #tpu.memory_space<hbm>>) target(%dma_start3A_185 : memref<128x32xf32, #tpu.memory_space<vmem>>) offsets(%dma_start3A_188 : memref<128xi32, #tpu.memory_space<vmem>>) semaphore(%arg9 : memref<!tpu.dma_semaphore, #tpu.memory_space<semaphore_mem>>)
    %dma_start3A_192 = arith.constant 14 : i32
    %dma_start3A_193 = arith.constant 4 : i32
    %dma_start3A_194 = arith.constant 0 : i32
    %dma_start3A_195 = arith.constant 0 : i32
    %dma_start3A_196 = tpu.memref_slice %arg7[%dma_start3A_193, %dma_start3A_194, %dma_start3A_195] : memref<10x128x32xf32, #tpu.memory_space<vmem>> -> memref<1x128x32xf32, #tpu.memory_space<vmem>>
    %dma_start3A_197 = tpu.memref_squeeze %dma_start3A_196 : memref<1x128x32xf32, #tpu.memory_space<vmem>> -> memref<128x32xf32, #tpu.memory_space<vmem>>
    %dma_start3A_198 = arith.constant 0 : i32
    %dma_start3A_199 = tpu.memref_slice %arg5[%dma_start3A_192, %dma_start3A_198] : memref<200x128xi32, #tpu.memory_space<vmem>> -> memref<1x128xi32, #tpu.memory_space<vmem>>
    %dma_start3A_200 = tpu.memref_squeeze %dma_start3A_199 : memref<1x128xi32, #tpu.memory_space<vmem>> -> memref<128xi32, #tpu.memory_space<vmem>>
    %dma_start3A_201 = arith.constant 0 : i32
    %dma_start3A_202 = arith.constant 0 : i32
    %dma_start3A_203 = tpu.memref_slice %arg3[%dma_start3A_201, %dma_start3A_202] : memref<1015808x32xf32, #tpu.memory_space<hbm>> -> memref<1015808x32xf32, #tpu.memory_space<hbm>>
    tpu.enqueue_indirect_dma source(%dma_start3A_203 : memref<1015808x32xf32, #tpu.memory_space<hbm>>) target(%dma_start3A_197 : memref<128x32xf32, #tpu.memory_space<vmem>>) offsets(%dma_start3A_200 : memref<128xi32, #tpu.memory_space<vmem>>) semaphore(%arg9 : memref<!tpu.dma_semaphore, #tpu.memory_space<semaphore_mem>>)
    %dma_start3A_204 = arith.constant 15 : i32
    %dma_start3A_205 = arith.constant 5 : i32
    %dma_start3A_206 = arith.constant 0 : i32
    %dma_start3A_207 = arith.constant 0 : i32
    %dma_start3A_208 = tpu.memref_slice %arg7[%dma_start3A_205, %dma_start3A_206, %dma_start3A_207] : memref<10x128x32xf32, #tpu.memory_space<vmem>> -> memref<1x128x32xf32, #tpu.memory_space<vmem>>
    %dma_start3A_209 = tpu.memref_squeeze %dma_start3A_208 : memref<1x128x32xf32, #tpu.memory_space<vmem>> -> memref<128x32xf32, #tpu.memory_space<vmem>>
    %dma_start3A_210 = arith.constant 0 : i32
    %dma_start3A_211 = tpu.memref_slice %arg5[%dma_start3A_204, %dma_start3A_210] : memref<200x128xi32, #tpu.memory_space<vmem>> -> memref<1x128xi32, #tpu.memory_space<vmem>>
    %dma_start3A_212 = tpu.memref_squeeze %dma_start3A_211 : memref<1x128xi32, #tpu.memory_space<vmem>> -> memref<128xi32, #tpu.memory_space<vmem>>
    %dma_start3A_213 = arith.constant 0 : i32
    %dma_start3A_214 = arith.constant 0 : i32
    %dma_start3A_215 = tpu.memref_slice %arg3[%dma_start3A_213, %dma_start3A_214] : memref<1015808x32xf32, #tpu.memory_space<hbm>> -> memref<1015808x32xf32, #tpu.memory_space<hbm>>
    tpu.enqueue_indirect_dma source(%dma_start3A_215 : memref<1015808x32xf32, #tpu.memory_space<hbm>>) target(%dma_start3A_209 : memref<128x32xf32, #tpu.memory_space<vmem>>) offsets(%dma_start3A_212 : memref<128xi32, #tpu.memory_space<vmem>>) semaphore(%arg9 : memref<!tpu.dma_semaphore, #tpu.memory_space<semaphore_mem>>)
    %dma_start3A_216 = arith.constant 16 : i32
    %dma_start3A_217 = arith.constant 6 : i32
    %dma_start3A_218 = arith.constant 0 : i32
    %dma_start3A_219 = arith.constant 0 : i32
    %dma_start3A_220 = tpu.memref_slice %arg7[%dma_start3A_217, %dma_start3A_218, %dma_start3A_219] : memref<10x128x32xf32, #tpu.memory_space<vmem>> -> memref<1x128x32xf32, #tpu.memory_space<vmem>>
    %dma_start3A_221 = tpu.memref_squeeze %dma_start3A_220 : memref<1x128x32xf32, #tpu.memory_space<vmem>> -> memref<128x32xf32, #tpu.memory_space<vmem>>
    %dma_start3A_222 = arith.constant 0 : i32
    %dma_start3A_223 = tpu.memref_slice %arg5[%dma_start3A_216, %dma_start3A_222] : memref<200x128xi32, #tpu.memory_space<vmem>> -> memref<1x128xi32, #tpu.memory_space<vmem>>
    %dma_start3A_224 = tpu.memref_squeeze %dma_start3A_223 : memref<1x128xi32, #tpu.memory_space<vmem>> -> memref<128xi32, #tpu.memory_space<vmem>>
    %dma_start3A_225 = arith.constant 0 : i32
    %dma_start3A_226 = arith.constant 0 : i32
    %dma_start3A_227 = tpu.memref_slice %arg3[%dma_start3A_225, %dma_start3A_226] : memref<1015808x32xf32, #tpu.memory_space<hbm>> -> memref<1015808x32xf32, #tpu.memory_space<hbm>>
    tpu.enqueue_indirect_dma source(%dma_start3A_227 : memref<1015808x32xf32, #tpu.memory_space<hbm>>) target(%dma_start3A_221 : memref<128x32xf32, #tpu.memory_space<vmem>>) offsets(%dma_start3A_224 : memref<128xi32, #tpu.memory_space<vmem>>) semaphore(%arg9 : memref<!tpu.dma_semaphore, #tpu.memory_space<semaphore_mem>>)
    %dma_start3A_228 = arith.constant 17 : i32
    %dma_start3A_229 = arith.constant 7 : i32
    %dma_start3A_230 = arith.constant 0 : i32
    %dma_start3A_231 = arith.constant 0 : i32
    %dma_start3A_232 = tpu.memref_slice %arg7[%dma_start3A_229, %dma_start3A_230, %dma_start3A_231] : memref<10x128x32xf32, #tpu.memory_space<vmem>> -> memref<1x128x32xf32, #tpu.memory_space<vmem>>
    %dma_start3A_233 = tpu.memref_squeeze %dma_start3A_232 : memref<1x128x32xf32, #tpu.memory_space<vmem>> -> memref<128x32xf32, #tpu.memory_space<vmem>>
    %dma_start3A_234 = arith.constant 0 : i32
    %dma_start3A_235 = tpu.memref_slice %arg5[%dma_start3A_228, %dma_start3A_234] : memref<200x128xi32, #tpu.memory_space<vmem>> -> memref<1x128xi32, #tpu.memory_space<vmem>>
    %dma_start3A_236 = tpu.memref_squeeze %dma_start3A_235 : memref<1x128xi32, #tpu.memory_space<vmem>> -> memref<128xi32, #tpu.memory_space<vmem>>
    %dma_start3A_237 = arith.constant 0 : i32
    %dma_start3A_238 = arith.constant 0 : i32
    %dma_start3A_239 = tpu.memref_slice %arg3[%dma_start3A_237, %dma_start3A_238] : memref<1015808x32xf32, #tpu.memory_space<hbm>> -> memref<1015808x32xf32, #tpu.memory_space<hbm>>
    tpu.enqueue_indirect_dma source(%dma_start3A_239 : memref<1015808x32xf32, #tpu.memory_space<hbm>>) target(%dma_start3A_233 : memref<128x32xf32, #tpu.memory_space<vmem>>) offsets(%dma_start3A_236 : memref<128xi32, #tpu.memory_space<vmem>>) semaphore(%arg9 : memref<!tpu.dma_semaphore, #tpu.memory_space<semaphore_mem>>)
    %dma_start3A_240 = arith.constant 18 : i32
    %dma_start3A_241 = arith.constant 8 : i32
    %dma_start3A_242 = arith.constant 0 : i32
    %dma_start3A_243 = arith.constant 0 : i32
    %dma_start3A_244 = tpu.memref_slice %arg7[%dma_start3A_241, %dma_start3A_242, %dma_start3A_243] : memref<10x128x32xf32, #tpu.memory_space<vmem>> -> memref<1x128x32xf32, #tpu.memory_space<vmem>>
    %dma_start3A_245 = tpu.memref_squeeze %dma_start3A_244 : memref<1x128x32xf32, #tpu.memory_space<vmem>> -> memref<128x32xf32, #tpu.memory_space<vmem>>
    %dma_start3A_246 = arith.constant 0 : i32
    %dma_start3A_247 = tpu.memref_slice %arg5[%dma_start3A_240, %dma_start3A_246] : memref<200x128xi32, #tpu.memory_space<vmem>> -> memref<1x128xi32, #tpu.memory_space<vmem>>
    %dma_start3A_248 = tpu.memref_squeeze %dma_start3A_247 : memref<1x128xi32, #tpu.memory_space<vmem>> -> memref<128xi32, #tpu.memory_space<vmem>>
    %dma_start3A_249 = arith.constant 0 : i32
    %dma_start3A_250 = arith.constant 0 : i32
    %dma_start3A_251 = tpu.memref_slice %arg3[%dma_start3A_249, %dma_start3A_250] : memref<1015808x32xf32, #tpu.memory_space<hbm>> -> memref<1015808x32xf32, #tpu.memory_space<hbm>>
    tpu.enqueue_indirect_dma source(%dma_start3A_251 : memref<1015808x32xf32, #tpu.memory_space<hbm>>) target(%dma_start3A_245 : memref<128x32xf32, #tpu.memory_space<vmem>>) offsets(%dma_start3A_248 : memref<128xi32, #tpu.memory_space<vmem>>) semaphore(%arg9 : memref<!tpu.dma_semaphore, #tpu.memory_space<semaphore_mem>>)
    %dma_start3A_252 = arith.constant 19 : i32
    %dma_start3A_253 = arith.constant 9 : i32
    %dma_start3A_254 = arith.constant 0 : i32
    %dma_start3A_255 = arith.constant 0 : i32
    %dma_start3A_256 = tpu.memref_slice %arg7[%dma_start3A_253, %dma_start3A_254, %dma_start3A_255] : memref<10x128x32xf32, #tpu.memory_space<vmem>> -> memref<1x128x32xf32, #tpu.memory_space<vmem>>
    %dma_start3A_257 = tpu.memref_squeeze %dma_start3A_256 : memref<1x128x32xf32, #tpu.memory_space<vmem>> -> memref<128x32xf32, #tpu.memory_space<vmem>>
    %dma_start3A_258 = arith.constant 0 : i32
    %dma_start3A_259 = tpu.memref_slice %arg5[%dma_start3A_252, %dma_start3A_258] : memref<200x128xi32, #tpu.memory_space<vmem>> -> memref<1x128xi32, #tpu.memory_space<vmem>>
    %dma_start3A_260 = tpu.memref_squeeze %dma_start3A_259 : memref<1x128xi32, #tpu.memory_space<vmem>> -> memref<128xi32, #tpu.memory_space<vmem>>
    %dma_start3A_261 = arith.constant 0 : i32
    %dma_start3A_262 = arith.constant 0 : i32
    %dma_start3A_263 = tpu.memref_slice %arg3[%dma_start3A_261, %dma_start3A_262] : memref<1015808x32xf32, #tpu.memory_space<hbm>> -> memref<1015808x32xf32, #tpu.memory_space<hbm>>
    tpu.enqueue_indirect_dma source(%dma_start3A_263 : memref<1015808x32xf32, #tpu.memory_space<hbm>>) target(%dma_start3A_257 : memref<128x32xf32, #tpu.memory_space<vmem>>) offsets(%dma_start3A_260 : memref<128xi32, #tpu.memory_space<vmem>>) semaphore(%arg9 : memref<!tpu.dma_semaphore, #tpu.memory_space<semaphore_mem>>)
    %scan3A_264 = arith.constant 0 : i32
    %scan3A_265 = arith.constant 10 : i32
    %scan3A_266 = arith.addi %scan3A_264, %scan3A_265 : i32
    %scan3A_267 = arith.constant 1 : i32
    scf.for %scan3A_269 = %scan3A_264 to %scan3A_266 step %scan3A_267  : i32 {
      %mul3A_270 = arith.constant 1 : i32
      %mul3A_271 = arith.muli %scan3A_269, %mul3A_270 : i32
      %add3A_272 = arith.constant 0 : i32
      %add3A_273 = arith.addi %add3A_272, %mul3A_271 : i32
      %mul3A_274 = arith.constant 2 : i32
      %mul3A_275 = arith.muli %mul3A_274, %add3A_273 : i32
      %mul3A_276 = arith.constant 10 : i32
      %mul3A_277 = arith.muli %mul3A_275, %mul3A_276 : i32
      %add3A_278 = arith.constant 0 : i32
      %add3A_279 = arith.addi %mul3A_277, %add3A_278 : i32
      %dma_wait3A = arith.constant 0 : i32
      %dma_wait3A_280 = arith.constant 0 : i32
      %dma_wait3A_281 = arith.constant 0 : i32
      %dma_wait3A_282 = tpu.memref_slice %arg6[%dma_wait3A, %dma_wait3A_280, %dma_wait3A_281] : memref<10x128x32xf32, #tpu.memory_space<vmem>> -> memref<1x128x32xf32, #tpu.memory_space<vmem>>
      %dma_wait3A_283 = tpu.memref_squeeze %dma_wait3A_282 : memref<1x128x32xf32, #tpu.memory_space<vmem>> -> memref<128x32xf32, #tpu.memory_space<vmem>>
      %dma_wait3A_284 = arith.constant 0 : i32
      %dma_wait3A_285 = tpu.memref_slice %arg5[%add3A_279, %dma_wait3A_284] : memref<200x128xi32, #tpu.memory_space<vmem>> -> memref<1x128xi32, #tpu.memory_space<vmem>>
      %dma_wait3A_286 = tpu.memref_squeeze %dma_wait3A_285 : memref<1x128xi32, #tpu.memory_space<vmem>> -> memref<128xi32, #tpu.memory_space<vmem>>
      %dma_wait3A_287 = arith.constant 0 : i32
      %dma_wait3A_288 = arith.constant 0 : i32
      %dma_wait3A_289 = tpu.memref_slice %arg3[%dma_wait3A_287, %dma_wait3A_288] : memref<1015808x32xf32, #tpu.memory_space<hbm>> -> memref<1015808x32xf32, #tpu.memory_space<hbm>>
      tpu.wait_indirect_dma semaphore(%arg8 : memref<!tpu.dma_semaphore, #tpu.memory_space<semaphore_mem>>) src(%dma_wait3A_289 : memref<1015808x32xf32, #tpu.memory_space<hbm>>) dst(%dma_wait3A_283 : memref<128x32xf32, #tpu.memory_space<vmem>>)
      %mul3A_290 = arith.constant 10 : i32
      %mul3A_291 = arith.muli %mul3A_275, %mul3A_290 : i32
      %add3A_292 = arith.constant 1 : i32
      %add3A_293 = arith.addi %mul3A_291, %add3A_292 : i32
      %dma_wait3A_294 = arith.constant 1 : i32
      %dma_wait3A_295 = arith.constant 0 : i32
      %dma_wait3A_296 = arith.constant 0 : i32
      %dma_wait3A_297 = tpu.memref_slice %arg6[%dma_wait3A_294, %dma_wait3A_295, %dma_wait3A_296] : memref<10x128x32xf32, #tpu.memory_space<vmem>> -> memref<1x128x32xf32, #tpu.memory_space<vmem>>
      %dma_wait3A_298 = tpu.memref_squeeze %dma_wait3A_297 : memref<1x128x32xf32, #tpu.memory_space<vmem>> -> memref<128x32xf32, #tpu.memory_space<vmem>>
      %dma_wait3A_299 = arith.constant 0 : i32
      %dma_wait3A_300 = tpu.memref_slice %arg5[%add3A_293, %dma_wait3A_299] : memref<200x128xi32, #tpu.memory_space<vmem>> -> memref<1x128xi32, #tpu.memory_space<vmem>>
      %dma_wait3A_301 = tpu.memref_squeeze %dma_wait3A_300 : memref<1x128xi32, #tpu.memory_space<vmem>> -> memref<128xi32, #tpu.memory_space<vmem>>
      %dma_wait3A_302 = arith.constant 0 : i32
      %dma_wait3A_303 = arith.constant 0 : i32
      %dma_wait3A_304 = tpu.memref_slice %arg3[%dma_wait3A_302, %dma_wait3A_303] : memref<1015808x32xf32, #tpu.memory_space<hbm>> -> memref<1015808x32xf32, #tpu.memory_space<hbm>>
      tpu.wait_indirect_dma semaphore(%arg8 : memref<!tpu.dma_semaphore, #tpu.memory_space<semaphore_mem>>) src(%dma_wait3A_304 : memref<1015808x32xf32, #tpu.memory_space<hbm>>) dst(%dma_wait3A_298 : memref<128x32xf32, #tpu.memory_space<vmem>>)
      %mul3A_305 = arith.constant 10 : i32
      %mul3A_306 = arith.muli %mul3A_275, %mul3A_305 : i32
      %add3A_307 = arith.constant 2 : i32
      %add3A_308 = arith.addi %mul3A_306, %add3A_307 : i32
      %dma_wait3A_309 = arith.constant 2 : i32
      %dma_wait3A_310 = arith.constant 0 : i32
      %dma_wait3A_311 = arith.constant 0 : i32
      %dma_wait3A_312 = tpu.memref_slice %arg6[%dma_wait3A_309, %dma_wait3A_310, %dma_wait3A_311] : memref<10x128x32xf32, #tpu.memory_space<vmem>> -> memref<1x128x32xf32, #tpu.memory_space<vmem>>
      %dma_wait3A_313 = tpu.memref_squeeze %dma_wait3A_312 : memref<1x128x32xf32, #tpu.memory_space<vmem>> -> memref<128x32xf32, #tpu.memory_space<vmem>>
      %dma_wait3A_314 = arith.constant 0 : i32
      %dma_wait3A_315 = tpu.memref_slice %arg5[%add3A_308, %dma_wait3A_314] : memref<200x128xi32, #tpu.memory_space<vmem>> -> memref<1x128xi32, #tpu.memory_space<vmem>>
      %dma_wait3A_316 = tpu.memref_squeeze %dma_wait3A_315 : memref<1x128xi32, #tpu.memory_space<vmem>> -> memref<128xi32, #tpu.memory_space<vmem>>
      %dma_wait3A_317 = arith.constant 0 : i32
      %dma_wait3A_318 = arith.constant 0 : i32
      %dma_wait3A_319 = tpu.memref_slice %arg3[%dma_wait3A_317, %dma_wait3A_318] : memref<1015808x32xf32, #tpu.memory_space<hbm>> -> memref<1015808x32xf32, #tpu.memory_space<hbm>>
      tpu.wait_indirect_dma semaphore(%arg8 : memref<!tpu.dma_semaphore, #tpu.memory_space<semaphore_mem>>) src(%dma_wait3A_319 : memref<1015808x32xf32, #tpu.memory_space<hbm>>) dst(%dma_wait3A_313 : memref<128x32xf32, #tpu.memory_space<vmem>>)
      %mul3A_320 = arith.constant 10 : i32
      %mul3A_321 = arith.muli %mul3A_275, %mul3A_320 : i32
      %add3A_322 = arith.constant 3 : i32
      %add3A_323 = arith.addi %mul3A_321, %add3A_322 : i32
      %dma_wait3A_324 = arith.constant 3 : i32
      %dma_wait3A_325 = arith.constant 0 : i32
      %dma_wait3A_326 = arith.constant 0 : i32
      %dma_wait3A_327 = tpu.memref_slice %arg6[%dma_wait3A_324, %dma_wait3A_325, %dma_wait3A_326] : memref<10x128x32xf32, #tpu.memory_space<vmem>> -> memref<1x128x32xf32, #tpu.memory_space<vmem>>
      %dma_wait3A_328 = tpu.memref_squeeze %dma_wait3A_327 : memref<1x128x32xf32, #tpu.memory_space<vmem>> -> memref<128x32xf32, #tpu.memory_space<vmem>>
      %dma_wait3A_329 = arith.constant 0 : i32
      %dma_wait3A_330 = tpu.memref_slice %arg5[%add3A_323, %dma_wait3A_329] : memref<200x128xi32, #tpu.memory_space<vmem>> -> memref<1x128xi32, #tpu.memory_space<vmem>>
      %dma_wait3A_331 = tpu.memref_squeeze %dma_wait3A_330 : memref<1x128xi32, #tpu.memory_space<vmem>> -> memref<128xi32, #tpu.memory_space<vmem>>
      %dma_wait3A_332 = arith.constant 0 : i32
      %dma_wait3A_333 = arith.constant 0 : i32
      %dma_wait3A_334 = tpu.memref_slice %arg3[%dma_wait3A_332, %dma_wait3A_333] : memref<1015808x32xf32, #tpu.memory_space<hbm>> -> memref<1015808x32xf32, #tpu.memory_space<hbm>>
      tpu.wait_indirect_dma semaphore(%arg8 : memref<!tpu.dma_semaphore, #tpu.memory_space<semaphore_mem>>) src(%dma_wait3A_334 : memref<1015808x32xf32, #tpu.memory_space<hbm>>) dst(%dma_wait3A_328 : memref<128x32xf32, #tpu.memory_space<vmem>>)
      %mul3A_335 = arith.constant 10 : i32
      %mul3A_336 = arith.muli %mul3A_275, %mul3A_335 : i32
      %add3A_337 = arith.constant 4 : i32
      %add3A_338 = arith.addi %mul3A_336, %add3A_337 : i32
      %dma_wait3A_339 = arith.constant 4 : i32
      %dma_wait3A_340 = arith.constant 0 : i32
      %dma_wait3A_341 = arith.constant 0 : i32
      %dma_wait3A_342 = tpu.memref_slice %arg6[%dma_wait3A_339, %dma_wait3A_340, %dma_wait3A_341] : memref<10x128x32xf32, #tpu.memory_space<vmem>> -> memref<1x128x32xf32, #tpu.memory_space<vmem>>
      %dma_wait3A_343 = tpu.memref_squeeze %dma_wait3A_342 : memref<1x128x32xf32, #tpu.memory_space<vmem>> -> memref<128x32xf32, #tpu.memory_space<vmem>>
      %dma_wait3A_344 = arith.constant 0 : i32
      %dma_wait3A_345 = tpu.memref_slice %arg5[%add3A_338, %dma_wait3A_344] : memref<200x128xi32, #tpu.memory_space<vmem>> -> memref<1x128xi32, #tpu.memory_space<vmem>>
      %dma_wait3A_346 = tpu.memref_squeeze %dma_wait3A_345 : memref<1x128xi32, #tpu.memory_space<vmem>> -> memref<128xi32, #tpu.memory_space<vmem>>
      %dma_wait3A_347 = arith.constant 0 : i32
      %dma_wait3A_348 = arith.constant 0 : i32
      %dma_wait3A_349 = tpu.memref_slice %arg3[%dma_wait3A_347, %dma_wait3A_348] : memref<1015808x32xf32, #tpu.memory_space<hbm>> -> memref<1015808x32xf32, #tpu.memory_space<hbm>>
      tpu.wait_indirect_dma semaphore(%arg8 : memref<!tpu.dma_semaphore, #tpu.memory_space<semaphore_mem>>) src(%dma_wait3A_349 : memref<1015808x32xf32, #tpu.memory_space<hbm>>) dst(%dma_wait3A_343 : memref<128x32xf32, #tpu.memory_space<vmem>>)
      %mul3A_350 = arith.constant 10 : i32
      %mul3A_351 = arith.muli %mul3A_275, %mul3A_350 : i32
      %add3A_352 = arith.constant 5 : i32
      %add3A_353 = arith.addi %mul3A_351, %add3A_352 : i32
      %dma_wait3A_354 = arith.constant 5 : i32
      %dma_wait3A_355 = arith.constant 0 : i32
      %dma_wait3A_356 = arith.constant 0 : i32
      %dma_wait3A_357 = tpu.memref_slice %arg6[%dma_wait3A_354, %dma_wait3A_355, %dma_wait3A_356] : memref<10x128x32xf32, #tpu.memory_space<vmem>> -> memref<1x128x32xf32, #tpu.memory_space<vmem>>
      %dma_wait3A_358 = tpu.memref_squeeze %dma_wait3A_357 : memref<1x128x32xf32, #tpu.memory_space<vmem>> -> memref<128x32xf32, #tpu.memory_space<vmem>>
      %dma_wait3A_359 = arith.constant 0 : i32
      %dma_wait3A_360 = tpu.memref_slice %arg5[%add3A_353, %dma_wait3A_359] : memref<200x128xi32, #tpu.memory_space<vmem>> -> memref<1x128xi32, #tpu.memory_space<vmem>>
      %dma_wait3A_361 = tpu.memref_squeeze %dma_wait3A_360 : memref<1x128xi32, #tpu.memory_space<vmem>> -> memref<128xi32, #tpu.memory_space<vmem>>
      %dma_wait3A_362 = arith.constant 0 : i32
      %dma_wait3A_363 = arith.constant 0 : i32
      %dma_wait3A_364 = tpu.memref_slice %arg3[%dma_wait3A_362, %dma_wait3A_363] : memref<1015808x32xf32, #tpu.memory_space<hbm>> -> memref<1015808x32xf32, #tpu.memory_space<hbm>>
      tpu.wait_indirect_dma semaphore(%arg8 : memref<!tpu.dma_semaphore, #tpu.memory_space<semaphore_mem>>) src(%dma_wait3A_364 : memref<1015808x32xf32, #tpu.memory_space<hbm>>) dst(%dma_wait3A_358 : memref<128x32xf32, #tpu.memory_space<vmem>>)
      %mul3A_365 = arith.constant 10 : i32
      %mul3A_366 = arith.muli %mul3A_275, %mul3A_365 : i32
      %add3A_367 = arith.constant 6 : i32
      %add3A_368 = arith.addi %mul3A_366, %add3A_367 : i32
      %dma_wait3A_369 = arith.constant 6 : i32
      %dma_wait3A_370 = arith.constant 0 : i32
      %dma_wait3A_371 = arith.constant 0 : i32
      %dma_wait3A_372 = tpu.memref_slice %arg6[%dma_wait3A_369, %dma_wait3A_370, %dma_wait3A_371] : memref<10x128x32xf32, #tpu.memory_space<vmem>> -> memref<1x128x32xf32, #tpu.memory_space<vmem>>
      %dma_wait3A_373 = tpu.memref_squeeze %dma_wait3A_372 : memref<1x128x32xf32, #tpu.memory_space<vmem>> -> memref<128x32xf32, #tpu.memory_space<vmem>>
      %dma_wait3A_374 = arith.constant 0 : i32
      %dma_wait3A_375 = tpu.memref_slice %arg5[%add3A_368, %dma_wait3A_374] : memref<200x128xi32, #tpu.memory_space<vmem>> -> memref<1x128xi32, #tpu.memory_space<vmem>>
      %dma_wait3A_376 = tpu.memref_squeeze %dma_wait3A_375 : memref<1x128xi32, #tpu.memory_space<vmem>> -> memref<128xi32, #tpu.memory_space<vmem>>
      %dma_wait3A_377 = arith.constant 0 : i32
      %dma_wait3A_378 = arith.constant 0 : i32
      %dma_wait3A_379 = tpu.memref_slice %arg3[%dma_wait3A_377, %dma_wait3A_378] : memref<1015808x32xf32, #tpu.memory_space<hbm>> -> memref<1015808x32xf32, #tpu.memory_space<hbm>>
      tpu.wait_indirect_dma semaphore(%arg8 : memref<!tpu.dma_semaphore, #tpu.memory_space<semaphore_mem>>) src(%dma_wait3A_379 : memref<1015808x32xf32, #tpu.memory_space<hbm>>) dst(%dma_wait3A_373 : memref<128x32xf32, #tpu.memory_space<vmem>>)
      %mul3A_380 = arith.constant 10 : i32
      %mul3A_381 = arith.muli %mul3A_275, %mul3A_380 : i32
      %add3A_382 = arith.constant 7 : i32
      %add3A_383 = arith.addi %mul3A_381, %add3A_382 : i32
      %dma_wait3A_384 = arith.constant 7 : i32
      %dma_wait3A_385 = arith.constant 0 : i32
      %dma_wait3A_386 = arith.constant 0 : i32
      %dma_wait3A_387 = tpu.memref_slice %arg6[%dma_wait3A_384, %dma_wait3A_385, %dma_wait3A_386] : memref<10x128x32xf32, #tpu.memory_space<vmem>> -> memref<1x128x32xf32, #tpu.memory_space<vmem>>
      %dma_wait3A_388 = tpu.memref_squeeze %dma_wait3A_387 : memref<1x128x32xf32, #tpu.memory_space<vmem>> -> memref<128x32xf32, #tpu.memory_space<vmem>>
      %dma_wait3A_389 = arith.constant 0 : i32
      %dma_wait3A_390 = tpu.memref_slice %arg5[%add3A_383, %dma_wait3A_389] : memref<200x128xi32, #tpu.memory_space<vmem>> -> memref<1x128xi32, #tpu.memory_space<vmem>>
      %dma_wait3A_391 = tpu.memref_squeeze %dma_wait3A_390 : memref<1x128xi32, #tpu.memory_space<vmem>> -> memref<128xi32, #tpu.memory_space<vmem>>
      %dma_wait3A_392 = arith.constant 0 : i32
      %dma_wait3A_393 = arith.constant 0 : i32
      %dma_wait3A_394 = tpu.memref_slice %arg3[%dma_wait3A_392, %dma_wait3A_393] : memref<1015808x32xf32, #tpu.memory_space<hbm>> -> memref<1015808x32xf32, #tpu.memory_space<hbm>>
      tpu.wait_indirect_dma semaphore(%arg8 : memref<!tpu.dma_semaphore, #tpu.memory_space<semaphore_mem>>) src(%dma_wait3A_394 : memref<1015808x32xf32, #tpu.memory_space<hbm>>) dst(%dma_wait3A_388 : memref<128x32xf32, #tpu.memory_space<vmem>>)
      %mul3A_395 = arith.constant 10 : i32
      %mul3A_396 = arith.muli %mul3A_275, %mul3A_395 : i32
      %add3A_397 = arith.constant 8 : i32
      %add3A_398 = arith.addi %mul3A_396, %add3A_397 : i32
      %dma_wait3A_399 = arith.constant 8 : i32
      %dma_wait3A_400 = arith.constant 0 : i32
      %dma_wait3A_401 = arith.constant 0 : i32
      %dma_wait3A_402 = tpu.memref_slice %arg6[%dma_wait3A_399, %dma_wait3A_400, %dma_wait3A_401] : memref<10x128x32xf32, #tpu.memory_space<vmem>> -> memref<1x128x32xf32, #tpu.memory_space<vmem>>
      %dma_wait3A_403 = tpu.memref_squeeze %dma_wait3A_402 : memref<1x128x32xf32, #tpu.memory_space<vmem>> -> memref<128x32xf32, #tpu.memory_space<vmem>>
      %dma_wait3A_404 = arith.constant 0 : i32
      %dma_wait3A_405 = tpu.memref_slice %arg5[%add3A_398, %dma_wait3A_404] : memref<200x128xi32, #tpu.memory_space<vmem>> -> memref<1x128xi32, #tpu.memory_space<vmem>>
      %dma_wait3A_406 = tpu.memref_squeeze %dma_wait3A_405 : memref<1x128xi32, #tpu.memory_space<vmem>> -> memref<128xi32, #tpu.memory_space<vmem>>
      %dma_wait3A_407 = arith.constant 0 : i32
      %dma_wait3A_408 = arith.constant 0 : i32
      %dma_wait3A_409 = tpu.memref_slice %arg3[%dma_wait3A_407, %dma_wait3A_408] : memref<1015808x32xf32, #tpu.memory_space<hbm>> -> memref<1015808x32xf32, #tpu.memory_space<hbm>>
      tpu.wait_indirect_dma semaphore(%arg8 : memref<!tpu.dma_semaphore, #tpu.memory_space<semaphore_mem>>) src(%dma_wait3A_409 : memref<1015808x32xf32, #tpu.memory_space<hbm>>) dst(%dma_wait3A_403 : memref<128x32xf32, #tpu.memory_space<vmem>>)
      %mul3A_410 = arith.constant 10 : i32
      %mul3A_411 = arith.muli %mul3A_275, %mul3A_410 : i32
      %add3A_412 = arith.constant 9 : i32
      %add3A_413 = arith.addi %mul3A_411, %add3A_412 : i32
      %dma_wait3A_414 = arith.constant 9 : i32
      %dma_wait3A_415 = arith.constant 0 : i32
      %dma_wait3A_416 = arith.constant 0 : i32
      %dma_wait3A_417 = tpu.memref_slice %arg6[%dma_wait3A_414, %dma_wait3A_415, %dma_wait3A_416] : memref<10x128x32xf32, #tpu.memory_space<vmem>> -> memref<1x128x32xf32, #tpu.memory_space<vmem>>
      %dma_wait3A_418 = tpu.memref_squeeze %dma_wait3A_417 : memref<1x128x32xf32, #tpu.memory_space<vmem>> -> memref<128x32xf32, #tpu.memory_space<vmem>>
      %dma_wait3A_419 = arith.constant 0 : i32
      %dma_wait3A_420 = tpu.memref_slice %arg5[%add3A_413, %dma_wait3A_419] : memref<200x128xi32, #tpu.memory_space<vmem>> -> memref<1x128xi32, #tpu.memory_space<vmem>>
      %dma_wait3A_421 = tpu.memref_squeeze %dma_wait3A_420 : memref<1x128xi32, #tpu.memory_space<vmem>> -> memref<128xi32, #tpu.memory_space<vmem>>
      %dma_wait3A_422 = arith.constant 0 : i32
      %dma_wait3A_423 = arith.constant 0 : i32
      %dma_wait3A_424 = tpu.memref_slice %arg3[%dma_wait3A_422, %dma_wait3A_423] : memref<1015808x32xf32, #tpu.memory_space<hbm>> -> memref<1015808x32xf32, #tpu.memory_space<hbm>>
      tpu.wait_indirect_dma semaphore(%arg8 : memref<!tpu.dma_semaphore, #tpu.memory_space<semaphore_mem>>) src(%dma_wait3A_424 : memref<1015808x32xf32, #tpu.memory_space<hbm>>) dst(%dma_wait3A_418 : memref<128x32xf32, #tpu.memory_space<vmem>>)
      %mul3A_425 = arith.constant 10 : i32
      %mul3A_426 = arith.muli %mul3A_275, %mul3A_425 : i32
      %dma_start3A_427 = arith.constant 0 : i32
      %dma_start3A_428 = arith.constant 0 : i32
      %dma_start3A_429 = tpu.memref_slice %arg4[%mul3A_426, %select_n3A, %dma_start3A_427, %rem3A_20, %dma_start3A_428] : memref<200x8x128x4x32xf32, #tpu.memory_space<hbm>> -> memref<10x1x128x1x32xf32, #tpu.memory_space<hbm>>
      %dma_start3A_430 = tpu.memref_squeeze %dma_start3A_429 : memref<10x1x128x1x32xf32, #tpu.memory_space<hbm>> -> memref<10x128x32xf32, #tpu.memory_space<hbm>>
      %dma_start3A_431 = arith.constant 0 : i32
      %dma_start3A_432 = arith.constant 0 : i32
      %dma_start3A_433 = tpu.memref_slice %arg4[%mul3A_426, %select_n3A, %dma_start3A_431, %rem3A_20, %dma_start3A_432] : memref<200x8x128x4x32xf32, #tpu.memory_space<hbm>> -> memref<10x1x128x1x32xf32, #tpu.memory_space<hbm>>
      %dma_start3A_434 = tpu.memref_squeeze %dma_start3A_433 : memref<10x1x128x1x32xf32, #tpu.memory_space<hbm>> -> memref<10x128x32xf32, #tpu.memory_space<hbm>>
      tpu.enqueue_dma source(%arg6 : memref<10x128x32xf32, #tpu.memory_space<vmem>>) target(%dma_start3A_434 : memref<10x128x32xf32, #tpu.memory_space<hbm>>) target_semaphore(%arg10 : memref<!tpu.dma_semaphore, #tpu.memory_space<semaphore_mem>>)
      %mul3A_435 = arith.constant 10 : i32
      %mul3A_436 = arith.muli %mul3A_275, %mul3A_435 : i32
      %dma_wait3A_437 = arith.constant 0 : i32
      %dma_wait3A_438 = arith.constant 0 : i32
      %dma_wait3A_439 = tpu.memref_slice %arg4[%mul3A_436, %select_n3A, %dma_wait3A_437, %rem3A_20, %dma_wait3A_438] : memref<200x8x128x4x32xf32, #tpu.memory_space<hbm>> -> memref<10x1x128x1x32xf32, #tpu.memory_space<hbm>>
      %dma_wait3A_440 = tpu.memref_squeeze %dma_wait3A_439 : memref<10x1x128x1x32xf32, #tpu.memory_space<hbm>> -> memref<10x128x32xf32, #tpu.memory_space<hbm>>
      %dma_wait3A_441 = arith.constant 0 : i32
      %dma_wait3A_442 = arith.constant 0 : i32
      %dma_wait3A_443 = tpu.memref_slice %arg4[%mul3A_436, %select_n3A, %dma_wait3A_441, %rem3A_20, %dma_wait3A_442] : memref<200x8x128x4x32xf32, #tpu.memory_space<hbm>> -> memref<10x1x128x1x32xf32, #tpu.memory_space<hbm>>
      %dma_wait3A_444 = tpu.memref_squeeze %dma_wait3A_443 : memref<10x1x128x1x32xf32, #tpu.memory_space<hbm>> -> memref<10x128x32xf32, #tpu.memory_space<hbm>>
      tpu.wait_dma2 semaphore(%arg10 : memref<!tpu.dma_semaphore, #tpu.memory_space<semaphore_mem>>) src(%arg6 : memref<10x128x32xf32, #tpu.memory_space<vmem>>) dst(%dma_wait3A_444 : memref<10x128x32xf32, #tpu.memory_space<hbm>>)
      %add3A_445 = arith.constant 2 : i32
      %add3A_446 = arith.addi %mul3A_275, %add3A_445 : i32
      %lt3A = arith.constant 20 : i32
      %lt3A_447 = arith.cmpi slt, %add3A_446, %lt3A : i32
      %convert_element_type3A = arith.extui %lt3A_447 : i1 to i32
      %cond3A = arith.constant 0 : i32
      %cond3A_448 = arith.cmpi ne, %convert_element_type3A, %cond3A : i32
      scf.if %cond3A_448 {
        %add3A_632 = arith.constant 2 : i32
        %add3A_633 = arith.addi %mul3A_275, %add3A_632 : i32
        %mul3A_634 = arith.constant 10 : i32
        %mul3A_635 = arith.muli %add3A_633, %mul3A_634 : i32
        %add3A_636 = arith.constant 0 : i32
        %add3A_637 = arith.addi %mul3A_635, %add3A_636 : i32
        %dma_start3A_638 = arith.constant 0 : i32
        %dma_start3A_639 = arith.constant 0 : i32
        %dma_start3A_640 = arith.constant 0 : i32
        %dma_start3A_641 = tpu.memref_slice %arg6[%dma_start3A_638, %dma_start3A_639, %dma_start3A_640] : memref<10x128x32xf32, #tpu.memory_space<vmem>> -> memref<1x128x32xf32, #tpu.memory_space<vmem>>
        %dma_start3A_642 = tpu.memref_squeeze %dma_start3A_641 : memref<1x128x32xf32, #tpu.memory_space<vmem>> -> memref<128x32xf32, #tpu.memory_space<vmem>>
        %dma_start3A_643 = arith.constant 0 : i32
        %dma_start3A_644 = tpu.memref_slice %arg5[%add3A_637, %dma_start3A_643] : memref<200x128xi32, #tpu.memory_space<vmem>> -> memref<1x128xi32, #tpu.memory_space<vmem>>
        %dma_start3A_645 = tpu.memref_squeeze %dma_start3A_644 : memref<1x128xi32, #tpu.memory_space<vmem>> -> memref<128xi32, #tpu.memory_space<vmem>>
        %dma_start3A_646 = arith.constant 0 : i32
        %dma_start3A_647 = arith.constant 0 : i32
        %dma_start3A_648 = tpu.memref_slice %arg3[%dma_start3A_646, %dma_start3A_647] : memref<1015808x32xf32, #tpu.memory_space<hbm>> -> memref<1015808x32xf32, #tpu.memory_space<hbm>>
        tpu.enqueue_indirect_dma source(%dma_start3A_648 : memref<1015808x32xf32, #tpu.memory_space<hbm>>) target(%dma_start3A_642 : memref<128x32xf32, #tpu.memory_space<vmem>>) offsets(%dma_start3A_645 : memref<128xi32, #tpu.memory_space<vmem>>) semaphore(%arg8 : memref<!tpu.dma_semaphore, #tpu.memory_space<semaphore_mem>>)
        %mul3A_649 = arith.constant 10 : i32
        %mul3A_650 = arith.muli %add3A_633, %mul3A_649 : i32
        %add3A_651 = arith.constant 1 : i32
        %add3A_652 = arith.addi %mul3A_650, %add3A_651 : i32
        %dma_start3A_653 = arith.constant 1 : i32
        %dma_start3A_654 = arith.constant 0 : i32
        %dma_start3A_655 = arith.constant 0 : i32
        %dma_start3A_656 = tpu.memref_slice %arg6[%dma_start3A_653, %dma_start3A_654, %dma_start3A_655] : memref<10x128x32xf32, #tpu.memory_space<vmem>> -> memref<1x128x32xf32, #tpu.memory_space<vmem>>
        %dma_start3A_657 = tpu.memref_squeeze %dma_start3A_656 : memref<1x128x32xf32, #tpu.memory_space<vmem>> -> memref<128x32xf32, #tpu.memory_space<vmem>>
        %dma_start3A_658 = arith.constant 0 : i32
        %dma_start3A_659 = tpu.memref_slice %arg5[%add3A_652, %dma_start3A_658] : memref<200x128xi32, #tpu.memory_space<vmem>> -> memref<1x128xi32, #tpu.memory_space<vmem>>
        %dma_start3A_660 = tpu.memref_squeeze %dma_start3A_659 : memref<1x128xi32, #tpu.memory_space<vmem>> -> memref<128xi32, #tpu.memory_space<vmem>>
        %dma_start3A_661 = arith.constant 0 : i32
        %dma_start3A_662 = arith.constant 0 : i32
        %dma_start3A_663 = tpu.memref_slice %arg3[%dma_start3A_661, %dma_start3A_662] : memref<1015808x32xf32, #tpu.memory_space<hbm>> -> memref<1015808x32xf32, #tpu.memory_space<hbm>>
        tpu.enqueue_indirect_dma source(%dma_start3A_663 : memref<1015808x32xf32, #tpu.memory_space<hbm>>) target(%dma_start3A_657 : memref<128x32xf32, #tpu.memory_space<vmem>>) offsets(%dma_start3A_660 : memref<128xi32, #tpu.memory_space<vmem>>) semaphore(%arg8 : memref<!tpu.dma_semaphore, #tpu.memory_space<semaphore_mem>>)
        %mul3A_664 = arith.constant 10 : i32
        %mul3A_665 = arith.muli %add3A_633, %mul3A_664 : i32
        %add3A_666 = arith.constant 2 : i32
        %add3A_667 = arith.addi %mul3A_665, %add3A_666 : i32
        %dma_start3A_668 = arith.constant 2 : i32
        %dma_start3A_669 = arith.constant 0 : i32
        %dma_start3A_670 = arith.constant 0 : i32
        %dma_start3A_671 = tpu.memref_slice %arg6[%dma_start3A_668, %dma_start3A_669, %dma_start3A_670] : memref<10x128x32xf32, #tpu.memory_space<vmem>> -> memref<1x128x32xf32, #tpu.memory_space<vmem>>
        %dma_start3A_672 = tpu.memref_squeeze %dma_start3A_671 : memref<1x128x32xf32, #tpu.memory_space<vmem>> -> memref<128x32xf32, #tpu.memory_space<vmem>>
        %dma_start3A_673 = arith.constant 0 : i32
        %dma_start3A_674 = tpu.memref_slice %arg5[%add3A_667, %dma_start3A_673] : memref<200x128xi32, #tpu.memory_space<vmem>> -> memref<1x128xi32, #tpu.memory_space<vmem>>
        %dma_start3A_675 = tpu.memref_squeeze %dma_start3A_674 : memref<1x128xi32, #tpu.memory_space<vmem>> -> memref<128xi32, #tpu.memory_space<vmem>>
        %dma_start3A_676 = arith.constant 0 : i32
        %dma_start3A_677 = arith.constant 0 : i32
        %dma_start3A_678 = tpu.memref_slice %arg3[%dma_start3A_676, %dma_start3A_677] : memref<1015808x32xf32, #tpu.memory_space<hbm>> -> memref<1015808x32xf32, #tpu.memory_space<hbm>>
        tpu.enqueue_indirect_dma source(%dma_start3A_678 : memref<1015808x32xf32, #tpu.memory_space<hbm>>) target(%dma_start3A_672 : memref<128x32xf32, #tpu.memory_space<vmem>>) offsets(%dma_start3A_675 : memref<128xi32, #tpu.memory_space<vmem>>) semaphore(%arg8 : memref<!tpu.dma_semaphore, #tpu.memory_space<semaphore_mem>>)
        %mul3A_679 = arith.constant 10 : i32
        %mul3A_680 = arith.muli %add3A_633, %mul3A_679 : i32
        %add3A_681 = arith.constant 3 : i32
        %add3A_682 = arith.addi %mul3A_680, %add3A_681 : i32
        %dma_start3A_683 = arith.constant 3 : i32
        %dma_start3A_684 = arith.constant 0 : i32
        %dma_start3A_685 = arith.constant 0 : i32
        %dma_start3A_686 = tpu.memref_slice %arg6[%dma_start3A_683, %dma_start3A_684, %dma_start3A_685] : memref<10x128x32xf32, #tpu.memory_space<vmem>> -> memref<1x128x32xf32, #tpu.memory_space<vmem>>
        %dma_start3A_687 = tpu.memref_squeeze %dma_start3A_686 : memref<1x128x32xf32, #tpu.memory_space<vmem>> -> memref<128x32xf32, #tpu.memory_space<vmem>>
        %dma_start3A_688 = arith.constant 0 : i32
        %dma_start3A_689 = tpu.memref_slice %arg5[%add3A_682, %dma_start3A_688] : memref<200x128xi32, #tpu.memory_space<vmem>> -> memref<1x128xi32, #tpu.memory_space<vmem>>
        %dma_start3A_690 = tpu.memref_squeeze %dma_start3A_689 : memref<1x128xi32, #tpu.memory_space<vmem>> -> memref<128xi32, #tpu.memory_space<vmem>>
        %dma_start3A_691 = arith.constant 0 : i32
        %dma_start3A_692 = arith.constant 0 : i32
        %dma_start3A_693 = tpu.memref_slice %arg3[%dma_start3A_691, %dma_start3A_692] : memref<1015808x32xf32, #tpu.memory_space<hbm>> -> memref<1015808x32xf32, #tpu.memory_space<hbm>>
        tpu.enqueue_indirect_dma source(%dma_start3A_693 : memref<1015808x32xf32, #tpu.memory_space<hbm>>) target(%dma_start3A_687 : memref<128x32xf32, #tpu.memory_space<vmem>>) offsets(%dma_start3A_690 : memref<128xi32, #tpu.memory_space<vmem>>) semaphore(%arg8 : memref<!tpu.dma_semaphore, #tpu.memory_space<semaphore_mem>>)
        %mul3A_694 = arith.constant 10 : i32
        %mul3A_695 = arith.muli %add3A_633, %mul3A_694 : i32
        %add3A_696 = arith.constant 4 : i32
        %add3A_697 = arith.addi %mul3A_695, %add3A_696 : i32
        %dma_start3A_698 = arith.constant 4 : i32
        %dma_start3A_699 = arith.constant 0 : i32
        %dma_start3A_700 = arith.constant 0 : i32
        %dma_start3A_701 = tpu.memref_slice %arg6[%dma_start3A_698, %dma_start3A_699, %dma_start3A_700] : memref<10x128x32xf32, #tpu.memory_space<vmem>> -> memref<1x128x32xf32, #tpu.memory_space<vmem>>
        %dma_start3A_702 = tpu.memref_squeeze %dma_start3A_701 : memref<1x128x32xf32, #tpu.memory_space<vmem>> -> memref<128x32xf32, #tpu.memory_space<vmem>>
        %dma_start3A_703 = arith.constant 0 : i32
        %dma_start3A_704 = tpu.memref_slice %arg5[%add3A_697, %dma_start3A_703] : memref<200x128xi32, #tpu.memory_space<vmem>> -> memref<1x128xi32, #tpu.memory_space<vmem>>
        %dma_start3A_705 = tpu.memref_squeeze %dma_start3A_704 : memref<1x128xi32, #tpu.memory_space<vmem>> -> memref<128xi32, #tpu.memory_space<vmem>>
        %dma_start3A_706 = arith.constant 0 : i32
        %dma_start3A_707 = arith.constant 0 : i32
        %dma_start3A_708 = tpu.memref_slice %arg3[%dma_start3A_706, %dma_start3A_707] : memref<1015808x32xf32, #tpu.memory_space<hbm>> -> memref<1015808x32xf32, #tpu.memory_space<hbm>>
        tpu.enqueue_indirect_dma source(%dma_start3A_708 : memref<1015808x32xf32, #tpu.memory_space<hbm>>) target(%dma_start3A_702 : memref<128x32xf32, #tpu.memory_space<vmem>>) offsets(%dma_start3A_705 : memref<128xi32, #tpu.memory_space<vmem>>) semaphore(%arg8 : memref<!tpu.dma_semaphore, #tpu.memory_space<semaphore_mem>>)
        %mul3A_709 = arith.constant 10 : i32
        %mul3A_710 = arith.muli %add3A_633, %mul3A_709 : i32
        %add3A_711 = arith.constant 5 : i32
        %add3A_712 = arith.addi %mul3A_710, %add3A_711 : i32
        %dma_start3A_713 = arith.constant 5 : i32
        %dma_start3A_714 = arith.constant 0 : i32
        %dma_start3A_715 = arith.constant 0 : i32
        %dma_start3A_716 = tpu.memref_slice %arg6[%dma_start3A_713, %dma_start3A_714, %dma_start3A_715] : memref<10x128x32xf32, #tpu.memory_space<vmem>> -> memref<1x128x32xf32, #tpu.memory_space<vmem>>
        %dma_start3A_717 = tpu.memref_squeeze %dma_start3A_716 : memref<1x128x32xf32, #tpu.memory_space<vmem>> -> memref<128x32xf32, #tpu.memory_space<vmem>>
        %dma_start3A_718 = arith.constant 0 : i32
        %dma_start3A_719 = tpu.memref_slice %arg5[%add3A_712, %dma_start3A_718] : memref<200x128xi32, #tpu.memory_space<vmem>> -> memref<1x128xi32, #tpu.memory_space<vmem>>
        %dma_start3A_720 = tpu.memref_squeeze %dma_start3A_719 : memref<1x128xi32, #tpu.memory_space<vmem>> -> memref<128xi32, #tpu.memory_space<vmem>>
        %dma_start3A_721 = arith.constant 0 : i32
        %dma_start3A_722 = arith.constant 0 : i32
        %dma_start3A_723 = tpu.memref_slice %arg3[%dma_start3A_721, %dma_start3A_722] : memref<1015808x32xf32, #tpu.memory_space<hbm>> -> memref<1015808x32xf32, #tpu.memory_space<hbm>>
        tpu.enqueue_indirect_dma source(%dma_start3A_723 : memref<1015808x32xf32, #tpu.memory_space<hbm>>) target(%dma_start3A_717 : memref<128x32xf32, #tpu.memory_space<vmem>>) offsets(%dma_start3A_720 : memref<128xi32, #tpu.memory_space<vmem>>) semaphore(%arg8 : memref<!tpu.dma_semaphore, #tpu.memory_space<semaphore_mem>>)
        %mul3A_724 = arith.constant 10 : i32
        %mul3A_725 = arith.muli %add3A_633, %mul3A_724 : i32
        %add3A_726 = arith.constant 6 : i32
        %add3A_727 = arith.addi %mul3A_725, %add3A_726 : i32
        %dma_start3A_728 = arith.constant 6 : i32
        %dma_start3A_729 = arith.constant 0 : i32
        %dma_start3A_730 = arith.constant 0 : i32
        %dma_start3A_731 = tpu.memref_slice %arg6[%dma_start3A_728, %dma_start3A_729, %dma_start3A_730] : memref<10x128x32xf32, #tpu.memory_space<vmem>> -> memref<1x128x32xf32, #tpu.memory_space<vmem>>
        %dma_start3A_732 = tpu.memref_squeeze %dma_start3A_731 : memref<1x128x32xf32, #tpu.memory_space<vmem>> -> memref<128x32xf32, #tpu.memory_space<vmem>>
        %dma_start3A_733 = arith.constant 0 : i32
        %dma_start3A_734 = tpu.memref_slice %arg5[%add3A_727, %dma_start3A_733] : memref<200x128xi32, #tpu.memory_space<vmem>> -> memref<1x128xi32, #tpu.memory_space<vmem>>
        %dma_start3A_735 = tpu.memref_squeeze %dma_start3A_734 : memref<1x128xi32, #tpu.memory_space<vmem>> -> memref<128xi32, #tpu.memory_space<vmem>>
        %dma_start3A_736 = arith.constant 0 : i32
        %dma_start3A_737 = arith.constant 0 : i32
        %dma_start3A_738 = tpu.memref_slice %arg3[%dma_start3A_736, %dma_start3A_737] : memref<1015808x32xf32, #tpu.memory_space<hbm>> -> memref<1015808x32xf32, #tpu.memory_space<hbm>>
        tpu.enqueue_indirect_dma source(%dma_start3A_738 : memref<1015808x32xf32, #tpu.memory_space<hbm>>) target(%dma_start3A_732 : memref<128x32xf32, #tpu.memory_space<vmem>>) offsets(%dma_start3A_735 : memref<128xi32, #tpu.memory_space<vmem>>) semaphore(%arg8 : memref<!tpu.dma_semaphore, #tpu.memory_space<semaphore_mem>>)
        %mul3A_739 = arith.constant 10 : i32
        %mul3A_740 = arith.muli %add3A_633, %mul3A_739 : i32
        %add3A_741 = arith.constant 7 : i32
        %add3A_742 = arith.addi %mul3A_740, %add3A_741 : i32
        %dma_start3A_743 = arith.constant 7 : i32
        %dma_start3A_744 = arith.constant 0 : i32
        %dma_start3A_745 = arith.constant 0 : i32
        %dma_start3A_746 = tpu.memref_slice %arg6[%dma_start3A_743, %dma_start3A_744, %dma_start3A_745] : memref<10x128x32xf32, #tpu.memory_space<vmem>> -> memref<1x128x32xf32, #tpu.memory_space<vmem>>
        %dma_start3A_747 = tpu.memref_squeeze %dma_start3A_746 : memref<1x128x32xf32, #tpu.memory_space<vmem>> -> memref<128x32xf32, #tpu.memory_space<vmem>>
        %dma_start3A_748 = arith.constant 0 : i32
        %dma_start3A_749 = tpu.memref_slice %arg5[%add3A_742, %dma_start3A_748] : memref<200x128xi32, #tpu.memory_space<vmem>> -> memref<1x128xi32, #tpu.memory_space<vmem>>
        %dma_start3A_750 = tpu.memref_squeeze %dma_start3A_749 : memref<1x128xi32, #tpu.memory_space<vmem>> -> memref<128xi32, #tpu.memory_space<vmem>>
        %dma_start3A_751 = arith.constant 0 : i32
        %dma_start3A_752 = arith.constant 0 : i32
        %dma_start3A_753 = tpu.memref_slice %arg3[%dma_start3A_751, %dma_start3A_752] : memref<1015808x32xf32, #tpu.memory_space<hbm>> -> memref<1015808x32xf32, #tpu.memory_space<hbm>>
        tpu.enqueue_indirect_dma source(%dma_start3A_753 : memref<1015808x32xf32, #tpu.memory_space<hbm>>) target(%dma_start3A_747 : memref<128x32xf32, #tpu.memory_space<vmem>>) offsets(%dma_start3A_750 : memref<128xi32, #tpu.memory_space<vmem>>) semaphore(%arg8 : memref<!tpu.dma_semaphore, #tpu.memory_space<semaphore_mem>>)
        %mul3A_754 = arith.constant 10 : i32
        %mul3A_755 = arith.muli %add3A_633, %mul3A_754 : i32
        %add3A_756 = arith.constant 8 : i32
        %add3A_757 = arith.addi %mul3A_755, %add3A_756 : i32
        %dma_start3A_758 = arith.constant 8 : i32
        %dma_start3A_759 = arith.constant 0 : i32
        %dma_start3A_760 = arith.constant 0 : i32
        %dma_start3A_761 = tpu.memref_slice %arg6[%dma_start3A_758, %dma_start3A_759, %dma_start3A_760] : memref<10x128x32xf32, #tpu.memory_space<vmem>> -> memref<1x128x32xf32, #tpu.memory_space<vmem>>
        %dma_start3A_762 = tpu.memref_squeeze %dma_start3A_761 : memref<1x128x32xf32, #tpu.memory_space<vmem>> -> memref<128x32xf32, #tpu.memory_space<vmem>>
        %dma_start3A_763 = arith.constant 0 : i32
        %dma_start3A_764 = tpu.memref_slice %arg5[%add3A_757, %dma_start3A_763] : memref<200x128xi32, #tpu.memory_space<vmem>> -> memref<1x128xi32, #tpu.memory_space<vmem>>
        %dma_start3A_765 = tpu.memref_squeeze %dma_start3A_764 : memref<1x128xi32, #tpu.memory_space<vmem>> -> memref<128xi32, #tpu.memory_space<vmem>>
        %dma_start3A_766 = arith.constant 0 : i32
        %dma_start3A_767 = arith.constant 0 : i32
        %dma_start3A_768 = tpu.memref_slice %arg3[%dma_start3A_766, %dma_start3A_767] : memref<1015808x32xf32, #tpu.memory_space<hbm>> -> memref<1015808x32xf32, #tpu.memory_space<hbm>>
        tpu.enqueue_indirect_dma source(%dma_start3A_768 : memref<1015808x32xf32, #tpu.memory_space<hbm>>) target(%dma_start3A_762 : memref<128x32xf32, #tpu.memory_space<vmem>>) offsets(%dma_start3A_765 : memref<128xi32, #tpu.memory_space<vmem>>) semaphore(%arg8 : memref<!tpu.dma_semaphore, #tpu.memory_space<semaphore_mem>>)
        %mul3A_769 = arith.constant 10 : i32
        %mul3A_770 = arith.muli %add3A_633, %mul3A_769 : i32
        %add3A_771 = arith.constant 9 : i32
        %add3A_772 = arith.addi %mul3A_770, %add3A_771 : i32
        %dma_start3A_773 = arith.constant 9 : i32
        %dma_start3A_774 = arith.constant 0 : i32
        %dma_start3A_775 = arith.constant 0 : i32
        %dma_start3A_776 = tpu.memref_slice %arg6[%dma_start3A_773, %dma_start3A_774, %dma_start3A_775] : memref<10x128x32xf32, #tpu.memory_space<vmem>> -> memref<1x128x32xf32, #tpu.memory_space<vmem>>
        %dma_start3A_777 = tpu.memref_squeeze %dma_start3A_776 : memref<1x128x32xf32, #tpu.memory_space<vmem>> -> memref<128x32xf32, #tpu.memory_space<vmem>>
        %dma_start3A_778 = arith.constant 0 : i32
        %dma_start3A_779 = tpu.memref_slice %arg5[%add3A_772, %dma_start3A_778] : memref<200x128xi32, #tpu.memory_space<vmem>> -> memref<1x128xi32, #tpu.memory_space<vmem>>
        %dma_start3A_780 = tpu.memref_squeeze %dma_start3A_779 : memref<1x128xi32, #tpu.memory_space<vmem>> -> memref<128xi32, #tpu.memory_space<vmem>>
        %dma_start3A_781 = arith.constant 0 : i32
        %dma_start3A_782 = arith.constant 0 : i32
        %dma_start3A_783 = tpu.memref_slice %arg3[%dma_start3A_781, %dma_start3A_782] : memref<1015808x32xf32, #tpu.memory_space<hbm>> -> memref<1015808x32xf32, #tpu.memory_space<hbm>>
        tpu.enqueue_indirect_dma source(%dma_start3A_783 : memref<1015808x32xf32, #tpu.memory_space<hbm>>) target(%dma_start3A_777 : memref<128x32xf32, #tpu.memory_space<vmem>>) offsets(%dma_start3A_780 : memref<128xi32, #tpu.memory_space<vmem>>) semaphore(%arg8 : memref<!tpu.dma_semaphore, #tpu.memory_space<semaphore_mem>>)
      } else {
      }
      %add3A_449 = arith.constant 1 : i32
      %add3A_450 = arith.addi %mul3A_275, %add3A_449 : i32
      %mul3A_451 = arith.constant 10 : i32
      %mul3A_452 = arith.muli %add3A_450, %mul3A_451 : i32
      %add3A_453 = arith.constant 0 : i32
      %add3A_454 = arith.addi %mul3A_452, %add3A_453 : i32
      %dma_wait3A_455 = arith.constant 0 : i32
      %dma_wait3A_456 = arith.constant 0 : i32
      %dma_wait3A_457 = arith.constant 0 : i32
      %dma_wait3A_458 = tpu.memref_slice %arg7[%dma_wait3A_455, %dma_wait3A_456, %dma_wait3A_457] : memref<10x128x32xf32, #tpu.memory_space<vmem>> -> memref<1x128x32xf32, #tpu.memory_space<vmem>>
      %dma_wait3A_459 = tpu.memref_squeeze %dma_wait3A_458 : memref<1x128x32xf32, #tpu.memory_space<vmem>> -> memref<128x32xf32, #tpu.memory_space<vmem>>
      %dma_wait3A_460 = arith.constant 0 : i32
      %dma_wait3A_461 = tpu.memref_slice %arg5[%add3A_454, %dma_wait3A_460] : memref<200x128xi32, #tpu.memory_space<vmem>> -> memref<1x128xi32, #tpu.memory_space<vmem>>
      %dma_wait3A_462 = tpu.memref_squeeze %dma_wait3A_461 : memref<1x128xi32, #tpu.memory_space<vmem>> -> memref<128xi32, #tpu.memory_space<vmem>>
      %dma_wait3A_463 = arith.constant 0 : i32
      %dma_wait3A_464 = arith.constant 0 : i32
      %dma_wait3A_465 = tpu.memref_slice %arg3[%dma_wait3A_463, %dma_wait3A_464] : memref<1015808x32xf32, #tpu.memory_space<hbm>> -> memref<1015808x32xf32, #tpu.memory_space<hbm>>
      tpu.wait_indirect_dma semaphore(%arg9 : memref<!tpu.dma_semaphore, #tpu.memory_space<semaphore_mem>>) src(%dma_wait3A_465 : memref<1015808x32xf32, #tpu.memory_space<hbm>>) dst(%dma_wait3A_459 : memref<128x32xf32, #tpu.memory_space<vmem>>)
      %mul3A_466 = arith.constant 10 : i32
      %mul3A_467 = arith.muli %add3A_450, %mul3A_466 : i32
      %add3A_468 = arith.constant 1 : i32
      %add3A_469 = arith.addi %mul3A_467, %add3A_468 : i32
      %dma_wait3A_470 = arith.constant 1 : i32
      %dma_wait3A_471 = arith.constant 0 : i32
      %dma_wait3A_472 = arith.constant 0 : i32
      %dma_wait3A_473 = tpu.memref_slice %arg7[%dma_wait3A_470, %dma_wait3A_471, %dma_wait3A_472] : memref<10x128x32xf32, #tpu.memory_space<vmem>> -> memref<1x128x32xf32, #tpu.memory_space<vmem>>
      %dma_wait3A_474 = tpu.memref_squeeze %dma_wait3A_473 : memref<1x128x32xf32, #tpu.memory_space<vmem>> -> memref<128x32xf32, #tpu.memory_space<vmem>>
      %dma_wait3A_475 = arith.constant 0 : i32
      %dma_wait3A_476 = tpu.memref_slice %arg5[%add3A_469, %dma_wait3A_475] : memref<200x128xi32, #tpu.memory_space<vmem>> -> memref<1x128xi32, #tpu.memory_space<vmem>>
      %dma_wait3A_477 = tpu.memref_squeeze %dma_wait3A_476 : memref<1x128xi32, #tpu.memory_space<vmem>> -> memref<128xi32, #tpu.memory_space<vmem>>
      %dma_wait3A_478 = arith.constant 0 : i32
      %dma_wait3A_479 = arith.constant 0 : i32
      %dma_wait3A_480 = tpu.memref_slice %arg3[%dma_wait3A_478, %dma_wait3A_479] : memref<1015808x32xf32, #tpu.memory_space<hbm>> -> memref<1015808x32xf32, #tpu.memory_space<hbm>>
      tpu.wait_indirect_dma semaphore(%arg9 : memref<!tpu.dma_semaphore, #tpu.memory_space<semaphore_mem>>) src(%dma_wait3A_480 : memref<1015808x32xf32, #tpu.memory_space<hbm>>) dst(%dma_wait3A_474 : memref<128x32xf32, #tpu.memory_space<vmem>>)
      %mul3A_481 = arith.constant 10 : i32
      %mul3A_482 = arith.muli %add3A_450, %mul3A_481 : i32
      %add3A_483 = arith.constant 2 : i32
      %add3A_484 = arith.addi %mul3A_482, %add3A_483 : i32
      %dma_wait3A_485 = arith.constant 2 : i32
      %dma_wait3A_486 = arith.constant 0 : i32
      %dma_wait3A_487 = arith.constant 0 : i32
      %dma_wait3A_488 = tpu.memref_slice %arg7[%dma_wait3A_485, %dma_wait3A_486, %dma_wait3A_487] : memref<10x128x32xf32, #tpu.memory_space<vmem>> -> memref<1x128x32xf32, #tpu.memory_space<vmem>>
      %dma_wait3A_489 = tpu.memref_squeeze %dma_wait3A_488 : memref<1x128x32xf32, #tpu.memory_space<vmem>> -> memref<128x32xf32, #tpu.memory_space<vmem>>
      %dma_wait3A_490 = arith.constant 0 : i32
      %dma_wait3A_491 = tpu.memref_slice %arg5[%add3A_484, %dma_wait3A_490] : memref<200x128xi32, #tpu.memory_space<vmem>> -> memref<1x128xi32, #tpu.memory_space<vmem>>
      %dma_wait3A_492 = tpu.memref_squeeze %dma_wait3A_491 : memref<1x128xi32, #tpu.memory_space<vmem>> -> memref<128xi32, #tpu.memory_space<vmem>>
      %dma_wait3A_493 = arith.constant 0 : i32
      %dma_wait3A_494 = arith.constant 0 : i32
      %dma_wait3A_495 = tpu.memref_slice %arg3[%dma_wait3A_493, %dma_wait3A_494] : memref<1015808x32xf32, #tpu.memory_space<hbm>> -> memref<1015808x32xf32, #tpu.memory_space<hbm>>
      tpu.wait_indirect_dma semaphore(%arg9 : memref<!tpu.dma_semaphore, #tpu.memory_space<semaphore_mem>>) src(%dma_wait3A_495 : memref<1015808x32xf32, #tpu.memory_space<hbm>>) dst(%dma_wait3A_489 : memref<128x32xf32, #tpu.memory_space<vmem>>)
      %mul3A_496 = arith.constant 10 : i32
      %mul3A_497 = arith.muli %add3A_450, %mul3A_496 : i32
      %add3A_498 = arith.constant 3 : i32
      %add3A_499 = arith.addi %mul3A_497, %add3A_498 : i32
      %dma_wait3A_500 = arith.constant 3 : i32
      %dma_wait3A_501 = arith.constant 0 : i32
      %dma_wait3A_502 = arith.constant 0 : i32
      %dma_wait3A_503 = tpu.memref_slice %arg7[%dma_wait3A_500, %dma_wait3A_501, %dma_wait3A_502] : memref<10x128x32xf32, #tpu.memory_space<vmem>> -> memref<1x128x32xf32, #tpu.memory_space<vmem>>
      %dma_wait3A_504 = tpu.memref_squeeze %dma_wait3A_503 : memref<1x128x32xf32, #tpu.memory_space<vmem>> -> memref<128x32xf32, #tpu.memory_space<vmem>>
      %dma_wait3A_505 = arith.constant 0 : i32
      %dma_wait3A_506 = tpu.memref_slice %arg5[%add3A_499, %dma_wait3A_505] : memref<200x128xi32, #tpu.memory_space<vmem>> -> memref<1x128xi32, #tpu.memory_space<vmem>>
      %dma_wait3A_507 = tpu.memref_squeeze %dma_wait3A_506 : memref<1x128xi32, #tpu.memory_space<vmem>> -> memref<128xi32, #tpu.memory_space<vmem>>
      %dma_wait3A_508 = arith.constant 0 : i32
      %dma_wait3A_509 = arith.constant 0 : i32
      %dma_wait3A_510 = tpu.memref_slice %arg3[%dma_wait3A_508, %dma_wait3A_509] : memref<1015808x32xf32, #tpu.memory_space<hbm>> -> memref<1015808x32xf32, #tpu.memory_space<hbm>>
      tpu.wait_indirect_dma semaphore(%arg9 : memref<!tpu.dma_semaphore, #tpu.memory_space<semaphore_mem>>) src(%dma_wait3A_510 : memref<1015808x32xf32, #tpu.memory_space<hbm>>) dst(%dma_wait3A_504 : memref<128x32xf32, #tpu.memory_space<vmem>>)
      %mul3A_511 = arith.constant 10 : i32
      %mul3A_512 = arith.muli %add3A_450, %mul3A_511 : i32
      %add3A_513 = arith.constant 4 : i32
      %add3A_514 = arith.addi %mul3A_512, %add3A_513 : i32
      %dma_wait3A_515 = arith.constant 4 : i32
      %dma_wait3A_516 = arith.constant 0 : i32
      %dma_wait3A_517 = arith.constant 0 : i32
      %dma_wait3A_518 = tpu.memref_slice %arg7[%dma_wait3A_515, %dma_wait3A_516, %dma_wait3A_517] : memref<10x128x32xf32, #tpu.memory_space<vmem>> -> memref<1x128x32xf32, #tpu.memory_space<vmem>>
      %dma_wait3A_519 = tpu.memref_squeeze %dma_wait3A_518 : memref<1x128x32xf32, #tpu.memory_space<vmem>> -> memref<128x32xf32, #tpu.memory_space<vmem>>
      %dma_wait3A_520 = arith.constant 0 : i32
      %dma_wait3A_521 = tpu.memref_slice %arg5[%add3A_514, %dma_wait3A_520] : memref<200x128xi32, #tpu.memory_space<vmem>> -> memref<1x128xi32, #tpu.memory_space<vmem>>
      %dma_wait3A_522 = tpu.memref_squeeze %dma_wait3A_521 : memref<1x128xi32, #tpu.memory_space<vmem>> -> memref<128xi32, #tpu.memory_space<vmem>>
      %dma_wait3A_523 = arith.constant 0 : i32
      %dma_wait3A_524 = arith.constant 0 : i32
      %dma_wait3A_525 = tpu.memref_slice %arg3[%dma_wait3A_523, %dma_wait3A_524] : memref<1015808x32xf32, #tpu.memory_space<hbm>> -> memref<1015808x32xf32, #tpu.memory_space<hbm>>
      tpu.wait_indirect_dma semaphore(%arg9 : memref<!tpu.dma_semaphore, #tpu.memory_space<semaphore_mem>>) src(%dma_wait3A_525 : memref<1015808x32xf32, #tpu.memory_space<hbm>>) dst(%dma_wait3A_519 : memref<128x32xf32, #tpu.memory_space<vmem>>)
      %mul3A_526 = arith.constant 10 : i32
      %mul3A_527 = arith.muli %add3A_450, %mul3A_526 : i32
      %add3A_528 = arith.constant 5 : i32
      %add3A_529 = arith.addi %mul3A_527, %add3A_528 : i32
      %dma_wait3A_530 = arith.constant 5 : i32
      %dma_wait3A_531 = arith.constant 0 : i32
      %dma_wait3A_532 = arith.constant 0 : i32
      %dma_wait3A_533 = tpu.memref_slice %arg7[%dma_wait3A_530, %dma_wait3A_531, %dma_wait3A_532] : memref<10x128x32xf32, #tpu.memory_space<vmem>> -> memref<1x128x32xf32, #tpu.memory_space<vmem>>
      %dma_wait3A_534 = tpu.memref_squeeze %dma_wait3A_533 : memref<1x128x32xf32, #tpu.memory_space<vmem>> -> memref<128x32xf32, #tpu.memory_space<vmem>>
      %dma_wait3A_535 = arith.constant 0 : i32
      %dma_wait3A_536 = tpu.memref_slice %arg5[%add3A_529, %dma_wait3A_535] : memref<200x128xi32, #tpu.memory_space<vmem>> -> memref<1x128xi32, #tpu.memory_space<vmem>>
      %dma_wait3A_537 = tpu.memref_squeeze %dma_wait3A_536 : memref<1x128xi32, #tpu.memory_space<vmem>> -> memref<128xi32, #tpu.memory_space<vmem>>
      %dma_wait3A_538 = arith.constant 0 : i32
      %dma_wait3A_539 = arith.constant 0 : i32
      %dma_wait3A_540 = tpu.memref_slice %arg3[%dma_wait3A_538, %dma_wait3A_539] : memref<1015808x32xf32, #tpu.memory_space<hbm>> -> memref<1015808x32xf32, #tpu.memory_space<hbm>>
      tpu.wait_indirect_dma semaphore(%arg9 : memref<!tpu.dma_semaphore, #tpu.memory_space<semaphore_mem>>) src(%dma_wait3A_540 : memref<1015808x32xf32, #tpu.memory_space<hbm>>) dst(%dma_wait3A_534 : memref<128x32xf32, #tpu.memory_space<vmem>>)
      %mul3A_541 = arith.constant 10 : i32
      %mul3A_542 = arith.muli %add3A_450, %mul3A_541 : i32
      %add3A_543 = arith.constant 6 : i32
      %add3A_544 = arith.addi %mul3A_542, %add3A_543 : i32
      %dma_wait3A_545 = arith.constant 6 : i32
      %dma_wait3A_546 = arith.constant 0 : i32
      %dma_wait3A_547 = arith.constant 0 : i32
      %dma_wait3A_548 = tpu.memref_slice %arg7[%dma_wait3A_545, %dma_wait3A_546, %dma_wait3A_547] : memref<10x128x32xf32, #tpu.memory_space<vmem>> -> memref<1x128x32xf32, #tpu.memory_space<vmem>>
      %dma_wait3A_549 = tpu.memref_squeeze %dma_wait3A_548 : memref<1x128x32xf32, #tpu.memory_space<vmem>> -> memref<128x32xf32, #tpu.memory_space<vmem>>
      %dma_wait3A_550 = arith.constant 0 : i32
      %dma_wait3A_551 = tpu.memref_slice %arg5[%add3A_544, %dma_wait3A_550] : memref<200x128xi32, #tpu.memory_space<vmem>> -> memref<1x128xi32, #tpu.memory_space<vmem>>
      %dma_wait3A_552 = tpu.memref_squeeze %dma_wait3A_551 : memref<1x128xi32, #tpu.memory_space<vmem>> -> memref<128xi32, #tpu.memory_space<vmem>>
      %dma_wait3A_553 = arith.constant 0 : i32
      %dma_wait3A_554 = arith.constant 0 : i32
      %dma_wait3A_555 = tpu.memref_slice %arg3[%dma_wait3A_553, %dma_wait3A_554] : memref<1015808x32xf32, #tpu.memory_space<hbm>> -> memref<1015808x32xf32, #tpu.memory_space<hbm>>
      tpu.wait_indirect_dma semaphore(%arg9 : memref<!tpu.dma_semaphore, #tpu.memory_space<semaphore_mem>>) src(%dma_wait3A_555 : memref<1015808x32xf32, #tpu.memory_space<hbm>>) dst(%dma_wait3A_549 : memref<128x32xf32, #tpu.memory_space<vmem>>)
      %mul3A_556 = arith.constant 10 : i32
      %mul3A_557 = arith.muli %add3A_450, %mul3A_556 : i32
      %add3A_558 = arith.constant 7 : i32
      %add3A_559 = arith.addi %mul3A_557, %add3A_558 : i32
      %dma_wait3A_560 = arith.constant 7 : i32
      %dma_wait3A_561 = arith.constant 0 : i32
      %dma_wait3A_562 = arith.constant 0 : i32
      %dma_wait3A_563 = tpu.memref_slice %arg7[%dma_wait3A_560, %dma_wait3A_561, %dma_wait3A_562] : memref<10x128x32xf32, #tpu.memory_space<vmem>> -> memref<1x128x32xf32, #tpu.memory_space<vmem>>
      %dma_wait3A_564 = tpu.memref_squeeze %dma_wait3A_563 : memref<1x128x32xf32, #tpu.memory_space<vmem>> -> memref<128x32xf32, #tpu.memory_space<vmem>>
      %dma_wait3A_565 = arith.constant 0 : i32
      %dma_wait3A_566 = tpu.memref_slice %arg5[%add3A_559, %dma_wait3A_565] : memref<200x128xi32, #tpu.memory_space<vmem>> -> memref<1x128xi32, #tpu.memory_space<vmem>>
      %dma_wait3A_567 = tpu.memref_squeeze %dma_wait3A_566 : memref<1x128xi32, #tpu.memory_space<vmem>> -> memref<128xi32, #tpu.memory_space<vmem>>
      %dma_wait3A_568 = arith.constant 0 : i32
      %dma_wait3A_569 = arith.constant 0 : i32
      %dma_wait3A_570 = tpu.memref_slice %arg3[%dma_wait3A_568, %dma_wait3A_569] : memref<1015808x32xf32, #tpu.memory_space<hbm>> -> memref<1015808x32xf32, #tpu.memory_space<hbm>>
      tpu.wait_indirect_dma semaphore(%arg9 : memref<!tpu.dma_semaphore, #tpu.memory_space<semaphore_mem>>) src(%dma_wait3A_570 : memref<1015808x32xf32, #tpu.memory_space<hbm>>) dst(%dma_wait3A_564 : memref<128x32xf32, #tpu.memory_space<vmem>>)
      %mul3A_571 = arith.constant 10 : i32
      %mul3A_572 = arith.muli %add3A_450, %mul3A_571 : i32
      %add3A_573 = arith.constant 8 : i32
      %add3A_574 = arith.addi %mul3A_572, %add3A_573 : i32
      %dma_wait3A_575 = arith.constant 8 : i32
      %dma_wait3A_576 = arith.constant 0 : i32
      %dma_wait3A_577 = arith.constant 0 : i32
      %dma_wait3A_578 = tpu.memref_slice %arg7[%dma_wait3A_575, %dma_wait3A_576, %dma_wait3A_577] : memref<10x128x32xf32, #tpu.memory_space<vmem>> -> memref<1x128x32xf32, #tpu.memory_space<vmem>>
      %dma_wait3A_579 = tpu.memref_squeeze %dma_wait3A_578 : memref<1x128x32xf32, #tpu.memory_space<vmem>> -> memref<128x32xf32, #tpu.memory_space<vmem>>
      %dma_wait3A_580 = arith.constant 0 : i32
      %dma_wait3A_581 = tpu.memref_slice %arg5[%add3A_574, %dma_wait3A_580] : memref<200x128xi32, #tpu.memory_space<vmem>> -> memref<1x128xi32, #tpu.memory_space<vmem>>
      %dma_wait3A_582 = tpu.memref_squeeze %dma_wait3A_581 : memref<1x128xi32, #tpu.memory_space<vmem>> -> memref<128xi32, #tpu.memory_space<vmem>>
      %dma_wait3A_583 = arith.constant 0 : i32
      %dma_wait3A_584 = arith.constant 0 : i32
      %dma_wait3A_585 = tpu.memref_slice %arg3[%dma_wait3A_583, %dma_wait3A_584] : memref<1015808x32xf32, #tpu.memory_space<hbm>> -> memref<1015808x32xf32, #tpu.memory_space<hbm>>
      tpu.wait_indirect_dma semaphore(%arg9 : memref<!tpu.dma_semaphore, #tpu.memory_space<semaphore_mem>>) src(%dma_wait3A_585 : memref<1015808x32xf32, #tpu.memory_space<hbm>>) dst(%dma_wait3A_579 : memref<128x32xf32, #tpu.memory_space<vmem>>)
      %mul3A_586 = arith.constant 10 : i32
      %mul3A_587 = arith.muli %add3A_450, %mul3A_586 : i32
      %add3A_588 = arith.constant 9 : i32
      %add3A_589 = arith.addi %mul3A_587, %add3A_588 : i32
      %dma_wait3A_590 = arith.constant 9 : i32
      %dma_wait3A_591 = arith.constant 0 : i32
      %dma_wait3A_592 = arith.constant 0 : i32
      %dma_wait3A_593 = tpu.memref_slice %arg7[%dma_wait3A_590, %dma_wait3A_591, %dma_wait3A_592] : memref<10x128x32xf32, #tpu.memory_space<vmem>> -> memref<1x128x32xf32, #tpu.memory_space<vmem>>
      %dma_wait3A_594 = tpu.memref_squeeze %dma_wait3A_593 : memref<1x128x32xf32, #tpu.memory_space<vmem>> -> memref<128x32xf32, #tpu.memory_space<vmem>>
      %dma_wait3A_595 = arith.constant 0 : i32
      %dma_wait3A_596 = tpu.memref_slice %arg5[%add3A_589, %dma_wait3A_595] : memref<200x128xi32, #tpu.memory_space<vmem>> -> memref<1x128xi32, #tpu.memory_space<vmem>>
      %dma_wait3A_597 = tpu.memref_squeeze %dma_wait3A_596 : memref<1x128xi32, #tpu.memory_space<vmem>> -> memref<128xi32, #tpu.memory_space<vmem>>
      %dma_wait3A_598 = arith.constant 0 : i32
      %dma_wait3A_599 = arith.constant 0 : i32
      %dma_wait3A_600 = tpu.memref_slice %arg3[%dma_wait3A_598, %dma_wait3A_599] : memref<1015808x32xf32, #tpu.memory_space<hbm>> -> memref<1015808x32xf32, #tpu.memory_space<hbm>>
      tpu.wait_indirect_dma semaphore(%arg9 : memref<!tpu.dma_semaphore, #tpu.memory_space<semaphore_mem>>) src(%dma_wait3A_600 : memref<1015808x32xf32, #tpu.memory_space<hbm>>) dst(%dma_wait3A_594 : memref<128x32xf32, #tpu.memory_space<vmem>>)
      %add3A_601 = arith.constant 1 : i32
      %add3A_602 = arith.addi %mul3A_275, %add3A_601 : i32
      %mul3A_603 = arith.constant 10 : i32
      %mul3A_604 = arith.muli %add3A_602, %mul3A_603 : i32
      %dma_start3A_605 = arith.constant 0 : i32
      %dma_start3A_606 = arith.constant 0 : i32
      %dma_start3A_607 = tpu.memref_slice %arg4[%mul3A_604, %select_n3A, %dma_start3A_605, %rem3A_20, %dma_start3A_606] : memref<200x8x128x4x32xf32, #tpu.memory_space<hbm>> -> memref<10x1x128x1x32xf32, #tpu.memory_space<hbm>>
      %dma_start3A_608 = tpu.memref_squeeze %dma_start3A_607 : memref<10x1x128x1x32xf32, #tpu.memory_space<hbm>> -> memref<10x128x32xf32, #tpu.memory_space<hbm>>
      %dma_start3A_609 = arith.constant 0 : i32
      %dma_start3A_610 = arith.constant 0 : i32
      %dma_start3A_611 = tpu.memref_slice %arg4[%mul3A_604, %select_n3A, %dma_start3A_609, %rem3A_20, %dma_start3A_610] : memref<200x8x128x4x32xf32, #tpu.memory_space<hbm>> -> memref<10x1x128x1x32xf32, #tpu.memory_space<hbm>>
      %dma_start3A_612 = tpu.memref_squeeze %dma_start3A_611 : memref<10x1x128x1x32xf32, #tpu.memory_space<hbm>> -> memref<10x128x32xf32, #tpu.memory_space<hbm>>
      tpu.enqueue_dma source(%arg7 : memref<10x128x32xf32, #tpu.memory_space<vmem>>) target(%dma_start3A_612 : memref<10x128x32xf32, #tpu.memory_space<hbm>>) target_semaphore(%arg11 : memref<!tpu.dma_semaphore, #tpu.memory_space<semaphore_mem>>)
      %add3A_613 = arith.constant 1 : i32
      %add3A_614 = arith.addi %mul3A_275, %add3A_613 : i32
      %mul3A_615 = arith.constant 10 : i32
      %mul3A_616 = arith.muli %add3A_614, %mul3A_615 : i32
      %dma_wait3A_617 = arith.constant 0 : i32
      %dma_wait3A_618 = arith.constant 0 : i32
      %dma_wait3A_619 = tpu.memref_slice %arg4[%mul3A_616, %select_n3A, %dma_wait3A_617, %rem3A_20, %dma_wait3A_618] : memref<200x8x128x4x32xf32, #tpu.memory_space<hbm>> -> memref<10x1x128x1x32xf32, #tpu.memory_space<hbm>>
      %dma_wait3A_620 = tpu.memref_squeeze %dma_wait3A_619 : memref<10x1x128x1x32xf32, #tpu.memory_space<hbm>> -> memref<10x128x32xf32, #tpu.memory_space<hbm>>
      %dma_wait3A_621 = arith.constant 0 : i32
      %dma_wait3A_622 = arith.constant 0 : i32
      %dma_wait3A_623 = tpu.memref_slice %arg4[%mul3A_616, %select_n3A, %dma_wait3A_621, %rem3A_20, %dma_wait3A_622] : memref<200x8x128x4x32xf32, #tpu.memory_space<hbm>> -> memref<10x1x128x1x32xf32, #tpu.memory_space<hbm>>
      %dma_wait3A_624 = tpu.memref_squeeze %dma_wait3A_623 : memref<10x1x128x1x32xf32, #tpu.memory_space<hbm>> -> memref<10x128x32xf32, #tpu.memory_space<hbm>>
      tpu.wait_dma2 semaphore(%arg11 : memref<!tpu.dma_semaphore, #tpu.memory_space<semaphore_mem>>) src(%arg7 : memref<10x128x32xf32, #tpu.memory_space<vmem>>) dst(%dma_wait3A_624 : memref<10x128x32xf32, #tpu.memory_space<hbm>>)
      %add3A_625 = arith.constant 3 : i32
      %add3A_626 = arith.addi %mul3A_275, %add3A_625 : i32
      %lt3A_627 = arith.constant 20 : i32
      %lt3A_628 = arith.cmpi slt, %add3A_626, %lt3A_627 : i32
      %convert_element_type3A_629 = arith.extui %lt3A_628 : i1 to i32
      %cond3A_630 = arith.constant 0 : i32
      %cond3A_631 = arith.cmpi ne, %convert_element_type3A_629, %cond3A_630 : i32
      scf.if %cond3A_631 {
        %add3A_632 = arith.constant 3 : i32
        %add3A_633 = arith.addi %mul3A_275, %add3A_632 : i32
        %mul3A_634 = arith.constant 10 : i32
        %mul3A_635 = arith.muli %add3A_633, %mul3A_634 : i32
        %add3A_636 = arith.constant 0 : i32
        %add3A_637 = arith.addi %mul3A_635, %add3A_636 : i32
        %dma_start3A_638 = arith.constant 0 : i32
        %dma_start3A_639 = arith.constant 0 : i32
        %dma_start3A_640 = arith.constant 0 : i32
        %dma_start3A_641 = tpu.memref_slice %arg7[%dma_start3A_638, %dma_start3A_639, %dma_start3A_640] : memref<10x128x32xf32, #tpu.memory_space<vmem>> -> memref<1x128x32xf32, #tpu.memory_space<vmem>>
        %dma_start3A_642 = tpu.memref_squeeze %dma_start3A_641 : memref<1x128x32xf32, #tpu.memory_space<vmem>> -> memref<128x32xf32, #tpu.memory_space<vmem>>
        %dma_start3A_643 = arith.constant 0 : i32
        %dma_start3A_644 = tpu.memref_slice %arg5[%add3A_637, %dma_start3A_643] : memref<200x128xi32, #tpu.memory_space<vmem>> -> memref<1x128xi32, #tpu.memory_space<vmem>>
        %dma_start3A_645 = tpu.memref_squeeze %dma_start3A_644 : memref<1x128xi32, #tpu.memory_space<vmem>> -> memref<128xi32, #tpu.memory_space<vmem>>
        %dma_start3A_646 = arith.constant 0 : i32
        %dma_start3A_647 = arith.constant 0 : i32
        %dma_start3A_648 = tpu.memref_slice %arg3[%dma_start3A_646, %dma_start3A_647] : memref<1015808x32xf32, #tpu.memory_space<hbm>> -> memref<1015808x32xf32, #tpu.memory_space<hbm>>
        tpu.enqueue_indirect_dma source(%dma_start3A_648 : memref<1015808x32xf32, #tpu.memory_space<hbm>>) target(%dma_start3A_642 : memref<128x32xf32, #tpu.memory_space<vmem>>) offsets(%dma_start3A_645 : memref<128xi32, #tpu.memory_space<vmem>>) semaphore(%arg9 : memref<!tpu.dma_semaphore, #tpu.memory_space<semaphore_mem>>)
        %mul3A_649 = arith.constant 10 : i32
        %mul3A_650 = arith.muli %add3A_633, %mul3A_649 : i32
        %add3A_651 = arith.constant 1 : i32
        %add3A_652 = arith.addi %mul3A_650, %add3A_651 : i32
        %dma_start3A_653 = arith.constant 1 : i32
        %dma_start3A_654 = arith.constant 0 : i32
        %dma_start3A_655 = arith.constant 0 : i32
        %dma_start3A_656 = tpu.memref_slice %arg7[%dma_start3A_653, %dma_start3A_654, %dma_start3A_655] : memref<10x128x32xf32, #tpu.memory_space<vmem>> -> memref<1x128x32xf32, #tpu.memory_space<vmem>>
        %dma_start3A_657 = tpu.memref_squeeze %dma_start3A_656 : memref<1x128x32xf32, #tpu.memory_space<vmem>> -> memref<128x32xf32, #tpu.memory_space<vmem>>
        %dma_start3A_658 = arith.constant 0 : i32
        %dma_start3A_659 = tpu.memref_slice %arg5[%add3A_652, %dma_start3A_658] : memref<200x128xi32, #tpu.memory_space<vmem>> -> memref<1x128xi32, #tpu.memory_space<vmem>>
        %dma_start3A_660 = tpu.memref_squeeze %dma_start3A_659 : memref<1x128xi32, #tpu.memory_space<vmem>> -> memref<128xi32, #tpu.memory_space<vmem>>
        %dma_start3A_661 = arith.constant 0 : i32
        %dma_start3A_662 = arith.constant 0 : i32
        %dma_start3A_663 = tpu.memref_slice %arg3[%dma_start3A_661, %dma_start3A_662] : memref<1015808x32xf32, #tpu.memory_space<hbm>> -> memref<1015808x32xf32, #tpu.memory_space<hbm>>
        tpu.enqueue_indirect_dma source(%dma_start3A_663 : memref<1015808x32xf32, #tpu.memory_space<hbm>>) target(%dma_start3A_657 : memref<128x32xf32, #tpu.memory_space<vmem>>) offsets(%dma_start3A_660 : memref<128xi32, #tpu.memory_space<vmem>>) semaphore(%arg9 : memref<!tpu.dma_semaphore, #tpu.memory_space<semaphore_mem>>)
        %mul3A_664 = arith.constant 10 : i32
        %mul3A_665 = arith.muli %add3A_633, %mul3A_664 : i32
        %add3A_666 = arith.constant 2 : i32
        %add3A_667 = arith.addi %mul3A_665, %add3A_666 : i32
        %dma_start3A_668 = arith.constant 2 : i32
        %dma_start3A_669 = arith.constant 0 : i32
        %dma_start3A_670 = arith.constant 0 : i32
        %dma_start3A_671 = tpu.memref_slice %arg7[%dma_start3A_668, %dma_start3A_669, %dma_start3A_670] : memref<10x128x32xf32, #tpu.memory_space<vmem>> -> memref<1x128x32xf32, #tpu.memory_space<vmem>>
        %dma_start3A_672 = tpu.memref_squeeze %dma_start3A_671 : memref<1x128x32xf32, #tpu.memory_space<vmem>> -> memref<128x32xf32, #tpu.memory_space<vmem>>
        %dma_start3A_673 = arith.constant 0 : i32
        %dma_start3A_674 = tpu.memref_slice %arg5[%add3A_667, %dma_start3A_673] : memref<200x128xi32, #tpu.memory_space<vmem>> -> memref<1x128xi32, #tpu.memory_space<vmem>>
        %dma_start3A_675 = tpu.memref_squeeze %dma_start3A_674 : memref<1x128xi32, #tpu.memory_space<vmem>> -> memref<128xi32, #tpu.memory_space<vmem>>
        %dma_start3A_676 = arith.constant 0 : i32
        %dma_start3A_677 = arith.constant 0 : i32
        %dma_start3A_678 = tpu.memref_slice %arg3[%dma_start3A_676, %dma_start3A_677] : memref<1015808x32xf32, #tpu.memory_space<hbm>> -> memref<1015808x32xf32, #tpu.memory_space<hbm>>
        tpu.enqueue_indirect_dma source(%dma_start3A_678 : memref<1015808x32xf32, #tpu.memory_space<hbm>>) target(%dma_start3A_672 : memref<128x32xf32, #tpu.memory_space<vmem>>) offsets(%dma_start3A_675 : memref<128xi32, #tpu.memory_space<vmem>>) semaphore(%arg9 : memref<!tpu.dma_semaphore, #tpu.memory_space<semaphore_mem>>)
        %mul3A_679 = arith.constant 10 : i32
        %mul3A_680 = arith.muli %add3A_633, %mul3A_679 : i32
        %add3A_681 = arith.constant 3 : i32
        %add3A_682 = arith.addi %mul3A_680, %add3A_681 : i32
        %dma_start3A_683 = arith.constant 3 : i32
        %dma_start3A_684 = arith.constant 0 : i32
        %dma_start3A_685 = arith.constant 0 : i32
        %dma_start3A_686 = tpu.memref_slice %arg7[%dma_start3A_683, %dma_start3A_684, %dma_start3A_685] : memref<10x128x32xf32, #tpu.memory_space<vmem>> -> memref<1x128x32xf32, #tpu.memory_space<vmem>>
        %dma_start3A_687 = tpu.memref_squeeze %dma_start3A_686 : memref<1x128x32xf32, #tpu.memory_space<vmem>> -> memref<128x32xf32, #tpu.memory_space<vmem>>
        %dma_start3A_688 = arith.constant 0 : i32
        %dma_start3A_689 = tpu.memref_slice %arg5[%add3A_682, %dma_start3A_688] : memref<200x128xi32, #tpu.memory_space<vmem>> -> memref<1x128xi32, #tpu.memory_space<vmem>>
        %dma_start3A_690 = tpu.memref_squeeze %dma_start3A_689 : memref<1x128xi32, #tpu.memory_space<vmem>> -> memref<128xi32, #tpu.memory_space<vmem>>
        %dma_start3A_691 = arith.constant 0 : i32
        %dma_start3A_692 = arith.constant 0 : i32
        %dma_start3A_693 = tpu.memref_slice %arg3[%dma_start3A_691, %dma_start3A_692] : memref<1015808x32xf32, #tpu.memory_space<hbm>> -> memref<1015808x32xf32, #tpu.memory_space<hbm>>
        tpu.enqueue_indirect_dma source(%dma_start3A_693 : memref<1015808x32xf32, #tpu.memory_space<hbm>>) target(%dma_start3A_687 : memref<128x32xf32, #tpu.memory_space<vmem>>) offsets(%dma_start3A_690 : memref<128xi32, #tpu.memory_space<vmem>>) semaphore(%arg9 : memref<!tpu.dma_semaphore, #tpu.memory_space<semaphore_mem>>)
        %mul3A_694 = arith.constant 10 : i32
        %mul3A_695 = arith.muli %add3A_633, %mul3A_694 : i32
        %add3A_696 = arith.constant 4 : i32
        %add3A_697 = arith.addi %mul3A_695, %add3A_696 : i32
        %dma_start3A_698 = arith.constant 4 : i32
        %dma_start3A_699 = arith.constant 0 : i32
        %dma_start3A_700 = arith.constant 0 : i32
        %dma_start3A_701 = tpu.memref_slice %arg7[%dma_start3A_698, %dma_start3A_699, %dma_start3A_700] : memref<10x128x32xf32, #tpu.memory_space<vmem>> -> memref<1x128x32xf32, #tpu.memory_space<vmem>>
        %dma_start3A_702 = tpu.memref_squeeze %dma_start3A_701 : memref<1x128x32xf32, #tpu.memory_space<vmem>> -> memref<128x32xf32, #tpu.memory_space<vmem>>
        %dma_start3A_703 = arith.constant 0 : i32
        %dma_start3A_704 = tpu.memref_slice %arg5[%add3A_697, %dma_start3A_703] : memref<200x128xi32, #tpu.memory_space<vmem>> -> memref<1x128xi32, #tpu.memory_space<vmem>>
        %dma_start3A_705 = tpu.memref_squeeze %dma_start3A_704 : memref<1x128xi32, #tpu.memory_space<vmem>> -> memref<128xi32, #tpu.memory_space<vmem>>
        %dma_start3A_706 = arith.constant 0 : i32
        %dma_start3A_707 = arith.constant 0 : i32
        %dma_start3A_708 = tpu.memref_slice %arg3[%dma_start3A_706, %dma_start3A_707] : memref<1015808x32xf32, #tpu.memory_space<hbm>> -> memref<1015808x32xf32, #tpu.memory_space<hbm>>
        tpu.enqueue_indirect_dma source(%dma_start3A_708 : memref<1015808x32xf32, #tpu.memory_space<hbm>>) target(%dma_start3A_702 : memref<128x32xf32, #tpu.memory_space<vmem>>) offsets(%dma_start3A_705 : memref<128xi32, #tpu.memory_space<vmem>>) semaphore(%arg9 : memref<!tpu.dma_semaphore, #tpu.memory_space<semaphore_mem>>)
        %mul3A_709 = arith.constant 10 : i32
        %mul3A_710 = arith.muli %add3A_633, %mul3A_709 : i32
        %add3A_711 = arith.constant 5 : i32
        %add3A_712 = arith.addi %mul3A_710, %add3A_711 : i32
        %dma_start3A_713 = arith.constant 5 : i32
        %dma_start3A_714 = arith.constant 0 : i32
        %dma_start3A_715 = arith.constant 0 : i32
        %dma_start3A_716 = tpu.memref_slice %arg7[%dma_start3A_713, %dma_start3A_714, %dma_start3A_715] : memref<10x128x32xf32, #tpu.memory_space<vmem>> -> memref<1x128x32xf32, #tpu.memory_space<vmem>>
        %dma_start3A_717 = tpu.memref_squeeze %dma_start3A_716 : memref<1x128x32xf32, #tpu.memory_space<vmem>> -> memref<128x32xf32, #tpu.memory_space<vmem>>
        %dma_start3A_718 = arith.constant 0 : i32
        %dma_start3A_719 = tpu.memref_slice %arg5[%add3A_712, %dma_start3A_718] : memref<200x128xi32, #tpu.memory_space<vmem>> -> memref<1x128xi32, #tpu.memory_space<vmem>>
        %dma_start3A_720 = tpu.memref_squeeze %dma_start3A_719 : memref<1x128xi32, #tpu.memory_space<vmem>> -> memref<128xi32, #tpu.memory_space<vmem>>
        %dma_start3A_721 = arith.constant 0 : i32
        %dma_start3A_722 = arith.constant 0 : i32
        %dma_start3A_723 = tpu.memref_slice %arg3[%dma_start3A_721, %dma_start3A_722] : memref<1015808x32xf32, #tpu.memory_space<hbm>> -> memref<1015808x32xf32, #tpu.memory_space<hbm>>
        tpu.enqueue_indirect_dma source(%dma_start3A_723 : memref<1015808x32xf32, #tpu.memory_space<hbm>>) target(%dma_start3A_717 : memref<128x32xf32, #tpu.memory_space<vmem>>) offsets(%dma_start3A_720 : memref<128xi32, #tpu.memory_space<vmem>>) semaphore(%arg9 : memref<!tpu.dma_semaphore, #tpu.memory_space<semaphore_mem>>)
        %mul3A_724 = arith.constant 10 : i32
        %mul3A_725 = arith.muli %add3A_633, %mul3A_724 : i32
        %add3A_726 = arith.constant 6 : i32
        %add3A_727 = arith.addi %mul3A_725, %add3A_726 : i32
        %dma_start3A_728 = arith.constant 6 : i32
        %dma_start3A_729 = arith.constant 0 : i32
        %dma_start3A_730 = arith.constant 0 : i32
        %dma_start3A_731 = tpu.memref_slice %arg7[%dma_start3A_728, %dma_start3A_729, %dma_start3A_730] : memref<10x128x32xf32, #tpu.memory_space<vmem>> -> memref<1x128x32xf32, #tpu.memory_space<vmem>>
        %dma_start3A_732 = tpu.memref_squeeze %dma_start3A_731 : memref<1x128x32xf32, #tpu.memory_space<vmem>> -> memref<128x32xf32, #tpu.memory_space<vmem>>
        %dma_start3A_733 = arith.constant 0 : i32
        %dma_start3A_734 = tpu.memref_slice %arg5[%add3A_727, %dma_start3A_733] : memref<200x128xi32, #tpu.memory_space<vmem>> -> memref<1x128xi32, #tpu.memory_space<vmem>>
        %dma_start3A_735 = tpu.memref_squeeze %dma_start3A_734 : memref<1x128xi32, #tpu.memory_space<vmem>> -> memref<128xi32, #tpu.memory_space<vmem>>
        %dma_start3A_736 = arith.constant 0 : i32
        %dma_start3A_737 = arith.constant 0 : i32
        %dma_start3A_738 = tpu.memref_slice %arg3[%dma_start3A_736, %dma_start3A_737] : memref<1015808x32xf32, #tpu.memory_space<hbm>> -> memref<1015808x32xf32, #tpu.memory_space<hbm>>
        tpu.enqueue_indirect_dma source(%dma_start3A_738 : memref<1015808x32xf32, #tpu.memory_space<hbm>>) target(%dma_start3A_732 : memref<128x32xf32, #tpu.memory_space<vmem>>) offsets(%dma_start3A_735 : memref<128xi32, #tpu.memory_space<vmem>>) semaphore(%arg9 : memref<!tpu.dma_semaphore, #tpu.memory_space<semaphore_mem>>)
        %mul3A_739 = arith.constant 10 : i32
        %mul3A_740 = arith.muli %add3A_633, %mul3A_739 : i32
        %add3A_741 = arith.constant 7 : i32
        %add3A_742 = arith.addi %mul3A_740, %add3A_741 : i32
        %dma_start3A_743 = arith.constant 7 : i32
        %dma_start3A_744 = arith.constant 0 : i32
        %dma_start3A_745 = arith.constant 0 : i32
        %dma_start3A_746 = tpu.memref_slice %arg7[%dma_start3A_743, %dma_start3A_744, %dma_start3A_745] : memref<10x128x32xf32, #tpu.memory_space<vmem>> -> memref<1x128x32xf32, #tpu.memory_space<vmem>>
        %dma_start3A_747 = tpu.memref_squeeze %dma_start3A_746 : memref<1x128x32xf32, #tpu.memory_space<vmem>> -> memref<128x32xf32, #tpu.memory_space<vmem>>
        %dma_start3A_748 = arith.constant 0 : i32
        %dma_start3A_749 = tpu.memref_slice %arg5[%add3A_742, %dma_start3A_748] : memref<200x128xi32, #tpu.memory_space<vmem>> -> memref<1x128xi32, #tpu.memory_space<vmem>>
        %dma_start3A_750 = tpu.memref_squeeze %dma_start3A_749 : memref<1x128xi32, #tpu.memory_space<vmem>> -> memref<128xi32, #tpu.memory_space<vmem>>
        %dma_start3A_751 = arith.constant 0 : i32
        %dma_start3A_752 = arith.constant 0 : i32
        %dma_start3A_753 = tpu.memref_slice %arg3[%dma_start3A_751, %dma_start3A_752] : memref<1015808x32xf32, #tpu.memory_space<hbm>> -> memref<1015808x32xf32, #tpu.memory_space<hbm>>
        tpu.enqueue_indirect_dma source(%dma_start3A_753 : memref<1015808x32xf32, #tpu.memory_space<hbm>>) target(%dma_start3A_747 : memref<128x32xf32, #tpu.memory_space<vmem>>) offsets(%dma_start3A_750 : memref<128xi32, #tpu.memory_space<vmem>>) semaphore(%arg9 : memref<!tpu.dma_semaphore, #tpu.memory_space<semaphore_mem>>)
        %mul3A_754 = arith.constant 10 : i32
        %mul3A_755 = arith.muli %add3A_633, %mul3A_754 : i32
        %add3A_756 = arith.constant 8 : i32
        %add3A_757 = arith.addi %mul3A_755, %add3A_756 : i32
        %dma_start3A_758 = arith.constant 8 : i32
        %dma_start3A_759 = arith.constant 0 : i32
        %dma_start3A_760 = arith.constant 0 : i32
        %dma_start3A_761 = tpu.memref_slice %arg7[%dma_start3A_758, %dma_start3A_759, %dma_start3A_760] : memref<10x128x32xf32, #tpu.memory_space<vmem>> -> memref<1x128x32xf32, #tpu.memory_space<vmem>>
        %dma_start3A_762 = tpu.memref_squeeze %dma_start3A_761 : memref<1x128x32xf32, #tpu.memory_space<vmem>> -> memref<128x32xf32, #tpu.memory_space<vmem>>
        %dma_start3A_763 = arith.constant 0 : i32
        %dma_start3A_764 = tpu.memref_slice %arg5[%add3A_757, %dma_start3A_763] : memref<200x128xi32, #tpu.memory_space<vmem>> -> memref<1x128xi32, #tpu.memory_space<vmem>>
        %dma_start3A_765 = tpu.memref_squeeze %dma_start3A_764 : memref<1x128xi32, #tpu.memory_space<vmem>> -> memref<128xi32, #tpu.memory_space<vmem>>
        %dma_start3A_766 = arith.constant 0 : i32
        %dma_start3A_767 = arith.constant 0 : i32
        %dma_start3A_768 = tpu.memref_slice %arg3[%dma_start3A_766, %dma_start3A_767] : memref<1015808x32xf32, #tpu.memory_space<hbm>> -> memref<1015808x32xf32, #tpu.memory_space<hbm>>
        tpu.enqueue_indirect_dma source(%dma_start3A_768 : memref<1015808x32xf32, #tpu.memory_space<hbm>>) target(%dma_start3A_762 : memref<128x32xf32, #tpu.memory_space<vmem>>) offsets(%dma_start3A_765 : memref<128xi32, #tpu.memory_space<vmem>>) semaphore(%arg9 : memref<!tpu.dma_semaphore, #tpu.memory_space<semaphore_mem>>)
        %mul3A_769 = arith.constant 10 : i32
        %mul3A_770 = arith.muli %add3A_633, %mul3A_769 : i32
        %add3A_771 = arith.constant 9 : i32
        %add3A_772 = arith.addi %mul3A_770, %add3A_771 : i32
        %dma_start3A_773 = arith.constant 9 : i32
        %dma_start3A_774 = arith.constant 0 : i32
        %dma_start3A_775 = arith.constant 0 : i32
        %dma_start3A_776 = tpu.memref_slice %arg7[%dma_start3A_773, %dma_start3A_774, %dma_start3A_775] : memref<10x128x32xf32, #tpu.memory_space<vmem>> -> memref<1x128x32xf32, #tpu.memory_space<vmem>>
        %dma_start3A_777 = tpu.memref_squeeze %dma_start3A_776 : memref<1x128x32xf32, #tpu.memory_space<vmem>> -> memref<128x32xf32, #tpu.memory_space<vmem>>
        %dma_start3A_778 = arith.constant 0 : i32
        %dma_start3A_779 = tpu.memref_slice %arg5[%add3A_772, %dma_start3A_778] : memref<200x128xi32, #tpu.memory_space<vmem>> -> memref<1x128xi32, #tpu.memory_space<vmem>>
        %dma_start3A_780 = tpu.memref_squeeze %dma_start3A_779 : memref<1x128xi32, #tpu.memory_space<vmem>> -> memref<128xi32, #tpu.memory_space<vmem>>
        %dma_start3A_781 = arith.constant 0 : i32
        %dma_start3A_782 = arith.constant 0 : i32
        %dma_start3A_783 = tpu.memref_slice %arg3[%dma_start3A_781, %dma_start3A_782] : memref<1015808x32xf32, #tpu.memory_space<hbm>> -> memref<1015808x32xf32, #tpu.memory_space<hbm>>
        tpu.enqueue_indirect_dma source(%dma_start3A_783 : memref<1015808x32xf32, #tpu.memory_space<hbm>>) target(%dma_start3A_777 : memref<128x32xf32, #tpu.memory_space<vmem>>) offsets(%dma_start3A_780 : memref<128xi32, #tpu.memory_space<vmem>>) semaphore(%arg9 : memref<!tpu.dma_semaphore, #tpu.memory_space<semaphore_mem>>)
      } else {
      }
    }
    %scan3A_268 = arith.constant 10 : i32
    return
  }
}

module attributes {stable_mosaic.version = 14 : i64} {
  func.func @_pre_body(%arg0: i32, %arg1: memref<32x32768xf32, #tpu.memory_space<vmem>>, %arg2: memref<8192x128xf32, #tpu.memory_space<vmem>>) attributes {dimension_semantics = [#tpu.dimension_semantics<arbitrary>], iteration_bounds = array<i64: 31>, scalar_prefetch = 0 : i64, scratch_operands = 0 : i64, tpu.core_type = #tpu.core_type<tc>, window_params = [{transform_indices = @transform_0, window_bounds = array<i64: 32, 32768>}, {transform_indices = @transform_1, window_bounds = array<i64: 8192, 128>}]} {
    %get3A = arith.constant 0 : index
    %get3A_0 = arith.constant 0 : index
    %get3A_1 = vector.load %arg1[%get3A, %get3A_0] : memref<32x32768xf32, #tpu.memory_space<vmem>>, vector<32x32768xf32>
    %slice3A = vector.extract_strided_slice %get3A_1 {offsets = [0, 0], sizes = [32, 8192], strides = [1, 1]} : vector<32x32768xf32> to vector<32x8192xf32>
    %slice3A_2 = vector.extract_strided_slice %slice3A {offsets = [0, 0], sizes = [32, 2048], strides = [1, 1]} : vector<32x8192xf32> to vector<32x2048xf32>
    %slice3A_3 = vector.extract_strided_slice %slice3A {offsets = [0, 2048], sizes = [32, 2048], strides = [1, 1]} : vector<32x8192xf32> to vector<32x2048xf32>
    %slice3A_4 = vector.extract_strided_slice %slice3A {offsets = [0, 4096], sizes = [32, 2048], strides = [1, 1]} : vector<32x8192xf32> to vector<32x2048xf32>
    %slice3A_5 = vector.extract_strided_slice %slice3A {offsets = [0, 6144], sizes = [32, 2048], strides = [1, 1]} : vector<32x8192xf32> to vector<32x2048xf32>
    %concatenate3A = tpu.concatenate %slice3A_2, %slice3A_3, %slice3A_4, %slice3A_5 in 0 : vector<32x2048xf32>, vector<32x2048xf32>, vector<32x2048xf32>, vector<32x2048xf32> -> vector<128x2048xf32>
    %transpose3A = tpu.transpose %concatenate3A, [1, 0] : vector<128x2048xf32> -> vector<2048x128xf32>
    %slice3A_6 = vector.extract_strided_slice %get3A_1 {offsets = [0, 8192], sizes = [32, 8192], strides = [1, 1]} : vector<32x32768xf32> to vector<32x8192xf32>
    %slice3A_7 = vector.extract_strided_slice %slice3A_6 {offsets = [0, 0], sizes = [32, 2048], strides = [1, 1]} : vector<32x8192xf32> to vector<32x2048xf32>
    %slice3A_8 = vector.extract_strided_slice %slice3A_6 {offsets = [0, 2048], sizes = [32, 2048], strides = [1, 1]} : vector<32x8192xf32> to vector<32x2048xf32>
    %slice3A_9 = vector.extract_strided_slice %slice3A_6 {offsets = [0, 4096], sizes = [32, 2048], strides = [1, 1]} : vector<32x8192xf32> to vector<32x2048xf32>
    %slice3A_10 = vector.extract_strided_slice %slice3A_6 {offsets = [0, 6144], sizes = [32, 2048], strides = [1, 1]} : vector<32x8192xf32> to vector<32x2048xf32>
    %concatenate3A_11 = tpu.concatenate %slice3A_7, %slice3A_8, %slice3A_9, %slice3A_10 in 0 : vector<32x2048xf32>, vector<32x2048xf32>, vector<32x2048xf32>, vector<32x2048xf32> -> vector<128x2048xf32>
    %transpose3A_12 = tpu.transpose %concatenate3A_11, [1, 0] : vector<128x2048xf32> -> vector<2048x128xf32>
    %slice3A_13 = vector.extract_strided_slice %get3A_1 {offsets = [0, 16384], sizes = [32, 8192], strides = [1, 1]} : vector<32x32768xf32> to vector<32x8192xf32>
    %slice3A_14 = vector.extract_strided_slice %slice3A_13 {offsets = [0, 0], sizes = [32, 2048], strides = [1, 1]} : vector<32x8192xf32> to vector<32x2048xf32>
    %slice3A_15 = vector.extract_strided_slice %slice3A_13 {offsets = [0, 2048], sizes = [32, 2048], strides = [1, 1]} : vector<32x8192xf32> to vector<32x2048xf32>
    %slice3A_16 = vector.extract_strided_slice %slice3A_13 {offsets = [0, 4096], sizes = [32, 2048], strides = [1, 1]} : vector<32x8192xf32> to vector<32x2048xf32>
    %slice3A_17 = vector.extract_strided_slice %slice3A_13 {offsets = [0, 6144], sizes = [32, 2048], strides = [1, 1]} : vector<32x8192xf32> to vector<32x2048xf32>
    %concatenate3A_18 = tpu.concatenate %slice3A_14, %slice3A_15, %slice3A_16, %slice3A_17 in 0 : vector<32x2048xf32>, vector<32x2048xf32>, vector<32x2048xf32>, vector<32x2048xf32> -> vector<128x2048xf32>
    %transpose3A_19 = tpu.transpose %concatenate3A_18, [1, 0] : vector<128x2048xf32> -> vector<2048x128xf32>
    %slice3A_20 = vector.extract_strided_slice %get3A_1 {offsets = [0, 24576], sizes = [32, 8192], strides = [1, 1]} : vector<32x32768xf32> to vector<32x8192xf32>
    %slice3A_21 = vector.extract_strided_slice %slice3A_20 {offsets = [0, 0], sizes = [32, 2048], strides = [1, 1]} : vector<32x8192xf32> to vector<32x2048xf32>
    %slice3A_22 = vector.extract_strided_slice %slice3A_20 {offsets = [0, 2048], sizes = [32, 2048], strides = [1, 1]} : vector<32x8192xf32> to vector<32x2048xf32>
    %slice3A_23 = vector.extract_strided_slice %slice3A_20 {offsets = [0, 4096], sizes = [32, 2048], strides = [1, 1]} : vector<32x8192xf32> to vector<32x2048xf32>
    %slice3A_24 = vector.extract_strided_slice %slice3A_20 {offsets = [0, 6144], sizes = [32, 2048], strides = [1, 1]} : vector<32x8192xf32> to vector<32x2048xf32>
    %concatenate3A_25 = tpu.concatenate %slice3A_21, %slice3A_22, %slice3A_23, %slice3A_24 in 0 : vector<32x2048xf32>, vector<32x2048xf32>, vector<32x2048xf32>, vector<32x2048xf32> -> vector<128x2048xf32>
    %transpose3A_26 = tpu.transpose %concatenate3A_25, [1, 0] : vector<128x2048xf32> -> vector<2048x128xf32>
    %concatenate3A_27 = tpu.concatenate %transpose3A, %transpose3A_12, %transpose3A_19, %transpose3A_26 in 0 : vector<2048x128xf32>, vector<2048x128xf32>, vector<2048x128xf32>, vector<2048x128xf32> -> vector<8192x128xf32>
    %swap3A = arith.constant 0 : index
    %swap3A_28 = arith.constant 0 : index
    %swap3A_29 = vector.load %arg2[%swap3A, %swap3A_28] : memref<8192x128xf32, #tpu.memory_space<vmem>>, vector<8192x128xf32>
    tpu.vector_store %arg2[%swap3A, %swap3A_28], %concatenate3A_27 {strides = array<i32>} : memref<8192x128xf32, #tpu.memory_space<vmem>>, vector<8192x128xf32>,
    return
  }
  func.func @transform_0(%arg0: i32) -> (i32, i32) {
    %c0_i32 = arith.constant 0 : i32
    %c0_i32_0 = arith.constant 0 : i32
    return %c0_i32, %arg0 : i32, i32
  }
  func.func @transform_1(%arg0: i32) -> (i32, i32) {
    %c0_i32 = arith.constant 0 : i32
    %c0_i32_0 = arith.constant 0 : i32
    return %arg0, %c0_i32 : i32, i32
  }
}

module attributes {stable_mosaic.version = 14 : i64} {
  func.func @_post_body(%arg0: i32, %arg1: memref<8192x128xf32, #tpu.memory_space<vmem>>, %arg2: memref<8x32x4096xf32, #tpu.memory_space<vmem>>) attributes {dimension_semantics = [#tpu.dimension_semantics<arbitrary>], iteration_bounds = array<i64: 25>, scalar_prefetch = 0 : i64, scratch_operands = 0 : i64, tpu.core_type = #tpu.core_type<tc>, window_params = [{transform_indices = @transform_0, window_bounds = array<i64: 8192, 128>}, {transform_indices = @transform_1, window_bounds = array<i64: 8, 32, 4096>}]} {
    %get3A = arith.constant 0 : index
    %get3A_0 = arith.constant 0 : index
    %get3A_1 = vector.load %arg1[%get3A, %get3A_0] : memref<8192x128xf32, #tpu.memory_space<vmem>>, vector<8192x128xf32>
    %transpose3A = tpu.transpose %get3A_1, [1, 0] : vector<8192x128xf32> -> vector<128x8192xf32>
    %slice3A = vector.extract_strided_slice %transpose3A {offsets = [0, 0], sizes = [32, 128], strides = [1, 1]} : vector<128x8192xf32> to vector<32x128xf32>
    %slice3A_2 = vector.extract_strided_slice %transpose3A {offsets = [32, 0], sizes = [32, 128], strides = [1, 1]} : vector<128x8192xf32> to vector<32x128xf32>
    %slice3A_3 = vector.extract_strided_slice %transpose3A {offsets = [64, 0], sizes = [32, 128], strides = [1, 1]} : vector<128x8192xf32> to vector<32x128xf32>
    %slice3A_4 = vector.extract_strided_slice %transpose3A {offsets = [96, 0], sizes = [32, 128], strides = [1, 1]} : vector<128x8192xf32> to vector<32x128xf32>
    %slice3A_5 = vector.extract_strided_slice %transpose3A {offsets = [0, 128], sizes = [32, 128], strides = [1, 1]} : vector<128x8192xf32> to vector<32x128xf32>
    %slice3A_6 = vector.extract_strided_slice %transpose3A {offsets = [32, 128], sizes = [32, 128], strides = [1, 1]} : vector<128x8192xf32> to vector<32x128xf32>
    %slice3A_7 = vector.extract_strided_slice %transpose3A {offsets = [64, 128], sizes = [32, 128], strides = [1, 1]} : vector<128x8192xf32> to vector<32x128xf32>
    %slice3A_8 = vector.extract_strided_slice %transpose3A {offsets = [96, 128], sizes = [32, 128], strides = [1, 1]} : vector<128x8192xf32> to vector<32x128xf32>
    %slice3A_9 = vector.extract_strided_slice %transpose3A {offsets = [0, 256], sizes = [32, 128], strides = [1, 1]} : vector<128x8192xf32> to vector<32x128xf32>
    %slice3A_10 = vector.extract_strided_slice %transpose3A {offsets = [32, 256], sizes = [32, 128], strides = [1, 1]} : vector<128x8192xf32> to vector<32x128xf32>
    %slice3A_11 = vector.extract_strided_slice %transpose3A {offsets = [64, 256], sizes = [32, 128], strides = [1, 1]} : vector<128x8192xf32> to vector<32x128xf32>
    %slice3A_12 = vector.extract_strided_slice %transpose3A {offsets = [96, 256], sizes = [32, 128], strides = [1, 1]} : vector<128x8192xf32> to vector<32x128xf32>
    %slice3A_13 = vector.extract_strided_slice %transpose3A {offsets = [0, 384], sizes = [32, 128], strides = [1, 1]} : vector<128x8192xf32> to vector<32x128xf32>
    %slice3A_14 = vector.extract_strided_slice %transpose3A {offsets = [32, 384], sizes = [32, 128], strides = [1, 1]} : vector<128x8192xf32> to vector<32x128xf32>
    %slice3A_15 = vector.extract_strided_slice %transpose3A {offsets = [64, 384], sizes = [32, 128], strides = [1, 1]} : vector<128x8192xf32> to vector<32x128xf32>
    %slice3A_16 = vector.extract_strided_slice %transpose3A {offsets = [96, 384], sizes = [32, 128], strides = [1, 1]} : vector<128x8192xf32> to vector<32x128xf32>
    %slice3A_17 = vector.extract_strided_slice %transpose3A {offsets = [0, 512], sizes = [32, 128], strides = [1, 1]} : vector<128x8192xf32> to vector<32x128xf32>
    %slice3A_18 = vector.extract_strided_slice %transpose3A {offsets = [32, 512], sizes = [32, 128], strides = [1, 1]} : vector<128x8192xf32> to vector<32x128xf32>
    %slice3A_19 = vector.extract_strided_slice %transpose3A {offsets = [64, 512], sizes = [32, 128], strides = [1, 1]} : vector<128x8192xf32> to vector<32x128xf32>
    %slice3A_20 = vector.extract_strided_slice %transpose3A {offsets = [96, 512], sizes = [32, 128], strides = [1, 1]} : vector<128x8192xf32> to vector<32x128xf32>
    %slice3A_21 = vector.extract_strided_slice %transpose3A {offsets = [0, 640], sizes = [32, 128], strides = [1, 1]} : vector<128x8192xf32> to vector<32x128xf32>
    %slice3A_22 = vector.extract_strided_slice %transpose3A {offsets = [32, 640], sizes = [32, 128], strides = [1, 1]} : vector<128x8192xf32> to vector<32x128xf32>
    %slice3A_23 = vector.extract_strided_slice %transpose3A {offsets = [64, 640], sizes = [32, 128], strides = [1, 1]} : vector<128x8192xf32> to vector<32x128xf32>
    %slice3A_24 = vector.extract_strided_slice %transpose3A {offsets = [96, 640], sizes = [32, 128], strides = [1, 1]} : vector<128x8192xf32> to vector<32x128xf32>
    %slice3A_25 = vector.extract_strided_slice %transpose3A {offsets = [0, 768], sizes = [32, 128], strides = [1, 1]} : vector<128x8192xf32> to vector<32x128xf32>
    %slice3A_26 = vector.extract_strided_slice %transpose3A {offsets = [32, 768], sizes = [32, 128], strides = [1, 1]} : vector<128x8192xf32> to vector<32x128xf32>
    %slice3A_27 = vector.extract_strided_slice %transpose3A {offsets = [64, 768], sizes = [32, 128], strides = [1, 1]} : vector<128x8192xf32> to vector<32x128xf32>
    %slice3A_28 = vector.extract_strided_slice %transpose3A {offsets = [96, 768], sizes = [32, 128], strides = [1, 1]} : vector<128x8192xf32> to vector<32x128xf32>
    %slice3A_29 = vector.extract_strided_slice %transpose3A {offsets = [0, 896], sizes = [32, 128], strides = [1, 1]} : vector<128x8192xf32> to vector<32x128xf32>
    %slice3A_30 = vector.extract_strided_slice %transpose3A {offsets = [32, 896], sizes = [32, 128], strides = [1, 1]} : vector<128x8192xf32> to vector<32x128xf32>
    %slice3A_31 = vector.extract_strided_slice %transpose3A {offsets = [64, 896], sizes = [32, 128], strides = [1, 1]} : vector<128x8192xf32> to vector<32x128xf32>
    %slice3A_32 = vector.extract_strided_slice %transpose3A {offsets = [96, 896], sizes = [32, 128], strides = [1, 1]} : vector<128x8192xf32> to vector<32x128xf32>
    %concatenate3A = tpu.concatenate %slice3A, %slice3A_2, %slice3A_3, %slice3A_4, %slice3A_5, %slice3A_6, %slice3A_7, %slice3A_8, %slice3A_9, %slice3A_10, %slice3A_11, %slice3A_12, %slice3A_13, %slice3A_14, %slice3A_15, %slice3A_16, %slice3A_17, %slice3A_18, %slice3A_19, %slice3A_20, %slice3A_21, %slice3A_22, %slice3A_23, %slice3A_24, %slice3A_25, %slice3A_26, %slice3A_27, %slice3A_28, %slice3A_29, %slice3A_30, %slice3A_31, %slice3A_32 in 1 : vector<32x128xf32>, vector<32x128xf32>, vector<32x128xf32>, vector<32x128xf32>, vector<32x128xf32>, vector<32x128xf32>, vector<32x128xf32>, vector<32x128xf32>, vector<32x128xf32>, vector<32x128xf32>, vector<32x128xf32>, vector<32x128xf32>, vector<32x128xf32>, vector<32x128xf32>, vector<32x128xf32>, vector<32x128xf32>, vector<32x128xf32>, vector<32x128xf32>, vector<32x128xf32>, vector<32x128xf32>, vector<32x128xf32>, vector<32x128xf32>, vector<32x128xf32>, vector<32x128xf32>, vector<32x128xf32>, vector<32x128xf32>, vector<32x128xf32>, vector<32x128xf32>, vector<32x128xf32>, vector<32x128xf32>, vector<32x128xf32>, vector<32x128xf32> -> vector<32x4096xf32>
    %swap3A = arith.constant 0 : index
    %swap3A_33 = arith.constant 0 : index
    %swap3A_34 = arith.constant 0 : index
    %swap3A_35 = vector.load %arg2[%swap3A, %swap3A_33, %swap3A_34] : memref<8x32x4096xf32, #tpu.memory_space<vmem>>, vector<1x32x4096xf32>
    %swap3A_36 = vector.shape_cast %swap3A_35 : vector<1x32x4096xf32> to vector<32x4096xf32>
    %swap3A_37 = vector.shape_cast %concatenate3A : vector<32x4096xf32> to vector<1x32x4096xf32>
    tpu.vector_store %arg2[%swap3A, %swap3A_33, %swap3A_34], %swap3A_37 {strides = array<i32>} : memref<8x32x4096xf32, #tpu.memory_space<vmem>>, vector<1x32x4096xf32>,
    %slice3A_38 = vector.extract_strided_slice %transpose3A {offsets = [0, 1024], sizes = [32, 128], strides = [1, 1]} : vector<128x8192xf32> to vector<32x128xf32>
    %slice3A_39 = vector.extract_strided_slice %transpose3A {offsets = [32, 1024], sizes = [32, 128], strides = [1, 1]} : vector<128x8192xf32> to vector<32x128xf32>
    %slice3A_40 = vector.extract_strided_slice %transpose3A {offsets = [64, 1024], sizes = [32, 128], strides = [1, 1]} : vector<128x8192xf32> to vector<32x128xf32>
    %slice3A_41 = vector.extract_strided_slice %transpose3A {offsets = [96, 1024], sizes = [32, 128], strides = [1, 1]} : vector<128x8192xf32> to vector<32x128xf32>
    %slice3A_42 = vector.extract_strided_slice %transpose3A {offsets = [0, 1152], sizes = [32, 128], strides = [1, 1]} : vector<128x8192xf32> to vector<32x128xf32>
    %slice3A_43 = vector.extract_strided_slice %transpose3A {offsets = [32, 1152], sizes = [32, 128], strides = [1, 1]} : vector<128x8192xf32> to vector<32x128xf32>
    %slice3A_44 = vector.extract_strided_slice %transpose3A {offsets = [64, 1152], sizes = [32, 128], strides = [1, 1]} : vector<128x8192xf32> to vector<32x128xf32>
    %slice3A_45 = vector.extract_strided_slice %transpose3A {offsets = [96, 1152], sizes = [32, 128], strides = [1, 1]} : vector<128x8192xf32> to vector<32x128xf32>
    %slice3A_46 = vector.extract_strided_slice %transpose3A {offsets = [0, 1280], sizes = [32, 128], strides = [1, 1]} : vector<128x8192xf32> to vector<32x128xf32>
    %slice3A_47 = vector.extract_strided_slice %transpose3A {offsets = [32, 1280], sizes = [32, 128], strides = [1, 1]} : vector<128x8192xf32> to vector<32x128xf32>
    %slice3A_48 = vector.extract_strided_slice %transpose3A {offsets = [64, 1280], sizes = [32, 128], strides = [1, 1]} : vector<128x8192xf32> to vector<32x128xf32>
    %slice3A_49 = vector.extract_strided_slice %transpose3A {offsets = [96, 1280], sizes = [32, 128], strides = [1, 1]} : vector<128x8192xf32> to vector<32x128xf32>
    %slice3A_50 = vector.extract_strided_slice %transpose3A {offsets = [0, 1408], sizes = [32, 128], strides = [1, 1]} : vector<128x8192xf32> to vector<32x128xf32>
    %slice3A_51 = vector.extract_strided_slice %transpose3A {offsets = [32, 1408], sizes = [32, 128], strides = [1, 1]} : vector<128x8192xf32> to vector<32x128xf32>
    %slice3A_52 = vector.extract_strided_slice %transpose3A {offsets = [64, 1408], sizes = [32, 128], strides = [1, 1]} : vector<128x8192xf32> to vector<32x128xf32>
    %slice3A_53 = vector.extract_strided_slice %transpose3A {offsets = [96, 1408], sizes = [32, 128], strides = [1, 1]} : vector<128x8192xf32> to vector<32x128xf32>
    %slice3A_54 = vector.extract_strided_slice %transpose3A {offsets = [0, 1536], sizes = [32, 128], strides = [1, 1]} : vector<128x8192xf32> to vector<32x128xf32>
    %slice3A_55 = vector.extract_strided_slice %transpose3A {offsets = [32, 1536], sizes = [32, 128], strides = [1, 1]} : vector<128x8192xf32> to vector<32x128xf32>
    %slice3A_56 = vector.extract_strided_slice %transpose3A {offsets = [64, 1536], sizes = [32, 128], strides = [1, 1]} : vector<128x8192xf32> to vector<32x128xf32>
    %slice3A_57 = vector.extract_strided_slice %transpose3A {offsets = [96, 1536], sizes = [32, 128], strides = [1, 1]} : vector<128x8192xf32> to vector<32x128xf32>
    %slice3A_58 = vector.extract_strided_slice %transpose3A {offsets = [0, 1664], sizes = [32, 128], strides = [1, 1]} : vector<128x8192xf32> to vector<32x128xf32>
    %slice3A_59 = vector.extract_strided_slice %transpose3A {offsets = [32, 1664], sizes = [32, 128], strides = [1, 1]} : vector<128x8192xf32> to vector<32x128xf32>
    %slice3A_60 = vector.extract_strided_slice %transpose3A {offsets = [64, 1664], sizes = [32, 128], strides = [1, 1]} : vector<128x8192xf32> to vector<32x128xf32>
    %slice3A_61 = vector.extract_strided_slice %transpose3A {offsets = [96, 1664], sizes = [32, 128], strides = [1, 1]} : vector<128x8192xf32> to vector<32x128xf32>
    %slice3A_62 = vector.extract_strided_slice %transpose3A {offsets = [0, 1792], sizes = [32, 128], strides = [1, 1]} : vector<128x8192xf32> to vector<32x128xf32>
    %slice3A_63 = vector.extract_strided_slice %transpose3A {offsets = [32, 1792], sizes = [32, 128], strides = [1, 1]} : vector<128x8192xf32> to vector<32x128xf32>
    %slice3A_64 = vector.extract_strided_slice %transpose3A {offsets = [64, 1792], sizes = [32, 128], strides = [1, 1]} : vector<128x8192xf32> to vector<32x128xf32>
    %slice3A_65 = vector.extract_strided_slice %transpose3A {offsets = [96, 1792], sizes = [32, 128], strides = [1, 1]} : vector<128x8192xf32> to vector<32x128xf32>
    %slice3A_66 = vector.extract_strided_slice %transpose3A {offsets = [0, 1920], sizes = [32, 128], strides = [1, 1]} : vector<128x8192xf32> to vector<32x128xf32>
    %slice3A_67 = vector.extract_strided_slice %transpose3A {offsets = [32, 1920], sizes = [32, 128], strides = [1, 1]} : vector<128x8192xf32> to vector<32x128xf32>
    %slice3A_68 = vector.extract_strided_slice %transpose3A {offsets = [64, 1920], sizes = [32, 128], strides = [1, 1]} : vector<128x8192xf32> to vector<32x128xf32>
    %slice3A_69 = vector.extract_strided_slice %transpose3A {offsets = [96, 1920], sizes = [32, 128], strides = [1, 1]} : vector<128x8192xf32> to vector<32x128xf32>
    %concatenate3A_70 = tpu.concatenate %slice3A_38, %slice3A_39, %slice3A_40, %slice3A_41, %slice3A_42, %slice3A_43, %slice3A_44, %slice3A_45, %slice3A_46, %slice3A_47, %slice3A_48, %slice3A_49, %slice3A_50, %slice3A_51, %slice3A_52, %slice3A_53, %slice3A_54, %slice3A_55, %slice3A_56, %slice3A_57, %slice3A_58, %slice3A_59, %slice3A_60, %slice3A_61, %slice3A_62, %slice3A_63, %slice3A_64, %slice3A_65, %slice3A_66, %slice3A_67, %slice3A_68, %slice3A_69 in 1 : vector<32x128xf32>, vector<32x128xf32>, vector<32x128xf32>, vector<32x128xf32>, vector<32x128xf32>, vector<32x128xf32>, vector<32x128xf32>, vector<32x128xf32>, vector<32x128xf32>, vector<32x128xf32>, vector<32x128xf32>, vector<32x128xf32>, vector<32x128xf32>, vector<32x128xf32>, vector<32x128xf32>, vector<32x128xf32>, vector<32x128xf32>, vector<32x128xf32>, vector<32x128xf32>, vector<32x128xf32>, vector<32x128xf32>, vector<32x128xf32>, vector<32x128xf32>, vector<32x128xf32>, vector<32x128xf32>, vector<32x128xf32>, vector<32x128xf32>, vector<32x128xf32>, vector<32x128xf32>, vector<32x128xf32>, vector<32x128xf32>, vector<32x128xf32> -> vector<32x4096xf32>
    %swap3A_71 = arith.constant 1 : index
    %swap3A_72 = arith.constant 0 : index
    %swap3A_73 = arith.constant 0 : index
    %swap3A_74 = vector.load %arg2[%swap3A_71, %swap3A_72, %swap3A_73] : memref<8x32x4096xf32, #tpu.memory_space<vmem>>, vector<1x32x4096xf32>
    %swap3A_75 = vector.shape_cast %swap3A_74 : vector<1x32x4096xf32> to vector<32x4096xf32>
    %swap3A_76 = vector.shape_cast %concatenate3A_70 : vector<32x4096xf32> to vector<1x32x4096xf32>
    tpu.vector_store %arg2[%swap3A_71, %swap3A_72, %swap3A_73], %swap3A_76 {strides = array<i32>} : memref<8x32x4096xf32, #tpu.memory_space<vmem>>, vector<1x32x4096xf32>,
    %slice3A_77 = vector.extract_strided_slice %transpose3A {offsets = [0, 2048], sizes = [32, 128], strides = [1, 1]} : vector<128x8192xf32> to vector<32x128xf32>
    %slice3A_78 = vector.extract_strided_slice %transpose3A {offsets = [32, 2048], sizes = [32, 128], strides = [1, 1]} : vector<128x8192xf32> to vector<32x128xf32>
    %slice3A_79 = vector.extract_strided_slice %transpose3A {offsets = [64, 2048], sizes = [32, 128], strides = [1, 1]} : vector<128x8192xf32> to vector<32x128xf32>
    %slice3A_80 = vector.extract_strided_slice %transpose3A {offsets = [96, 2048], sizes = [32, 128], strides = [1, 1]} : vector<128x8192xf32> to vector<32x128xf32>
    %slice3A_81 = vector.extract_strided_slice %transpose3A {offsets = [0, 2176], sizes = [32, 128], strides = [1, 1]} : vector<128x8192xf32> to vector<32x128xf32>
    %slice3A_82 = vector.extract_strided_slice %transpose3A {offsets = [32, 2176], sizes = [32, 128], strides = [1, 1]} : vector<128x8192xf32> to vector<32x128xf32>
    %slice3A_83 = vector.extract_strided_slice %transpose3A {offsets = [64, 2176], sizes = [32, 128], strides = [1, 1]} : vector<128x8192xf32> to vector<32x128xf32>
    %slice3A_84 = vector.extract_strided_slice %transpose3A {offsets = [96, 2176], sizes = [32, 128], strides = [1, 1]} : vector<128x8192xf32> to vector<32x128xf32>
    %slice3A_85 = vector.extract_strided_slice %transpose3A {offsets = [0, 2304], sizes = [32, 128], strides = [1, 1]} : vector<128x8192xf32> to vector<32x128xf32>
    %slice3A_86 = vector.extract_strided_slice %transpose3A {offsets = [32, 2304], sizes = [32, 128], strides = [1, 1]} : vector<128x8192xf32> to vector<32x128xf32>
    %slice3A_87 = vector.extract_strided_slice %transpose3A {offsets = [64, 2304], sizes = [32, 128], strides = [1, 1]} : vector<128x8192xf32> to vector<32x128xf32>
    %slice3A_88 = vector.extract_strided_slice %transpose3A {offsets = [96, 2304], sizes = [32, 128], strides = [1, 1]} : vector<128x8192xf32> to vector<32x128xf32>
    %slice3A_89 = vector.extract_strided_slice %transpose3A {offsets = [0, 2432], sizes = [32, 128], strides = [1, 1]} : vector<128x8192xf32> to vector<32x128xf32>
    %slice3A_90 = vector.extract_strided_slice %transpose3A {offsets = [32, 2432], sizes = [32, 128], strides = [1, 1]} : vector<128x8192xf32> to vector<32x128xf32>
    %slice3A_91 = vector.extract_strided_slice %transpose3A {offsets = [64, 2432], sizes = [32, 128], strides = [1, 1]} : vector<128x8192xf32> to vector<32x128xf32>
    %slice3A_92 = vector.extract_strided_slice %transpose3A {offsets = [96, 2432], sizes = [32, 128], strides = [1, 1]} : vector<128x8192xf32> to vector<32x128xf32>
    %slice3A_93 = vector.extract_strided_slice %transpose3A {offsets = [0, 2560], sizes = [32, 128], strides = [1, 1]} : vector<128x8192xf32> to vector<32x128xf32>
    %slice3A_94 = vector.extract_strided_slice %transpose3A {offsets = [32, 2560], sizes = [32, 128], strides = [1, 1]} : vector<128x8192xf32> to vector<32x128xf32>
    %slice3A_95 = vector.extract_strided_slice %transpose3A {offsets = [64, 2560], sizes = [32, 128], strides = [1, 1]} : vector<128x8192xf32> to vector<32x128xf32>
    %slice3A_96 = vector.extract_strided_slice %transpose3A {offsets = [96, 2560], sizes = [32, 128], strides = [1, 1]} : vector<128x8192xf32> to vector<32x128xf32>
    %slice3A_97 = vector.extract_strided_slice %transpose3A {offsets = [0, 2688], sizes = [32, 128], strides = [1, 1]} : vector<128x8192xf32> to vector<32x128xf32>
    %slice3A_98 = vector.extract_strided_slice %transpose3A {offsets = [32, 2688], sizes = [32, 128], strides = [1, 1]} : vector<128x8192xf32> to vector<32x128xf32>
    %slice3A_99 = vector.extract_strided_slice %transpose3A {offsets = [64, 2688], sizes = [32, 128], strides = [1, 1]} : vector<128x8192xf32> to vector<32x128xf32>
    %slice3A_100 = vector.extract_strided_slice %transpose3A {offsets = [96, 2688], sizes = [32, 128], strides = [1, 1]} : vector<128x8192xf32> to vector<32x128xf32>
    %slice3A_101 = vector.extract_strided_slice %transpose3A {offsets = [0, 2816], sizes = [32, 128], strides = [1, 1]} : vector<128x8192xf32> to vector<32x128xf32>
    %slice3A_102 = vector.extract_strided_slice %transpose3A {offsets = [32, 2816], sizes = [32, 128], strides = [1, 1]} : vector<128x8192xf32> to vector<32x128xf32>
    %slice3A_103 = vector.extract_strided_slice %transpose3A {offsets = [64, 2816], sizes = [32, 128], strides = [1, 1]} : vector<128x8192xf32> to vector<32x128xf32>
    %slice3A_104 = vector.extract_strided_slice %transpose3A {offsets = [96, 2816], sizes = [32, 128], strides = [1, 1]} : vector<128x8192xf32> to vector<32x128xf32>
    %slice3A_105 = vector.extract_strided_slice %transpose3A {offsets = [0, 2944], sizes = [32, 128], strides = [1, 1]} : vector<128x8192xf32> to vector<32x128xf32>
    %slice3A_106 = vector.extract_strided_slice %transpose3A {offsets = [32, 2944], sizes = [32, 128], strides = [1, 1]} : vector<128x8192xf32> to vector<32x128xf32>
    %slice3A_107 = vector.extract_strided_slice %transpose3A {offsets = [64, 2944], sizes = [32, 128], strides = [1, 1]} : vector<128x8192xf32> to vector<32x128xf32>
    %slice3A_108 = vector.extract_strided_slice %transpose3A {offsets = [96, 2944], sizes = [32, 128], strides = [1, 1]} : vector<128x8192xf32> to vector<32x128xf32>
    %concatenate3A_109 = tpu.concatenate %slice3A_77, %slice3A_78, %slice3A_79, %slice3A_80, %slice3A_81, %slice3A_82, %slice3A_83, %slice3A_84, %slice3A_85, %slice3A_86, %slice3A_87, %slice3A_88, %slice3A_89, %slice3A_90, %slice3A_91, %slice3A_92, %slice3A_93, %slice3A_94, %slice3A_95, %slice3A_96, %slice3A_97, %slice3A_98, %slice3A_99, %slice3A_100, %slice3A_101, %slice3A_102, %slice3A_103, %slice3A_104, %slice3A_105, %slice3A_106, %slice3A_107, %slice3A_108 in 1 : vector<32x128xf32>, vector<32x128xf32>, vector<32x128xf32>, vector<32x128xf32>, vector<32x128xf32>, vector<32x128xf32>, vector<32x128xf32>, vector<32x128xf32>, vector<32x128xf32>, vector<32x128xf32>, vector<32x128xf32>, vector<32x128xf32>, vector<32x128xf32>, vector<32x128xf32>, vector<32x128xf32>, vector<32x128xf32>, vector<32x128xf32>, vector<32x128xf32>, vector<32x128xf32>, vector<32x128xf32>, vector<32x128xf32>, vector<32x128xf32>, vector<32x128xf32>, vector<32x128xf32>, vector<32x128xf32>, vector<32x128xf32>, vector<32x128xf32>, vector<32x128xf32>, vector<32x128xf32>, vector<32x128xf32>, vector<32x128xf32>, vector<32x128xf32> -> vector<32x4096xf32>
    %swap3A_110 = arith.constant 2 : index
    %swap3A_111 = arith.constant 0 : index
    %swap3A_112 = arith.constant 0 : index
    %swap3A_113 = vector.load %arg2[%swap3A_110, %swap3A_111, %swap3A_112] : memref<8x32x4096xf32, #tpu.memory_space<vmem>>, vector<1x32x4096xf32>
    %swap3A_114 = vector.shape_cast %swap3A_113 : vector<1x32x4096xf32> to vector<32x4096xf32>
    %swap3A_115 = vector.shape_cast %concatenate3A_109 : vector<32x4096xf32> to vector<1x32x4096xf32>
    tpu.vector_store %arg2[%swap3A_110, %swap3A_111, %swap3A_112], %swap3A_115 {strides = array<i32>} : memref<8x32x4096xf32, #tpu.memory_space<vmem>>, vector<1x32x4096xf32>,
    %slice3A_116 = vector.extract_strided_slice %transpose3A {offsets = [0, 3072], sizes = [32, 128], strides = [1, 1]} : vector<128x8192xf32> to vector<32x128xf32>
    %slice3A_117 = vector.extract_strided_slice %transpose3A {offsets = [32, 3072], sizes = [32, 128], strides = [1, 1]} : vector<128x8192xf32> to vector<32x128xf32>
    %slice3A_118 = vector.extract_strided_slice %transpose3A {offsets = [64, 3072], sizes = [32, 128], strides = [1, 1]} : vector<128x8192xf32> to vector<32x128xf32>
    %slice3A_119 = vector.extract_strided_slice %transpose3A {offsets = [96, 3072], sizes = [32, 128], strides = [1, 1]} : vector<128x8192xf32> to vector<32x128xf32>
    %slice3A_120 = vector.extract_strided_slice %transpose3A {offsets = [0, 3200], sizes = [32, 128], strides = [1, 1]} : vector<128x8192xf32> to vector<32x128xf32>
    %slice3A_121 = vector.extract_strided_slice %transpose3A {offsets = [32, 3200], sizes = [32, 128], strides = [1, 1]} : vector<128x8192xf32> to vector<32x128xf32>
    %slice3A_122 = vector.extract_strided_slice %transpose3A {offsets = [64, 3200], sizes = [32, 128], strides = [1, 1]} : vector<128x8192xf32> to vector<32x128xf32>
    %slice3A_123 = vector.extract_strided_slice %transpose3A {offsets = [96, 3200], sizes = [32, 128], strides = [1, 1]} : vector<128x8192xf32> to vector<32x128xf32>
    %slice3A_124 = vector.extract_strided_slice %transpose3A {offsets = [0, 3328], sizes = [32, 128], strides = [1, 1]} : vector<128x8192xf32> to vector<32x128xf32>
    %slice3A_125 = vector.extract_strided_slice %transpose3A {offsets = [32, 3328], sizes = [32, 128], strides = [1, 1]} : vector<128x8192xf32> to vector<32x128xf32>
    %slice3A_126 = vector.extract_strided_slice %transpose3A {offsets = [64, 3328], sizes = [32, 128], strides = [1, 1]} : vector<128x8192xf32> to vector<32x128xf32>
    %slice3A_127 = vector.extract_strided_slice %transpose3A {offsets = [96, 3328], sizes = [32, 128], strides = [1, 1]} : vector<128x8192xf32> to vector<32x128xf32>
    %slice3A_128 = vector.extract_strided_slice %transpose3A {offsets = [0, 3456], sizes = [32, 128], strides = [1, 1]} : vector<128x8192xf32> to vector<32x128xf32>
    %slice3A_129 = vector.extract_strided_slice %transpose3A {offsets = [32, 3456], sizes = [32, 128], strides = [1, 1]} : vector<128x8192xf32> to vector<32x128xf32>
    %slice3A_130 = vector.extract_strided_slice %transpose3A {offsets = [64, 3456], sizes = [32, 128], strides = [1, 1]} : vector<128x8192xf32> to vector<32x128xf32>
    %slice3A_131 = vector.extract_strided_slice %transpose3A {offsets = [96, 3456], sizes = [32, 128], strides = [1, 1]} : vector<128x8192xf32> to vector<32x128xf32>
    %slice3A_132 = vector.extract_strided_slice %transpose3A {offsets = [0, 3584], sizes = [32, 128], strides = [1, 1]} : vector<128x8192xf32> to vector<32x128xf32>
    %slice3A_133 = vector.extract_strided_slice %transpose3A {offsets = [32, 3584], sizes = [32, 128], strides = [1, 1]} : vector<128x8192xf32> to vector<32x128xf32>
    %slice3A_134 = vector.extract_strided_slice %transpose3A {offsets = [64, 3584], sizes = [32, 128], strides = [1, 1]} : vector<128x8192xf32> to vector<32x128xf32>
    %slice3A_135 = vector.extract_strided_slice %transpose3A {offsets = [96, 3584], sizes = [32, 128], strides = [1, 1]} : vector<128x8192xf32> to vector<32x128xf32>
    %slice3A_136 = vector.extract_strided_slice %transpose3A {offsets = [0, 3712], sizes = [32, 128], strides = [1, 1]} : vector<128x8192xf32> to vector<32x128xf32>
    %slice3A_137 = vector.extract_strided_slice %transpose3A {offsets = [32, 3712], sizes = [32, 128], strides = [1, 1]} : vector<128x8192xf32> to vector<32x128xf32>
    %slice3A_138 = vector.extract_strided_slice %transpose3A {offsets = [64, 3712], sizes = [32, 128], strides = [1, 1]} : vector<128x8192xf32> to vector<32x128xf32>
    %slice3A_139 = vector.extract_strided_slice %transpose3A {offsets = [96, 3712], sizes = [32, 128], strides = [1, 1]} : vector<128x8192xf32> to vector<32x128xf32>
    %slice3A_140 = vector.extract_strided_slice %transpose3A {offsets = [0, 3840], sizes = [32, 128], strides = [1, 1]} : vector<128x8192xf32> to vector<32x128xf32>
    %slice3A_141 = vector.extract_strided_slice %transpose3A {offsets = [32, 3840], sizes = [32, 128], strides = [1, 1]} : vector<128x8192xf32> to vector<32x128xf32>
    %slice3A_142 = vector.extract_strided_slice %transpose3A {offsets = [64, 3840], sizes = [32, 128], strides = [1, 1]} : vector<128x8192xf32> to vector<32x128xf32>
    %slice3A_143 = vector.extract_strided_slice %transpose3A {offsets = [96, 3840], sizes = [32, 128], strides = [1, 1]} : vector<128x8192xf32> to vector<32x128xf32>
    %slice3A_144 = vector.extract_strided_slice %transpose3A {offsets = [0, 3968], sizes = [32, 128], strides = [1, 1]} : vector<128x8192xf32> to vector<32x128xf32>
    %slice3A_145 = vector.extract_strided_slice %transpose3A {offsets = [32, 3968], sizes = [32, 128], strides = [1, 1]} : vector<128x8192xf32> to vector<32x128xf32>
    %slice3A_146 = vector.extract_strided_slice %transpose3A {offsets = [64, 3968], sizes = [32, 128], strides = [1, 1]} : vector<128x8192xf32> to vector<32x128xf32>
    %slice3A_147 = vector.extract_strided_slice %transpose3A {offsets = [96, 3968], sizes = [32, 128], strides = [1, 1]} : vector<128x8192xf32> to vector<32x128xf32>
    %concatenate3A_148 = tpu.concatenate %slice3A_116, %slice3A_117, %slice3A_118, %slice3A_119, %slice3A_120, %slice3A_121, %slice3A_122, %slice3A_123, %slice3A_124, %slice3A_125, %slice3A_126, %slice3A_127, %slice3A_128, %slice3A_129, %slice3A_130, %slice3A_131, %slice3A_132, %slice3A_133, %slice3A_134, %slice3A_135, %slice3A_136, %slice3A_137, %slice3A_138, %slice3A_139, %slice3A_140, %slice3A_141, %slice3A_142, %slice3A_143, %slice3A_144, %slice3A_145, %slice3A_146, %slice3A_147 in 1 : vector<32x128xf32>, vector<32x128xf32>, vector<32x128xf32>, vector<32x128xf32>, vector<32x128xf32>, vector<32x128xf32>, vector<32x128xf32>, vector<32x128xf32>, vector<32x128xf32>, vector<32x128xf32>, vector<32x128xf32>, vector<32x128xf32>, vector<32x128xf32>, vector<32x128xf32>, vector<32x128xf32>, vector<32x128xf32>, vector<32x128xf32>, vector<32x128xf32>, vector<32x128xf32>, vector<32x128xf32>, vector<32x128xf32>, vector<32x128xf32>, vector<32x128xf32>, vector<32x128xf32>, vector<32x128xf32>, vector<32x128xf32>, vector<32x128xf32>, vector<32x128xf32>, vector<32x128xf32>, vector<32x128xf32>, vector<32x128xf32>, vector<32x128xf32> -> vector<32x4096xf32>
    %swap3A_149 = arith.constant 3 : index
    %swap3A_150 = arith.constant 0 : index
    %swap3A_151 = arith.constant 0 : index
    %swap3A_152 = vector.load %arg2[%swap3A_149, %swap3A_150, %swap3A_151] : memref<8x32x4096xf32, #tpu.memory_space<vmem>>, vector<1x32x4096xf32>
    %swap3A_153 = vector.shape_cast %swap3A_152 : vector<1x32x4096xf32> to vector<32x4096xf32>
    %swap3A_154 = vector.shape_cast %concatenate3A_148 : vector<32x4096xf32> to vector<1x32x4096xf32>
    tpu.vector_store %arg2[%swap3A_149, %swap3A_150, %swap3A_151], %swap3A_154 {strides = array<i32>} : memref<8x32x4096xf32, #tpu.memory_space<vmem>>, vector<1x32x4096xf32>,
    %slice3A_155 = vector.extract_strided_slice %transpose3A {offsets = [0, 4096], sizes = [32, 128], strides = [1, 1]} : vector<128x8192xf32> to vector<32x128xf32>
    %slice3A_156 = vector.extract_strided_slice %transpose3A {offsets = [32, 4096], sizes = [32, 128], strides = [1, 1]} : vector<128x8192xf32> to vector<32x128xf32>
    %slice3A_157 = vector.extract_strided_slice %transpose3A {offsets = [64, 4096], sizes = [32, 128], strides = [1, 1]} : vector<128x8192xf32> to vector<32x128xf32>
    %slice3A_158 = vector.extract_strided_slice %transpose3A {offsets = [96, 4096], sizes = [32, 128], strides = [1, 1]} : vector<128x8192xf32> to vector<32x128xf32>
    %slice3A_159 = vector.extract_strided_slice %transpose3A {offsets = [0, 4224], sizes = [32, 128], strides = [1, 1]} : vector<128x8192xf32> to vector<32x128xf32>
    %slice3A_160 = vector.extract_strided_slice %transpose3A {offsets = [32, 4224], sizes = [32, 128], strides = [1, 1]} : vector<128x8192xf32> to vector<32x128xf32>
    %slice3A_161 = vector.extract_strided_slice %transpose3A {offsets = [64, 4224], sizes = [32, 128], strides = [1, 1]} : vector<128x8192xf32> to vector<32x128xf32>
    %slice3A_162 = vector.extract_strided_slice %transpose3A {offsets = [96, 4224], sizes = [32, 128], strides = [1, 1]} : vector<128x8192xf32> to vector<32x128xf32>
    %slice3A_163 = vector.extract_strided_slice %transpose3A {offsets = [0, 4352], sizes = [32, 128], strides = [1, 1]} : vector<128x8192xf32> to vector<32x128xf32>
    %slice3A_164 = vector.extract_strided_slice %transpose3A {offsets = [32, 4352], sizes = [32, 128], strides = [1, 1]} : vector<128x8192xf32> to vector<32x128xf32>
    %slice3A_165 = vector.extract_strided_slice %transpose3A {offsets = [64, 4352], sizes = [32, 128], strides = [1, 1]} : vector<128x8192xf32> to vector<32x128xf32>
    %slice3A_166 = vector.extract_strided_slice %transpose3A {offsets = [96, 4352], sizes = [32, 128], strides = [1, 1]} : vector<128x8192xf32> to vector<32x128xf32>
    %slice3A_167 = vector.extract_strided_slice %transpose3A {offsets = [0, 4480], sizes = [32, 128], strides = [1, 1]} : vector<128x8192xf32> to vector<32x128xf32>
    %slice3A_168 = vector.extract_strided_slice %transpose3A {offsets = [32, 4480], sizes = [32, 128], strides = [1, 1]} : vector<128x8192xf32> to vector<32x128xf32>
    %slice3A_169 = vector.extract_strided_slice %transpose3A {offsets = [64, 4480], sizes = [32, 128], strides = [1, 1]} : vector<128x8192xf32> to vector<32x128xf32>
    %slice3A_170 = vector.extract_strided_slice %transpose3A {offsets = [96, 4480], sizes = [32, 128], strides = [1, 1]} : vector<128x8192xf32> to vector<32x128xf32>
    %slice3A_171 = vector.extract_strided_slice %transpose3A {offsets = [0, 4608], sizes = [32, 128], strides = [1, 1]} : vector<128x8192xf32> to vector<32x128xf32>
    %slice3A_172 = vector.extract_strided_slice %transpose3A {offsets = [32, 4608], sizes = [32, 128], strides = [1, 1]} : vector<128x8192xf32> to vector<32x128xf32>
    %slice3A_173 = vector.extract_strided_slice %transpose3A {offsets = [64, 4608], sizes = [32, 128], strides = [1, 1]} : vector<128x8192xf32> to vector<32x128xf32>
    %slice3A_174 = vector.extract_strided_slice %transpose3A {offsets = [96, 4608], sizes = [32, 128], strides = [1, 1]} : vector<128x8192xf32> to vector<32x128xf32>
    %slice3A_175 = vector.extract_strided_slice %transpose3A {offsets = [0, 4736], sizes = [32, 128], strides = [1, 1]} : vector<128x8192xf32> to vector<32x128xf32>
    %slice3A_176 = vector.extract_strided_slice %transpose3A {offsets = [32, 4736], sizes = [32, 128], strides = [1, 1]} : vector<128x8192xf32> to vector<32x128xf32>
    %slice3A_177 = vector.extract_strided_slice %transpose3A {offsets = [64, 4736], sizes = [32, 128], strides = [1, 1]} : vector<128x8192xf32> to vector<32x128xf32>
    %slice3A_178 = vector.extract_strided_slice %transpose3A {offsets = [96, 4736], sizes = [32, 128], strides = [1, 1]} : vector<128x8192xf32> to vector<32x128xf32>
    %slice3A_179 = vector.extract_strided_slice %transpose3A {offsets = [0, 4864], sizes = [32, 128], strides = [1, 1]} : vector<128x8192xf32> to vector<32x128xf32>
    %slice3A_180 = vector.extract_strided_slice %transpose3A {offsets = [32, 4864], sizes = [32, 128], strides = [1, 1]} : vector<128x8192xf32> to vector<32x128xf32>
    %slice3A_181 = vector.extract_strided_slice %transpose3A {offsets = [64, 4864], sizes = [32, 128], strides = [1, 1]} : vector<128x8192xf32> to vector<32x128xf32>
    %slice3A_182 = vector.extract_strided_slice %transpose3A {offsets = [96, 4864], sizes = [32, 128], strides = [1, 1]} : vector<128x8192xf32> to vector<32x128xf32>
    %slice3A_183 = vector.extract_strided_slice %transpose3A {offsets = [0, 4992], sizes = [32, 128], strides = [1, 1]} : vector<128x8192xf32> to vector<32x128xf32>
    %slice3A_184 = vector.extract_strided_slice %transpose3A {offsets = [32, 4992], sizes = [32, 128], strides = [1, 1]} : vector<128x8192xf32> to vector<32x128xf32>
    %slice3A_185 = vector.extract_strided_slice %transpose3A {offsets = [64, 4992], sizes = [32, 128], strides = [1, 1]} : vector<128x8192xf32> to vector<32x128xf32>
    %slice3A_186 = vector.extract_strided_slice %transpose3A {offsets = [96, 4992], sizes = [32, 128], strides = [1, 1]} : vector<128x8192xf32> to vector<32x128xf32>
    %concatenate3A_187 = tpu.concatenate %slice3A_155, %slice3A_156, %slice3A_157, %slice3A_158, %slice3A_159, %slice3A_160, %slice3A_161, %slice3A_162, %slice3A_163, %slice3A_164, %slice3A_165, %slice3A_166, %slice3A_167, %slice3A_168, %slice3A_169, %slice3A_170, %slice3A_171, %slice3A_172, %slice3A_173, %slice3A_174, %slice3A_175, %slice3A_176, %slice3A_177, %slice3A_178, %slice3A_179, %slice3A_180, %slice3A_181, %slice3A_182, %slice3A_183, %slice3A_184, %slice3A_185, %slice3A_186 in 1 : vector<32x128xf32>, vector<32x128xf32>, vector<32x128xf32>, vector<32x128xf32>, vector<32x128xf32>, vector<32x128xf32>, vector<32x128xf32>, vector<32x128xf32>, vector<32x128xf32>, vector<32x128xf32>, vector<32x128xf32>, vector<32x128xf32>, vector<32x128xf32>, vector<32x128xf32>, vector<32x128xf32>, vector<32x128xf32>, vector<32x128xf32>, vector<32x128xf32>, vector<32x128xf32>, vector<32x128xf32>, vector<32x128xf32>, vector<32x128xf32>, vector<32x128xf32>, vector<32x128xf32>, vector<32x128xf32>, vector<32x128xf32>, vector<32x128xf32>, vector<32x128xf32>, vector<32x128xf32>, vector<32x128xf32>, vector<32x128xf32>, vector<32x128xf32> -> vector<32x4096xf32>
    %swap3A_188 = arith.constant 4 : index
    %swap3A_189 = arith.constant 0 : index
    %swap3A_190 = arith.constant 0 : index
    %swap3A_191 = vector.load %arg2[%swap3A_188, %swap3A_189, %swap3A_190] : memref<8x32x4096xf32, #tpu.memory_space<vmem>>, vector<1x32x4096xf32>
    %swap3A_192 = vector.shape_cast %swap3A_191 : vector<1x32x4096xf32> to vector<32x4096xf32>
    %swap3A_193 = vector.shape_cast %concatenate3A_187 : vector<32x4096xf32> to vector<1x32x4096xf32>
    tpu.vector_store %arg2[%swap3A_188, %swap3A_189, %swap3A_190], %swap3A_193 {strides = array<i32>} : memref<8x32x4096xf32, #tpu.memory_space<vmem>>, vector<1x32x4096xf32>,
    %slice3A_194 = vector.extract_strided_slice %transpose3A {offsets = [0, 5120], sizes = [32, 128], strides = [1, 1]} : vector<128x8192xf32> to vector<32x128xf32>
    %slice3A_195 = vector.extract_strided_slice %transpose3A {offsets = [32, 5120], sizes = [32, 128], strides = [1, 1]} : vector<128x8192xf32> to vector<32x128xf32>
    %slice3A_196 = vector.extract_strided_slice %transpose3A {offsets = [64, 5120], sizes = [32, 128], strides = [1, 1]} : vector<128x8192xf32> to vector<32x128xf32>
    %slice3A_197 = vector.extract_strided_slice %transpose3A {offsets = [96, 5120], sizes = [32, 128], strides = [1, 1]} : vector<128x8192xf32> to vector<32x128xf32>
    %slice3A_198 = vector.extract_strided_slice %transpose3A {offsets = [0, 5248], sizes = [32, 128], strides = [1, 1]} : vector<128x8192xf32> to vector<32x128xf32>
    %slice3A_199 = vector.extract_strided_slice %transpose3A {offsets = [32, 5248], sizes = [32, 128], strides = [1, 1]} : vector<128x8192xf32> to vector<32x128xf32>
    %slice3A_200 = vector.extract_strided_slice %transpose3A {offsets = [64, 5248], sizes = [32, 128], strides = [1, 1]} : vector<128x8192xf32> to vector<32x128xf32>
    %slice3A_201 = vector.extract_strided_slice %transpose3A {offsets = [96, 5248], sizes = [32, 128], strides = [1, 1]} : vector<128x8192xf32> to vector<32x128xf32>
    %slice3A_202 = vector.extract_strided_slice %transpose3A {offsets = [0, 5376], sizes = [32, 128], strides = [1, 1]} : vector<128x8192xf32> to vector<32x128xf32>
    %slice3A_203 = vector.extract_strided_slice %transpose3A {offsets = [32, 5376], sizes = [32, 128], strides = [1, 1]} : vector<128x8192xf32> to vector<32x128xf32>
    %slice3A_204 = vector.extract_strided_slice %transpose3A {offsets = [64, 5376], sizes = [32, 128], strides = [1, 1]} : vector<128x8192xf32> to vector<32x128xf32>
    %slice3A_205 = vector.extract_strided_slice %transpose3A {offsets = [96, 5376], sizes = [32, 128], strides = [1, 1]} : vector<128x8192xf32> to vector<32x128xf32>
    %slice3A_206 = vector.extract_strided_slice %transpose3A {offsets = [0, 5504], sizes = [32, 128], strides = [1, 1]} : vector<128x8192xf32> to vector<32x128xf32>
    %slice3A_207 = vector.extract_strided_slice %transpose3A {offsets = [32, 5504], sizes = [32, 128], strides = [1, 1]} : vector<128x8192xf32> to vector<32x128xf32>
    %slice3A_208 = vector.extract_strided_slice %transpose3A {offsets = [64, 5504], sizes = [32, 128], strides = [1, 1]} : vector<128x8192xf32> to vector<32x128xf32>
    %slice3A_209 = vector.extract_strided_slice %transpose3A {offsets = [96, 5504], sizes = [32, 128], strides = [1, 1]} : vector<128x8192xf32> to vector<32x128xf32>
    %slice3A_210 = vector.extract_strided_slice %transpose3A {offsets = [0, 5632], sizes = [32, 128], strides = [1, 1]} : vector<128x8192xf32> to vector<32x128xf32>
    %slice3A_211 = vector.extract_strided_slice %transpose3A {offsets = [32, 5632], sizes = [32, 128], strides = [1, 1]} : vector<128x8192xf32> to vector<32x128xf32>
    %slice3A_212 = vector.extract_strided_slice %transpose3A {offsets = [64, 5632], sizes = [32, 128], strides = [1, 1]} : vector<128x8192xf32> to vector<32x128xf32>
    %slice3A_213 = vector.extract_strided_slice %transpose3A {offsets = [96, 5632], sizes = [32, 128], strides = [1, 1]} : vector<128x8192xf32> to vector<32x128xf32>
    %slice3A_214 = vector.extract_strided_slice %transpose3A {offsets = [0, 5760], sizes = [32, 128], strides = [1, 1]} : vector<128x8192xf32> to vector<32x128xf32>
    %slice3A_215 = vector.extract_strided_slice %transpose3A {offsets = [32, 5760], sizes = [32, 128], strides = [1, 1]} : vector<128x8192xf32> to vector<32x128xf32>
    %slice3A_216 = vector.extract_strided_slice %transpose3A {offsets = [64, 5760], sizes = [32, 128], strides = [1, 1]} : vector<128x8192xf32> to vector<32x128xf32>
    %slice3A_217 = vector.extract_strided_slice %transpose3A {offsets = [96, 5760], sizes = [32, 128], strides = [1, 1]} : vector<128x8192xf32> to vector<32x128xf32>
    %slice3A_218 = vector.extract_strided_slice %transpose3A {offsets = [0, 5888], sizes = [32, 128], strides = [1, 1]} : vector<128x8192xf32> to vector<32x128xf32>
    %slice3A_219 = vector.extract_strided_slice %transpose3A {offsets = [32, 5888], sizes = [32, 128], strides = [1, 1]} : vector<128x8192xf32> to vector<32x128xf32>
    %slice3A_220 = vector.extract_strided_slice %transpose3A {offsets = [64, 5888], sizes = [32, 128], strides = [1, 1]} : vector<128x8192xf32> to vector<32x128xf32>
    %slice3A_221 = vector.extract_strided_slice %transpose3A {offsets = [96, 5888], sizes = [32, 128], strides = [1, 1]} : vector<128x8192xf32> to vector<32x128xf32>
    %slice3A_222 = vector.extract_strided_slice %transpose3A {offsets = [0, 6016], sizes = [32, 128], strides = [1, 1]} : vector<128x8192xf32> to vector<32x128xf32>
    %slice3A_223 = vector.extract_strided_slice %transpose3A {offsets = [32, 6016], sizes = [32, 128], strides = [1, 1]} : vector<128x8192xf32> to vector<32x128xf32>
    %slice3A_224 = vector.extract_strided_slice %transpose3A {offsets = [64, 6016], sizes = [32, 128], strides = [1, 1]} : vector<128x8192xf32> to vector<32x128xf32>
    %slice3A_225 = vector.extract_strided_slice %transpose3A {offsets = [96, 6016], sizes = [32, 128], strides = [1, 1]} : vector<128x8192xf32> to vector<32x128xf32>
    %concatenate3A_226 = tpu.concatenate %slice3A_194, %slice3A_195, %slice3A_196, %slice3A_197, %slice3A_198, %slice3A_199, %slice3A_200, %slice3A_201, %slice3A_202, %slice3A_203, %slice3A_204, %slice3A_205, %slice3A_206, %slice3A_207, %slice3A_208, %slice3A_209, %slice3A_210, %slice3A_211, %slice3A_212, %slice3A_213, %slice3A_214, %slice3A_215, %slice3A_216, %slice3A_217, %slice3A_218, %slice3A_219, %slice3A_220, %slice3A_221, %slice3A_222, %slice3A_223, %slice3A_224, %slice3A_225 in 1 : vector<32x128xf32>, vector<32x128xf32>, vector<32x128xf32>, vector<32x128xf32>, vector<32x128xf32>, vector<32x128xf32>, vector<32x128xf32>, vector<32x128xf32>, vector<32x128xf32>, vector<32x128xf32>, vector<32x128xf32>, vector<32x128xf32>, vector<32x128xf32>, vector<32x128xf32>, vector<32x128xf32>, vector<32x128xf32>, vector<32x128xf32>, vector<32x128xf32>, vector<32x128xf32>, vector<32x128xf32>, vector<32x128xf32>, vector<32x128xf32>, vector<32x128xf32>, vector<32x128xf32>, vector<32x128xf32>, vector<32x128xf32>, vector<32x128xf32>, vector<32x128xf32>, vector<32x128xf32>, vector<32x128xf32>, vector<32x128xf32>, vector<32x128xf32> -> vector<32x4096xf32>
    %swap3A_227 = arith.constant 5 : index
    %swap3A_228 = arith.constant 0 : index
    %swap3A_229 = arith.constant 0 : index
    %swap3A_230 = vector.load %arg2[%swap3A_227, %swap3A_228, %swap3A_229] : memref<8x32x4096xf32, #tpu.memory_space<vmem>>, vector<1x32x4096xf32>
    %swap3A_231 = vector.shape_cast %swap3A_230 : vector<1x32x4096xf32> to vector<32x4096xf32>
    %swap3A_232 = vector.shape_cast %concatenate3A_226 : vector<32x4096xf32> to vector<1x32x4096xf32>
    tpu.vector_store %arg2[%swap3A_227, %swap3A_228, %swap3A_229], %swap3A_232 {strides = array<i32>} : memref<8x32x4096xf32, #tpu.memory_space<vmem>>, vector<1x32x4096xf32>,
    %slice3A_233 = vector.extract_strided_slice %transpose3A {offsets = [0, 6144], sizes = [32, 128], strides = [1, 1]} : vector<128x8192xf32> to vector<32x128xf32>
    %slice3A_234 = vector.extract_strided_slice %transpose3A {offsets = [32, 6144], sizes = [32, 128], strides = [1, 1]} : vector<128x8192xf32> to vector<32x128xf32>
    %slice3A_235 = vector.extract_strided_slice %transpose3A {offsets = [64, 6144], sizes = [32, 128], strides = [1, 1]} : vector<128x8192xf32> to vector<32x128xf32>
    %slice3A_236 = vector.extract_strided_slice %transpose3A {offsets = [96, 6144], sizes = [32, 128], strides = [1, 1]} : vector<128x8192xf32> to vector<32x128xf32>
    %slice3A_237 = vector.extract_strided_slice %transpose3A {offsets = [0, 6272], sizes = [32, 128], strides = [1, 1]} : vector<128x8192xf32> to vector<32x128xf32>
    %slice3A_238 = vector.extract_strided_slice %transpose3A {offsets = [32, 6272], sizes = [32, 128], strides = [1, 1]} : vector<128x8192xf32> to vector<32x128xf32>
    %slice3A_239 = vector.extract_strided_slice %transpose3A {offsets = [64, 6272], sizes = [32, 128], strides = [1, 1]} : vector<128x8192xf32> to vector<32x128xf32>
    %slice3A_240 = vector.extract_strided_slice %transpose3A {offsets = [96, 6272], sizes = [32, 128], strides = [1, 1]} : vector<128x8192xf32> to vector<32x128xf32>
    %slice3A_241 = vector.extract_strided_slice %transpose3A {offsets = [0, 6400], sizes = [32, 128], strides = [1, 1]} : vector<128x8192xf32> to vector<32x128xf32>
    %slice3A_242 = vector.extract_strided_slice %transpose3A {offsets = [32, 6400], sizes = [32, 128], strides = [1, 1]} : vector<128x8192xf32> to vector<32x128xf32>
    %slice3A_243 = vector.extract_strided_slice %transpose3A {offsets = [64, 6400], sizes = [32, 128], strides = [1, 1]} : vector<128x8192xf32> to vector<32x128xf32>
    %slice3A_244 = vector.extract_strided_slice %transpose3A {offsets = [96, 6400], sizes = [32, 128], strides = [1, 1]} : vector<128x8192xf32> to vector<32x128xf32>
    %slice3A_245 = vector.extract_strided_slice %transpose3A {offsets = [0, 6528], sizes = [32, 128], strides = [1, 1]} : vector<128x8192xf32> to vector<32x128xf32>
    %slice3A_246 = vector.extract_strided_slice %transpose3A {offsets = [32, 6528], sizes = [32, 128], strides = [1, 1]} : vector<128x8192xf32> to vector<32x128xf32>
    %slice3A_247 = vector.extract_strided_slice %transpose3A {offsets = [64, 6528], sizes = [32, 128], strides = [1, 1]} : vector<128x8192xf32> to vector<32x128xf32>
    %slice3A_248 = vector.extract_strided_slice %transpose3A {offsets = [96, 6528], sizes = [32, 128], strides = [1, 1]} : vector<128x8192xf32> to vector<32x128xf32>
    %slice3A_249 = vector.extract_strided_slice %transpose3A {offsets = [0, 6656], sizes = [32, 128], strides = [1, 1]} : vector<128x8192xf32> to vector<32x128xf32>
    %slice3A_250 = vector.extract_strided_slice %transpose3A {offsets = [32, 6656], sizes = [32, 128], strides = [1, 1]} : vector<128x8192xf32> to vector<32x128xf32>
    %slice3A_251 = vector.extract_strided_slice %transpose3A {offsets = [64, 6656], sizes = [32, 128], strides = [1, 1]} : vector<128x8192xf32> to vector<32x128xf32>
    %slice3A_252 = vector.extract_strided_slice %transpose3A {offsets = [96, 6656], sizes = [32, 128], strides = [1, 1]} : vector<128x8192xf32> to vector<32x128xf32>
    %slice3A_253 = vector.extract_strided_slice %transpose3A {offsets = [0, 6784], sizes = [32, 128], strides = [1, 1]} : vector<128x8192xf32> to vector<32x128xf32>
    %slice3A_254 = vector.extract_strided_slice %transpose3A {offsets = [32, 6784], sizes = [32, 128], strides = [1, 1]} : vector<128x8192xf32> to vector<32x128xf32>
    %slice3A_255 = vector.extract_strided_slice %transpose3A {offsets = [64, 6784], sizes = [32, 128], strides = [1, 1]} : vector<128x8192xf32> to vector<32x128xf32>
    %slice3A_256 = vector.extract_strided_slice %transpose3A {offsets = [96, 6784], sizes = [32, 128], strides = [1, 1]} : vector<128x8192xf32> to vector<32x128xf32>
    %slice3A_257 = vector.extract_strided_slice %transpose3A {offsets = [0, 6912], sizes = [32, 128], strides = [1, 1]} : vector<128x8192xf32> to vector<32x128xf32>
    %slice3A_258 = vector.extract_strided_slice %transpose3A {offsets = [32, 6912], sizes = [32, 128], strides = [1, 1]} : vector<128x8192xf32> to vector<32x128xf32>
    %slice3A_259 = vector.extract_strided_slice %transpose3A {offsets = [64, 6912], sizes = [32, 128], strides = [1, 1]} : vector<128x8192xf32> to vector<32x128xf32>
    %slice3A_260 = vector.extract_strided_slice %transpose3A {offsets = [96, 6912], sizes = [32, 128], strides = [1, 1]} : vector<128x8192xf32> to vector<32x128xf32>
    %slice3A_261 = vector.extract_strided_slice %transpose3A {offsets = [0, 7040], sizes = [32, 128], strides = [1, 1]} : vector<128x8192xf32> to vector<32x128xf32>
    %slice3A_262 = vector.extract_strided_slice %transpose3A {offsets = [32, 7040], sizes = [32, 128], strides = [1, 1]} : vector<128x8192xf32> to vector<32x128xf32>
    %slice3A_263 = vector.extract_strided_slice %transpose3A {offsets = [64, 7040], sizes = [32, 128], strides = [1, 1]} : vector<128x8192xf32> to vector<32x128xf32>
    %slice3A_264 = vector.extract_strided_slice %transpose3A {offsets = [96, 7040], sizes = [32, 128], strides = [1, 1]} : vector<128x8192xf32> to vector<32x128xf32>
    %concatenate3A_265 = tpu.concatenate %slice3A_233, %slice3A_234, %slice3A_235, %slice3A_236, %slice3A_237, %slice3A_238, %slice3A_239, %slice3A_240, %slice3A_241, %slice3A_242, %slice3A_243, %slice3A_244, %slice3A_245, %slice3A_246, %slice3A_247, %slice3A_248, %slice3A_249, %slice3A_250, %slice3A_251, %slice3A_252, %slice3A_253, %slice3A_254, %slice3A_255, %slice3A_256, %slice3A_257, %slice3A_258, %slice3A_259, %slice3A_260, %slice3A_261, %slice3A_262, %slice3A_263, %slice3A_264 in 1 : vector<32x128xf32>, vector<32x128xf32>, vector<32x128xf32>, vector<32x128xf32>, vector<32x128xf32>, vector<32x128xf32>, vector<32x128xf32>, vector<32x128xf32>, vector<32x128xf32>, vector<32x128xf32>, vector<32x128xf32>, vector<32x128xf32>, vector<32x128xf32>, vector<32x128xf32>, vector<32x128xf32>, vector<32x128xf32>, vector<32x128xf32>, vector<32x128xf32>, vector<32x128xf32>, vector<32x128xf32>, vector<32x128xf32>, vector<32x128xf32>, vector<32x128xf32>, vector<32x128xf32>, vector<32x128xf32>, vector<32x128xf32>, vector<32x128xf32>, vector<32x128xf32>, vector<32x128xf32>, vector<32x128xf32>, vector<32x128xf32>, vector<32x128xf32> -> vector<32x4096xf32>
    %swap3A_266 = arith.constant 6 : index
    %swap3A_267 = arith.constant 0 : index
    %swap3A_268 = arith.constant 0 : index
    %swap3A_269 = vector.load %arg2[%swap3A_266, %swap3A_267, %swap3A_268] : memref<8x32x4096xf32, #tpu.memory_space<vmem>>, vector<1x32x4096xf32>
    %swap3A_270 = vector.shape_cast %swap3A_269 : vector<1x32x4096xf32> to vector<32x4096xf32>
    %swap3A_271 = vector.shape_cast %concatenate3A_265 : vector<32x4096xf32> to vector<1x32x4096xf32>
    tpu.vector_store %arg2[%swap3A_266, %swap3A_267, %swap3A_268], %swap3A_271 {strides = array<i32>} : memref<8x32x4096xf32, #tpu.memory_space<vmem>>, vector<1x32x4096xf32>,
    %slice3A_272 = vector.extract_strided_slice %transpose3A {offsets = [0, 7168], sizes = [32, 128], strides = [1, 1]} : vector<128x8192xf32> to vector<32x128xf32>
    %slice3A_273 = vector.extract_strided_slice %transpose3A {offsets = [32, 7168], sizes = [32, 128], strides = [1, 1]} : vector<128x8192xf32> to vector<32x128xf32>
    %slice3A_274 = vector.extract_strided_slice %transpose3A {offsets = [64, 7168], sizes = [32, 128], strides = [1, 1]} : vector<128x8192xf32> to vector<32x128xf32>
    %slice3A_275 = vector.extract_strided_slice %transpose3A {offsets = [96, 7168], sizes = [32, 128], strides = [1, 1]} : vector<128x8192xf32> to vector<32x128xf32>
    %slice3A_276 = vector.extract_strided_slice %transpose3A {offsets = [0, 7296], sizes = [32, 128], strides = [1, 1]} : vector<128x8192xf32> to vector<32x128xf32>
    %slice3A_277 = vector.extract_strided_slice %transpose3A {offsets = [32, 7296], sizes = [32, 128], strides = [1, 1]} : vector<128x8192xf32> to vector<32x128xf32>
    %slice3A_278 = vector.extract_strided_slice %transpose3A {offsets = [64, 7296], sizes = [32, 128], strides = [1, 1]} : vector<128x8192xf32> to vector<32x128xf32>
    %slice3A_279 = vector.extract_strided_slice %transpose3A {offsets = [96, 7296], sizes = [32, 128], strides = [1, 1]} : vector<128x8192xf32> to vector<32x128xf32>
    %slice3A_280 = vector.extract_strided_slice %transpose3A {offsets = [0, 7424], sizes = [32, 128], strides = [1, 1]} : vector<128x8192xf32> to vector<32x128xf32>
    %slice3A_281 = vector.extract_strided_slice %transpose3A {offsets = [32, 7424], sizes = [32, 128], strides = [1, 1]} : vector<128x8192xf32> to vector<32x128xf32>
    %slice3A_282 = vector.extract_strided_slice %transpose3A {offsets = [64, 7424], sizes = [32, 128], strides = [1, 1]} : vector<128x8192xf32> to vector<32x128xf32>
    %slice3A_283 = vector.extract_strided_slice %transpose3A {offsets = [96, 7424], sizes = [32, 128], strides = [1, 1]} : vector<128x8192xf32> to vector<32x128xf32>
    %slice3A_284 = vector.extract_strided_slice %transpose3A {offsets = [0, 7552], sizes = [32, 128], strides = [1, 1]} : vector<128x8192xf32> to vector<32x128xf32>
    %slice3A_285 = vector.extract_strided_slice %transpose3A {offsets = [32, 7552], sizes = [32, 128], strides = [1, 1]} : vector<128x8192xf32> to vector<32x128xf32>
    %slice3A_286 = vector.extract_strided_slice %transpose3A {offsets = [64, 7552], sizes = [32, 128], strides = [1, 1]} : vector<128x8192xf32> to vector<32x128xf32>
    %slice3A_287 = vector.extract_strided_slice %transpose3A {offsets = [96, 7552], sizes = [32, 128], strides = [1, 1]} : vector<128x8192xf32> to vector<32x128xf32>
    %slice3A_288 = vector.extract_strided_slice %transpose3A {offsets = [0, 7680], sizes = [32, 128], strides = [1, 1]} : vector<128x8192xf32> to vector<32x128xf32>
    %slice3A_289 = vector.extract_strided_slice %transpose3A {offsets = [32, 7680], sizes = [32, 128], strides = [1, 1]} : vector<128x8192xf32> to vector<32x128xf32>
    %slice3A_290 = vector.extract_strided_slice %transpose3A {offsets = [64, 7680], sizes = [32, 128], strides = [1, 1]} : vector<128x8192xf32> to vector<32x128xf32>
    %slice3A_291 = vector.extract_strided_slice %transpose3A {offsets = [96, 7680], sizes = [32, 128], strides = [1, 1]} : vector<128x8192xf32> to vector<32x128xf32>
    %slice3A_292 = vector.extract_strided_slice %transpose3A {offsets = [0, 7808], sizes = [32, 128], strides = [1, 1]} : vector<128x8192xf32> to vector<32x128xf32>
    %slice3A_293 = vector.extract_strided_slice %transpose3A {offsets = [32, 7808], sizes = [32, 128], strides = [1, 1]} : vector<128x8192xf32> to vector<32x128xf32>
    %slice3A_294 = vector.extract_strided_slice %transpose3A {offsets = [64, 7808], sizes = [32, 128], strides = [1, 1]} : vector<128x8192xf32> to vector<32x128xf32>
    %slice3A_295 = vector.extract_strided_slice %transpose3A {offsets = [96, 7808], sizes = [32, 128], strides = [1, 1]} : vector<128x8192xf32> to vector<32x128xf32>
    %slice3A_296 = vector.extract_strided_slice %transpose3A {offsets = [0, 7936], sizes = [32, 128], strides = [1, 1]} : vector<128x8192xf32> to vector<32x128xf32>
    %slice3A_297 = vector.extract_strided_slice %transpose3A {offsets = [32, 7936], sizes = [32, 128], strides = [1, 1]} : vector<128x8192xf32> to vector<32x128xf32>
    %slice3A_298 = vector.extract_strided_slice %transpose3A {offsets = [64, 7936], sizes = [32, 128], strides = [1, 1]} : vector<128x8192xf32> to vector<32x128xf32>
    %slice3A_299 = vector.extract_strided_slice %transpose3A {offsets = [96, 7936], sizes = [32, 128], strides = [1, 1]} : vector<128x8192xf32> to vector<32x128xf32>
    %slice3A_300 = vector.extract_strided_slice %transpose3A {offsets = [0, 8064], sizes = [32, 128], strides = [1, 1]} : vector<128x8192xf32> to vector<32x128xf32>
    %slice3A_301 = vector.extract_strided_slice %transpose3A {offsets = [32, 8064], sizes = [32, 128], strides = [1, 1]} : vector<128x8192xf32> to vector<32x128xf32>
    %slice3A_302 = vector.extract_strided_slice %transpose3A {offsets = [64, 8064], sizes = [32, 128], strides = [1, 1]} : vector<128x8192xf32> to vector<32x128xf32>
    %slice3A_303 = vector.extract_strided_slice %transpose3A {offsets = [96, 8064], sizes = [32, 128], strides = [1, 1]} : vector<128x8192xf32> to vector<32x128xf32>
    %concatenate3A_304 = tpu.concatenate %slice3A_272, %slice3A_273, %slice3A_274, %slice3A_275, %slice3A_276, %slice3A_277, %slice3A_278, %slice3A_279, %slice3A_280, %slice3A_281, %slice3A_282, %slice3A_283, %slice3A_284, %slice3A_285, %slice3A_286, %slice3A_287, %slice3A_288, %slice3A_289, %slice3A_290, %slice3A_291, %slice3A_292, %slice3A_293, %slice3A_294, %slice3A_295, %slice3A_296, %slice3A_297, %slice3A_298, %slice3A_299, %slice3A_300, %slice3A_301, %slice3A_302, %slice3A_303 in 1 : vector<32x128xf32>, vector<32x128xf32>, vector<32x128xf32>, vector<32x128xf32>, vector<32x128xf32>, vector<32x128xf32>, vector<32x128xf32>, vector<32x128xf32>, vector<32x128xf32>, vector<32x128xf32>, vector<32x128xf32>, vector<32x128xf32>, vector<32x128xf32>, vector<32x128xf32>, vector<32x128xf32>, vector<32x128xf32>, vector<32x128xf32>, vector<32x128xf32>, vector<32x128xf32>, vector<32x128xf32>, vector<32x128xf32>, vector<32x128xf32>, vector<32x128xf32>, vector<32x128xf32>, vector<32x128xf32>, vector<32x128xf32>, vector<32x128xf32>, vector<32x128xf32>, vector<32x128xf32>, vector<32x128xf32>, vector<32x128xf32>, vector<32x128xf32> -> vector<32x4096xf32>
    %swap3A_305 = arith.constant 7 : index
    %swap3A_306 = arith.constant 0 : index
    %swap3A_307 = arith.constant 0 : index
    %swap3A_308 = vector.load %arg2[%swap3A_305, %swap3A_306, %swap3A_307] : memref<8x32x4096xf32, #tpu.memory_space<vmem>>, vector<1x32x4096xf32>
    %swap3A_309 = vector.shape_cast %swap3A_308 : vector<1x32x4096xf32> to vector<32x4096xf32>
    %swap3A_310 = vector.shape_cast %concatenate3A_304 : vector<32x4096xf32> to vector<1x32x4096xf32>
    tpu.vector_store %arg2[%swap3A_305, %swap3A_306, %swap3A_307], %swap3A_310 {strides = array<i32>} : memref<8x32x4096xf32, #tpu.memory_space<vmem>>, vector<1x32x4096xf32>,
    return
  }
  func.func @transform_0(%arg0: i32) -> (i32, i32) {
    %c0_i32 = arith.constant 0 : i32
    %c0_i32_0 = arith.constant 0 : i32
    return %arg0, %c0_i32 : i32, i32
  }
  func.func @transform_1(%arg0: i32) -> (i32, i32, i32) {
    %c0_i32 = arith.constant 0 : i32
    %c0_i32_0 = arith.constant 0 : i32
    %c0_i32_1 = arith.constant 0 : i32
    return %arg0, %c0_i32, %c0_i32_0 : i32, i32, i32
  }
}

</mosaic_0001>

<sc_bundles>
// kernel: kernel.5.cloned.1.call-start
scs
__scs_entry_jumppad:
0x0: {  	(pc) =	sbr.rel $0x88, $3  }
0x1: {  	(tag) =	ssettag $0x0;
	lr =	simm.s32 $0x1  }
0x2: {  	[smem:$0x3F9F] =	sst lr;
	_ =	strace $0xD0000000  }
0x3: {  	_ = 	snop  }
0x4: {  	_ = 	snop  }
0x5: {  	_ = 	snop  }
0x6: {  	_ = 	snop  }
0x7: {  	_ = 	snop  }
__scs_overlays_trampoline_lowered:
0x8: {  	[smem:$0x3FAE] =	sst s0  }
0x9: {  	[smem:$0x3FAF] =	sst s1  }
0xa: {  	[smem:$0x3FB0] =	sst s2  }
0xb: {  	[smem:$0x3FB1] =	sst s3  }
0xc: {  	[smem:$0x3FB2] =	sst s4  }
0xd: {  	[smem:$0x3FB3] =	sst s5  }
0xe: {  	[smem:$0x3FB4] =	sst s6  }
0xf: {  	[smem:$0x3FB5] =	sst s7  }
0x10: {  	[smem:$0x3FB6] =	sst s8  }
0x11: {  	[smem:$0x3FB7] =	sst s9;
	s0 =	simm.s32 @!p0 $0x0  }
0x12: {  	s1 =	sld [smem:$0x3F9D];
	s0 =	simm.s32 @p0 $0x1  }
0x13: {  	[smem:$0x3FB8] =	sst s0;
	s0 =	simm.s32 @!p1 $0x0  }
0x14: {  	s2 =	sld [smem:$0x3F9C];
	s0 =	simm.s32 @p1 $0x1  }
0x15: {  	[smem:$0x3FB9] =	sst s0;
	s0 =	simm.s32 @!p2 $0x0  }
0x16: {  	s3 =	sld [smem:$0x3FDB];
	s0 =	simm.s32 @p2 $0x1  }
0x17: {  	s4 =	simm.s32 $0x1BF5;
	[smem:$0x3FBB] =	sst s0  }
0x18: {  	s0 =	sld [smem:$0x3F9E];
	_ =	swait.ge [sflag:s4], $0x0  }
0x19: {  	s7 =	sld [smem:$0x3F9F]  }
0x1a: {  	s8 =	sadd.s32 $0xFFFFE003, lr  }
0x1b: {  	s9 =	sadd.s32 $0xFFFFFEF7, lr;
	s5 =	simm.s32 $0xFFFFFFFF;
	p2 =	slt.u32 s8, $0xFFFFF086  }
0x1c: {  	p1 =	slt.u32 s9, $0xF7A;
	s5 =	simm.s32 @!p2 $0x0  }
0x1d: {  	s5 =	simm.s32 @p1 $0x1;
	p0 =	seq.s32 s7, s2  }
0x1e: {  	s7 =	smul.u32 @!p0 $0xF7A, s2;
	p2 =	seq.s32 @!p0 s5, $0x0  }
0x1f: {  	s9 =	smul.u32 $0xF7A, s1;
	s8 =	simm.s32 @!p0 $0x1BF5;
	p2 =	por !p2, p0  }
0x20: {  	[sflag:s8] =	ssyncset.s32 @!p0 $0xFFFFF086;
	s6 =	sadd.s32 @!p0 s3, s7;
	s7 =	simm.s32 @!p0 $0x108  }
0x21: {  	s3 =	sadd.s32 s3, s9;
	s6 =	sadd.s32 @!p0 $0x88, s6;
	s7 =	simm.s32 @p2 $0x1082  }
0x22: {  	[simem:s7], [sflag:s8] =	dma.local @!p0 [hbm:s6], $0xF7A  }
0x23: {  	s9 =	sor.u32 $0xD0000000, s2;
	s6 =	simm.s32 $0x108;
	_ =	swait.ge @!p0 [sflag:s8], $0x0  }
0x24: {  	s3 =	sadd.s32 $0x88, s3;
	s6 =	simm.s32 @!p1 $0x1082;
	[sflag:s4] =	ssyncset.s32 $0xFFFFF086  }
0x25: {  	[simem:s6], [sflag:s4] =	dma.local [hbm:s3], $0xF7A  }
0x26: {  	[smem:$0x3F9F] =	sst s1;
	(tag) =	ssettag s2;
	_ =	strace s9  }
0x27: {  	s1 =	sld [smem:$0x3FAF]  }
0x28: {  	s2 =	sld [smem:$0x3FB0]  }
0x29: {  	s4 =	sld [smem:$0x3FB2]  }
0x2a: {  	p0 =	seq.s32 s5, $0x0;
	s5 =	sld [smem:$0x3FB3]  }
0x2b: {  	s6 =	sld [smem:$0x3FB4]  }
0x2c: {  	s7 =	sld [smem:$0x3FB5]  }
0x2d: {  	s3 =	simm.s32 $0x108;
	s8 =	sld [smem:$0x3FB6]  }
0x2e: {  	s3 =	simm.s32 @!p0 $0x1082;
	s9 =	sld [smem:$0x3FB7]  }
0x2f: {  	lr =	sadd.s32 s0, s3;
	s0 =	sld [smem:$0x3FAE]  }
0x30: {  	s3 =	sld [smem:$0x3FB1]  }
0x31: {  	[smem:$0x3FBA] =	sst s10  }
0x32: {  	s10 =	sld [smem:$0x3FB8];
	_ =	sdelay $0x3  }
0x33: {  	p0 =	seq.s32 s10, $0x1;
	s10 =	sld [smem:$0x3FBA];
	_ =	sdelay $0x3  }
0x34: {  	[smem:$0x3FBA] =	sst s10  }
0x35: {  	s10 =	sld [smem:$0x3FB9];
	_ =	sdelay $0x3  }
0x36: {  	p1 =	seq.s32 s10, $0x1;
	s10 =	sld [smem:$0x3FBA];
	_ =	sdelay $0x3  }
0x37: {  	[smem:$0x3FBA] =	sst s10  }
0x38: {  	s10 =	sld [smem:$0x3FBB]  }
0x39: {  	_ = 	snop;
	(pc) =	sbr.ind lr, $3  }
0x3a: {  	_ = 	snop  }
0x3b: {  	_ = 	snop  }
0x3c: {  	p2 =	seq.s32 s10, $0x1;
	s10 =	sld [smem:$0x3FBA]  }
0x3d: {  	_ =	shalt  }
0x3e: {  	_ =	shalt  }
0x3f: {  	_ =	shalt  }
0x40: {  	_ =	shalt  }
0x41: {  	_ =	shalt  }
0x42: {  	_ =	shalt  }
0x43: {  	_ =	shalt  }
0x44: {  	_ =	shalt  }
0x45: {  	_ =	shalt  }
0x46: {  	_ =	shalt  }
0x47: {  	_ =	shalt  }
0x48: {  	_ =	shalt  }
0x49: {  	_ =	shalt  }
0x4a: {  	_ =	shalt  }
0x4b: {  	_ =	shalt  }
0x4c: {  	_ =	shalt  }
0x4d: {  	_ =	shalt  }
0x4e: {  	_ =	shalt  }
0x4f: {  	_ =	shalt  }
0x50: {  	_ =	shalt  }
0x51: {  	_ =	shalt  }
0x52: {  	_ =	shalt  }
0x53: {  	_ =	shalt  }
0x54: {  	_ =	shalt  }
0x55: {  	_ =	shalt  }
0x56: {  	_ =	shalt  }
0x57: {  	_ =	shalt  }
0x58: {  	_ =	shalt  }
0x59: {  	_ =	shalt  }
0x5a: {  	_ =	shalt  }
0x5b: {  	_ =	shalt  }
0x5c: {  	_ =	shalt  }
0x5d: {  	_ =	shalt  }
0x5e: {  	_ =	shalt  }
0x5f: {  	_ =	shalt  }
0x60: {  	_ =	shalt  }
0x61: {  	_ =	shalt  }
0x62: {  	_ =	shalt  }
0x63: {  	_ =	shalt  }
0x64: {  	_ =	shalt  }
0x65: {  	_ =	shalt  }
0x66: {  	_ =	shalt  }
0x67: {  	_ =	shalt  }
0x68: {  	_ =	shalt  }
0x69: {  	_ =	shalt  }
0x6a: {  	_ =	shalt  }
0x6b: {  	_ =	shalt  }
0x6c: {  	_ =	shalt  }
0x6d: {  	_ =	shalt  }
0x6e: {  	_ =	shalt  }
0x6f: {  	_ =	shalt  }
0x70: {  	_ =	shalt  }
0x71: {  	_ =	shalt  }
0x72: {  	_ =	shalt  }
0x73: {  	_ =	shalt  }
0x74: {  	_ =	shalt  }
0x75: {  	_ =	shalt  }
0x76: {  	_ =	shalt  }
0x77: {  	_ =	shalt  }
0x78: {  	_ =	shalt  }
0x79: {  	_ =	shalt  }
0x7a: {  	_ =	shalt  }
0x7b: {  	_ =	shalt  }
0x7c: {  	_ =	shalt  }
0x7d: {  	_ =	shalt  }
0x7e: {  	_ =	shalt  }
0x7f: {  	_ =	shalt  }
0x80: {  	_ =	shalt  }
0x81: {  	_ =	shalt  }
0x82: {  	_ =	shalt  }
0x83: {  	_ =	shalt  }
0x84: {  	_ =	shalt  }
0x85: {  	_ =	shalt  }
0x86: {  	_ =	shalt  }
0x87: {  	_ =	shalt  }
.Lfunc_end0:
.L_simem_size_0:
called_computation_lowered:
.L_overlay_start_0:
0x88: {  	s2 =	sld [smem:$0x3FD9]  }
0x89: {  	s3 =	sld [smem:$0x3FFE];
	_ =	sdelay $0x1  }
0x8a: {  	s1 =	srdreg.scid  }
0x8b: {  	s0 =	sand.u32 $0x1, s1  }
0x8c: {  	s17 =	sshll.u32 s0, $0xA;
	s2 =	sadd.s32 s3, s2  }
0x8d: {  	s2 =	sadd.s32 s2, s17  }
0x8e: {  	[smem:$0x3FC6] =	sst s2  }
0x8f: {  	_ = 	snop  }
0x90: {  	s2 =	sld [smem:$0x3FD0];
	(tm) =	ssettm $0x1  }
0x91: {  	s18 =	sld [smem:$0x3FFB];
	_ =	sdelay $0x3  }
0x92: {  	_ =	strace s18  }
0x93: {  	s3 =	sld [smem:$0x3FFC];
	_ =	sdelay $0x3  }
0x94: {  	_ =	strace s3  }
0x95: {  	s3 =	sld [smem:$0x3FFD];
	_ =	sdelay $0x3  }
0x96: {  	_ =	strace s3  }
0x97: {  	_ =	strace $0x8FFFFFFF  }
0x98: {  	s19 =	sld [smem:$0x3FDB];
	_ =	sdelay $0x1  }
0x99: {  	s4 =	simm.s32 $_scs_section_size  }
0x9a: {  	s5 =	simm.s32 $_size__tile_overlayer_lowered;
	s6 =	simm.s32 $_tile_overlayer_lowered  }
0x9b: {  	s22 =	simm.s32 $0x1BFF;
	s21 =	sshll.u32 s6, $0x1;
	s3 =	sadd.s32 s4, s19  }
0x9c: {  	s7 =	simm.s32 $0x0;
	s20 =	sshll.u32 s5, $0x1;
	s5 =	sadd.s32 s21, s3  }
0x9d: {  	[timem:s7], [sflag:s22] =	dma.local [hbm:s5], s20  }
0x9e: {  	_ =	swait.ge [sflag:s22], s20  }
0x9f: {  	s4 =	ssub.s32 $0x0, s20;
	[sflag:s22] =	ssyncset.done $0x0  }
0xa0: {  	[sflag:s22] =	ssyncadd.s32 s4;
	_ =	sdelay $0x1  }
0xa1: {  	s23 =	simm.s32 $0x1B8B  }
0xa2: {  	_ =	swait.ge [sflag:s23], $0x1  }
0xa3: {  	[sflag:s23] =	ssyncset.done $0x0  }
0xa4: {  	s25 =	simm.s32 $0x1B8E;
	s24 =	sld [smem:$0x3FFE];
	[sflag:s23] =	ssyncadd.s32 $0xFFFFFFFF  }
0xa5: {  	s26 =	simm.s32 $execute0_lowered;
	[smem:$0x3FD2] =	sst s25  }
0xa6: {  	s5 =	sshll.u32 s26, $0x1;
	_ =	strace $0x80000046;
	[dreg:$0x1] =	wrdreg $0xFFFFFFFF  }
0xa7: {  	s28 =	simm.s32 $_size_execute0_lowered;
	s3 =	sadd.s32 s3, s5;
	[dreg:$0x0] =	wrdreg $0x0  }
0xa8: {  	s5 =	sshll.u32 s28, $0x1;
	[dreg:$0x2] =	wrdreg s3  }
0xa9: {  	[dreg:$0x3] =	wrdreg s5  }
0xaa: {  	[dreg:$0x4] =	wrdreg $0xC0  }
0xab: {  	_ =	task [dreg:s7], $0x5FFFF  }
0xac: {  	[dreg:$0x1] =	wrdreg $0xFFFFFFFF  }
0xad: {  	[dreg:$0x0] =	wrdreg $0x60  }
0xae: {  	[dreg:$0x2] =	wrdreg s2  }
0xaf: {  	[dreg:$0x3] =	wrdreg s24  }
0xb0: {  	[dreg:$0x4] =	wrdreg $0x9  }
0xb1: {  	_ =	task.clear_ibuf [dreg:s7], $0x5FFFF;
	_ =	strace $0x90000046  }
0xb2: {  	s29 =	simm.s32 $0x9;
	_ =	strace $0x80000048  }
0xb3: {  	_ =	swait.ge [sflag:s29], $0x1  }
0xb4: {  	[sflag:s29] =	ssyncadd.s32 $0xFFFFFFFF  }
0xb5: {  	_ =	strace $0x90000048  }
0xb6: {  	_ =	sfence  }
0xb7: {  	s30 =	sld [smem:$0x0];
	_ =	sdelay $0x2  }
0xb8: {  	s31 =	sshll.u32 s1, $0xD;
	s1 =	sshrl.u32 s1, $0x2  }
0xb9: {  	s3 =	sand.u32 $0x4000, s31;
	s1 =	sadd.s32 s1, s30  }
0xba: {  	s0 =	sor.u32 s3, s0;
	s1 =	sshll.u32 s1, $0x11  }
0xbb: {  	s0 =	sor.u32 s1, s0  }
0xbc: {  	s0 =	sadd.s32 $0x8F2B, s0  }
0xbd: {  	[sflag:s0] =	ssyncadd.remote.s32 $0x1  }
0xbe: {  	_ =	sfence.sel $0xFFFF  }
0xbf: {  	[dreg:$0x0] =	wrdreg $0xFFFFFFFF;
	(pc) =	sbr.abs _section_cstart, $3  }
0xc0: {  	[dreg:$0x1] =	wrdreg $0xFFFFFFFF  }
0xc1: {  	_ =	task.clear_ibuf [dreg:s7], $0x2FFFF;
	_ =	strace $0x9FFFFFFF  }
0xc2: {  	(tm) =	ssettm $0x7FFFFFFF  }
0xc3: {  	_ =	shalt  }
tec
execute0_lowered:
.L_overlay_start_1:
0x0: {  	(tag) =	ssettag $0x1  }
0x1: {  	s0 =	rddreg [dreg:$0x0]  }
0x2: {  	s1 =	rddreg [dreg:$0x1];
	s3 =	simm.s32 $0x0;
	s2 =	srdreg.scid  }
0x3: {  	s7 =	stileid.u32;
	s8 =	simm.s32 $0x80;
	s16 =	simm.s32 $0x9400  }
0x4: {  	s18 =	simm.s32 $0xA400;
	s29 =	simm.s32 $0xF400;
	s31 =	simm.s32 $0x10400  }
0x5: {  	s9 =	simm.s32 $0x12400;
	s15 =	simm.s32 $0x13400;
	s19 =	simm.s32 $0x14400  }
0x6: {  	s28 =	simm.s32 $0x16400;
	s13 =	simm.s32 $0x18400;
	s30 =	simm.s32 $0x20  }
0x7: {  	s17 =	simm.s32 $0x2;
	[smem:$0x7FF] =	sst s3;
	s2 =	sand.u32 $0x1, s2  }
0x8: {  	s4 =	sshll.u32 s7, $0x6;
	s3 =	sadd.s32 $0x400, s1;
	s6 =	sshll.u32 s7, $0xD  }
0x9: {  	s1 =	sadd.s32 $0x3E0400, s1;
	s21 =	sshll.u32 s7, $0x5;
	_ =	strace $0x80000047  }
0xa: {  	s5 =	sshll.u32 s2, $0x5;
	s20 =	ssub.s32 $0x2, s2;
	s2 =	sshll.u32 s2, $0x4  }
0xb: {  	s4 =	sor.u32 s5, s4;
	s22 =	sshrl.u32 s20, $0x1;
	s2 =	sor.u32 s2, s21  }
0xc: {  	s21 =	simm.s32 $0x19400;
	s4 =	sor.u32 s4, s6;
	s5 =	ssub.s32 s20, s22  }
0xd: {  	s0 =	sadd.s32 s0, s2;
	s20 =	simm.s32 $0xB400;
	s22 =	simm.s32 $0xC400  }
0xe: {  	s2 =	simm.s32 $0x3;
	s6 =	simm.s32 $0x0;
	s4 =	sand.u32 $0x1C060, s4  }
0xf: {  	[dreg:$0x3] =	wrdreg s0;
	s25 =	smax.u32 s5, $0x1;
	s23 =	sor.u32 $0x140000, s4  }
.Ltmp0:
0x10: {  	[dreg:$0x4] =	wrdreg s25;
	s26 =	sshrl.u32 s4, $0x3;
	(pc) =	sbr.rel .LBB2_1-.Ltmp0, $4  }
0x11: {  	s25 =	simm.s32 $0x1;
	s4 =	simm.s32 $0x4;
	s24 =	sshrl.u32 s23, $0x3  }
0x12: {  	s23 =	simm.s32 $0x15400;
	s0 =	sadd.s32 s24, s1;
	s24 =	simm.s32 $0xD400  }
0x13: {  	[dreg:$0x5] =	wrdreg s0;
	s0 =	sadd.s32 s26, s1;
	s26 =	simm.s32 $0xE400  }
0x14: {  	s1 =	simm.s32 $0x11400;
	[dreg:$0x6] =	wrdreg s0;
	s0 =	simm.s32 $0x17400  }
.LBB2_6:
0x15: {  	s6 =	rddreg [dreg:$0x7]  }
0x16: {  	s5 =	rddreg [dreg:$0x4];
	s6 =	sadd.s32 $0x1, s6  }
0x17: {  	p0 =	sne.s32 s6, s5  }
.Ltmp1:
0x18: {  	_ = 	snop;
	(pc) =	sbr.rel @!p0 .LBB2_7-.Ltmp1, $1  }
0x19: {  	_ =	sdelay $0x3  }
.LBB2_1:
0x1a: {  	[dreg:$0x7] =	wrdreg s6;
	s5 =	simm.s32 $0x0  }
0x1b: {  	s12 =	rddreg [dreg:$0x3];
	s7 =	simm.s32 $0x1000;
	s14 =	simm.s32 $0x5  }
0x1c: {  	[tilespmem:s5], [sflag:$0x5] =	stream.strided.gather [hbm4b:s12+s8], $0x6400, s7, s8, $0x38;
	[tilespmem:$0x1A400] =	vst v63  }
0x1d: {  	_ =	swait.ge [sflag:s14], $0x6400  }
0x1e: {  	[sflag:s14] =	ssyncset.done $0x0  }
0x1f: {  	s6 =	simm.s32 $0x0;
	[sflag:s14] =	ssyncadd.s32 $0xFFFF9C00  }
0x20: {  	v0 =	vld [tilespmem:s6+$0x0]  }
0x21: {  	v1 =	vld [tilespmem:s6+$0x10]  }
0x22: {  	v5 =	vld [tilespmem:s6+$0x30];
	_ =	sdelay $0x2  }
0x23: {  	v2 =	vshll.u32 v0, $0x2  }
0x24: {  	v3 =	vld [tilespmem:s6+$0x20];
	v4 =	vand.u32 $0xFFFFE000, v0;
	v0 =	vshrl.u32 v0, $0xB;
	v6 =	vand.u32 $0xFFFFE000, v1  }
0x25: {  	v7 =	vshll.u32 v5, $0x2;
	v9 =	vand.u32 $0xFFFFE000, v5;
	v5 =	vshrl.u32 v5, $0xB  }
0x26: {  	v2 =	vand.u32 $0x1FFC, v2;
	v0 =	vand.u32 $0x3, v0;
	v7 =	vand.u32 $0x1FFC, v7  }
0x27: {  	v8 =	vld [tilespmem:s6+$0x40];
	v2 =	vor.u32 v4, v2;
	v4 =	vshll.u32 v1, $0x2;
	v1 =	vshrl.u32 v1, $0xB  }
0x28: {  	v7 =	vor.u32 v9, v7;
	v9 =	vand.u32 $0x3, v5;
	v4 =	vand.u32 $0x1FFC, v4  }
0x29: {  	v5 =	vld [tilespmem:s6+$0x50];
	v0 =	vor.u32 v0, v2;
	v2 =	vor.u32 v6, v4;
	v6 =	vshll.u32 v3, $0x2  }
0x2a: {  	v4 =	vand.u32 $0xFFFFE000, v3;
	v3 =	vshrl.u32 v3, $0xB;
	v6 =	vand.u32 $0x1FFC, v6  }
0x2b: {  	v1 =	vand.u32 $0x3, v1;
	v3 =	vand.u32 $0x3, v3;
	v6 =	vor.u32 v4, v6  }
0x2c: {  	v4 =	vor.u32 v1, v2;
	v1 =	vor.u32 v9, v7;
	v2 =	vld [tilespmem:s6+$0x60];
	v7 =	vshll.u32 v8, $0x2  }
0x2d: {  	s7 =	simm.s32 $0x200;
	v3 =	vor.u32 v3, v6;
	v6 =	vand.u32 $0xFFFFE000, v8;
	v8 =	vshrl.u32 v8, $0xB  }
.LBB2_2:
0x2e: {  	p0 =	sne.s32 s7, $0x18E00;
	v7 =	vand.u32 $0x1FFC, v7;
	v8 =	vand.u32 $0x3, v8;
	v9 =	vshll.u32 v5, $0x2;
	v10 =	vld [tilespmem:s6+$0x70]  }
0x2f: {  	v11 =	vand.u32 $0xFFFFE000, v5;
	v5 =	vshrl.u32 v5, $0xB;
	v9 =	vand.u32 $0x1FFC, v9  }
0x30: {  	s10 =	sshra.s32 s7, $0x2;
	v5 =	vand.u32 $0x3, v5;
	[tilespmem:s6+$0x0] =	vst v0;
	v0 =	vor.u32 v6, v7;
	v6 =	vor.u32 v11, v9  }
0x31: {  	v7 =	vld [tilespmem:s10+$0x0];
	[tilespmem:s6+$0x10] =	vst v4;
	v0 =	vor.u32 v8, v0;
	v4 =	vor.u32 v5, v6;
	v5 =	vshll.u32 v2, $0x2  }
0x32: {  	[tilespmem:s6+$0x20] =	vst v3;
	v3 =	vand.u32 $0xFFFFE000, v2;
	v5 =	vand.u32 $0x1FFC, v5;
	v2 =	vshrl.u32 v2, $0xB  }
0x33: {  	v6 =	vld [tilespmem:s10+$0x10];
	[tilespmem:s6+$0x30] =	vst v1;
	v1 =	vor.u32 v3, v5;
	v2 =	vand.u32 $0x3, v2;
	v3 =	vshll.u32 v10, $0x2  }
0x34: {  	v5 =	vshrl.u32 v10, $0xB;
	[tilespmem:s6+$0x40] =	vst v0;
	v0 =	vand.u32 $0xFFFFE000, v10;
	v3 =	vand.u32 $0x1FFC, v3  }
0x35: {  	v1 =	vor.u32 v2, v1;
	v2 =	vand.u32 $0x3, v5;
	[tilespmem:s6+$0x50] =	vst v4;
	v0 =	vor.u32 v0, v3  }
0x36: {  	v3 =	vshll.u32 v7, $0x2;
	v4 =	vld [tilespmem:s10+$0x20];
	[tilespmem:s6+$0x60] =	vst v1;
	v0 =	vor.u32 v2, v0  }
0x37: {  	v1 =	vand.u32 $0xFFFFE000, v7;
	v2 =	vand.u32 $0x1FFC, v3;
	v3 =	vshrl.u32 v7, $0xB;
	v7 =	vld [tilespmem:s10+$0x30];
	[tilespmem:s6+$0x70] =	vst v0;
	s6 =	smov.u32 s10  }
0x38: {  	v0 =	vor.u32 v1, v2;
	v1 =	vand.u32 $0x3, v3;
	v2 =	vshll.u32 v6, $0x2  }
0x39: {  	v3 =	vand.u32 $0xFFFFE000, v6;
	v5 =	vshrl.u32 v6, $0xB;
	v2 =	vand.u32 $0x1FFC, v2  }
0x3a: {  	v0 =	vor.u32 v1, v0;
	v1 =	vor.u32 v3, v2;
	v2 =	vand.u32 $0x3, v5  }
0x3b: {  	v3 =	vand.u32 $0xFFFFE000, v4;
	v5 =	vshll.u32 v4, $0x2;
	v4 =	vshrl.u32 v4, $0xB;
	v8 =	vld [tilespmem:s6+$0x40]  }
.Ltmp2:
0x3c: {  	v6 =	vand.u32 $0x1FFC, v5;
	v9 =	vand.u32 $0x3, v4;
	v4 =	vshll.u32 v7, $0x2;
	v5 =	vld [tilespmem:s6+$0x50];
	(pc) =	sbr.rel @p0 .LBB2_2-.Ltmp2, $4  }
0x3d: {  	v10 =	vand.u32 $0xFFFFE000, v7;
	v7 =	vshrl.u32 v7, $0xB;
	v4 =	vand.u32 $0x1FFC, v4  }
0x3e: {  	v3 =	vor.u32 v3, v6;
	v7 =	vand.u32 $0x3, v7;
	v6 =	vor.u32 v10, v4  }
0x3f: {  	v4 =	vor.u32 v2, v1;
	v3 =	vor.u32 v9, v3;
	v1 =	vor.u32 v7, v6;
	v2 =	vld [tilespmem:s6+$0x60]  }
0x40: {  	s7 =	sadd.s32 $0x200, s7;
	v6 =	vand.u32 $0xFFFFE000, v8;
	v7 =	vshll.u32 v8, $0x2;
	v8 =	vshrl.u32 v8, $0xB  }
0x41: {  	v7 =	vand.u32 $0x1FFC, v7;
	v8 =	vand.u32 $0x3, v8;
	v9 =	vshll.u32 v5, $0x2;
	v10 =	vld [tilespmem:s6+$0x70]  }
0x42: {  	v11 =	vand.u32 $0xFFFFE000, v5;
	v52 =	vshrl.u32 v5, $0xB;
	v9 =	vand.u32 $0x1FFC, v9  }
0x43: {  	[tilespmem:s6+$0x0] =	vst v0;
	v53 =	vor.u32 v6, v7;
	v5 =	vand.u32 $0x3, v52;
	v54 =	vor.u32 v11, v9  }
0x44: {  	[tilespmem:s6+$0x10] =	vst v4;
	v0 =	vor.u32 v8, v53;
	v55 =	vor.u32 v5, v54;
	v56 =	vshll.u32 v2, $0x2  }
0x45: {  	[tilespmem:s6+$0x20] =	vst v3;
	v57 =	vand.u32 $0xFFFFE000, v2;
	v58 =	vshrl.u32 v2, $0xB;
	v5 =	vand.u32 $0x1FFC, v56  }
0x46: {  	[tilespmem:s6+$0x30] =	vst v1;
	v2 =	vand.u32 $0x3, v58;
	v59 =	vor.u32 v57, v5;
	v60 =	vshll.u32 v10, $0x2  }
0x47: {  	[tilespmem:s6+$0x40] =	vst v0;
	v61 =	vand.u32 $0xFFFFE000, v10;
	v62 =	vshrl.u32 v10, $0xB;
	v3 =	vand.u32 $0x1FFC, v60  }
0x48: {  	[tilespmem:s6+$0x50] =	vst v55;
	v1 =	vor.u32 v2, v59;
	v63 =	vand.u32 $0x3, v62;
	v0 =	vor.u32 v61, v3  }
0x49: {  	[tilespmem:s6+$0x60] =	vst v1;
	v0 =	vor.u32 v63, v0  }
0x4a: {  	s5 =	simm.s32 $0x6400;
	[tilespmem:s6+$0x70] =	vst v0;
	s6 =	simm.s32 $0x0  }
0x4b: {  	[tilespmem:s5], [sflag:$0x1] =	stream.indirect.gather [hbm4b:s3+s8], $0x20, s6, s8, $0xb8;
	[tilespmem:$0x1A400] =	vst v63  }
0x4c: {  	s10 =	simm.s32 $0x7400  }
0x4d: {  	[tilespmem:s10], [sflag:$0x1] =	stream.indirect.gather [hbm4b:s3+s8], $0x20, s8, s8, $0xb8;
	[tilespmem:$0x1A400] =	vst v63  }
0x4e: {  	s11 =	simm.s32 $0x100;
	s7 =	simm.s32 $0x8400  }
0x4f: {  	[tilespmem:s7], [sflag:$0x1] =	stream.indirect.gather [hbm4b:s3+s8], $0x20, s11, s8, $0xb8;
	[tilespmem:$0x1A400] =	vst v63  }
0x50: {  	s12 =	simm.s32 $0x180  }
0x51: {  	[tilespmem:s16], [sflag:$0x1] =	stream.indirect.gather [hbm4b:s3+s8], $0x20, s12, s8, $0xb8;
	[tilespmem:$0x1A400] =	vst v63  }
0x52: {  	s14 =	simm.s32 $0x200  }
0x53: {  	[tilespmem:s18], [sflag:$0x1] =	stream.indirect.gather [hbm4b:s3+s8], $0x20, s14, s8, $0xb8;
	[tilespmem:$0x1A400] =	vst v63  }
0x54: {  	s7 =	simm.s32 $0x280  }
0x55: {  	[tilespmem:s20], [sflag:$0x1] =	stream.indirect.gather [hbm4b:s3+s8], $0x20, s7, s8, $0xb8;
	[tilespmem:$0x1A400] =	vst v63  }
0x56: {  	s10 =	simm.s32 $0x300  }
0x57: {  	[tilespmem:s22], [sflag:$0x1] =	stream.indirect.gather [hbm4b:s3+s8], $0x20, s10, s8, $0xb8;
	[tilespmem:$0x1A400] =	vst v63  }
0x58: {  	s11 =	simm.s32 $0x380  }
0x59: {  	[tilespmem:s24], [sflag:$0x1] =	stream.indirect.gather [hbm4b:s3+s8], $0x20, s11, s8, $0xb8;
	[tilespmem:$0x1A400] =	vst v63  }
0x5a: {  	s12 =	simm.s32 $0x400  }
0x5b: {  	[tilespmem:s26], [sflag:$0x1] =	stream.indirect.gather [hbm4b:s3+s8], $0x20, s12, s8, $0xb8;
	[tilespmem:$0x1A400] =	vst v63  }
0x5c: {  	s14 =	simm.s32 $0x480  }
0x5d: {  	[tilespmem:s29], [sflag:$0x1] =	stream.indirect.gather [hbm4b:s3+s8], $0x20, s14, s8, $0xb8;
	[tilespmem:$0x1A400] =	vst v63  }
0x5e: {  	s7 =	simm.s32 $0x500  }
0x5f: {  	[tilespmem:s31], [sflag:$0x2] =	stream.indirect.gather [hbm4b:s3+s8], $0x20, s7, s8, $0xb8;
	[tilespmem:$0x1A400] =	vst v63  }
0x60: {  	s10 =	simm.s32 $0x580  }
0x61: {  	[tilespmem:s1], [sflag:$0x2] =	stream.indirect.gather [hbm4b:s3+s8], $0x20, s10, s8, $0xb8;
	[tilespmem:$0x1A400] =	vst v63  }
0x62: {  	s11 =	simm.s32 $0x600  }
0x63: {  	[tilespmem:s9], [sflag:$0x2] =	stream.indirect.gather [hbm4b:s3+s8], $0x20, s11, s8, $0xb8;
	[tilespmem:$0x1A400] =	vst v63  }
0x64: {  	s12 =	simm.s32 $0x680  }
0x65: {  	[tilespmem:s15], [sflag:$0x2] =	stream.indirect.gather [hbm4b:s3+s8], $0x20, s12, s8, $0xb8;
	[tilespmem:$0x1A400] =	vst v63  }
0x66: {  	s14 =	simm.s32 $0x700  }
0x67: {  	[tilespmem:s19], [sflag:$0x2] =	stream.indirect.gather [hbm4b:s3+s8], $0x20, s14, s8, $0xb8;
	[tilespmem:$0x1A400] =	vst v63  }
0x68: {  	s7 =	simm.s32 $0x780  }
0x69: {  	[tilespmem:s23], [sflag:$0x2] =	stream.indirect.gather [hbm4b:s3+s8], $0x20, s7, s8, $0xb8;
	[tilespmem:$0x1A400] =	vst v63  }
0x6a: {  	s10 =	simm.s32 $0x800  }
0x6b: {  	[tilespmem:s28], [sflag:$0x2] =	stream.indirect.gather [hbm4b:s3+s8], $0x20, s10, s8, $0xb8;
	[tilespmem:$0x1A400] =	vst v63  }
0x6c: {  	s11 =	simm.s32 $0x880  }
0x6d: {  	[tilespmem:s0], [sflag:$0x2] =	stream.indirect.gather [hbm4b:s3+s8], $0x20, s11, s8, $0xb8;
	[tilespmem:$0x1A400] =	vst v63  }
0x6e: {  	s12 =	simm.s32 $0x900;
	s7 =	rddreg [dreg:$0x6]  }
0x6f: {  	[tilespmem:s13], [sflag:$0x2] =	stream.indirect.gather [hbm4b:s3+s8], $0x20, s12, s8, $0xb8;
	[tilespmem:$0x1A400] =	vst v63  }
0x70: {  	s14 =	simm.s32 $0x980;
	s10 =	rddreg [dreg:$0x5]  }
0x71: {  	[tilespmem:s21], [sflag:$0x2] =	stream.indirect.gather [hbm4b:s3+s8], $0x20, s14, s8, $0xb8;
	[tilespmem:$0x1A400] =	vst v63  }
.LBB2_4:
0x72: {  	_ =	swait.ge [sflag:s25], $0x1000  }
0x73: {  	[sflag:s25] =	ssyncset.done $0x0  }
0x74: {  	[sflag:s25] =	ssyncadd.s32 $0xFFFFF000  }
0x75: {  	_ =	swait.ge [sflag:s25], $0x1000  }
0x76: {  	[sflag:s25] =	ssyncset.done $0x0  }
0x77: {  	[sflag:s25] =	ssyncadd.s32 $0xFFFFF000  }
0x78: {  	_ =	swait.ge [sflag:s25], $0x1000  }
0x79: {  	[sflag:s25] =	ssyncset.done $0x0  }
0x7a: {  	[sflag:s25] =	ssyncadd.s32 $0xFFFFF000  }
0x7b: {  	_ =	swait.ge [sflag:s25], $0x1000  }
0x7c: {  	[sflag:s25] =	ssyncset.done $0x0  }
0x7d: {  	[sflag:s25] =	ssyncadd.s32 $0xFFFFF000  }
0x7e: {  	_ =	swait.ge [sflag:s25], $0x1000  }
0x7f: {  	[sflag:s25] =	ssyncset.done $0x0  }
0x80: {  	[sflag:s25] =	ssyncadd.s32 $0xFFFFF000  }
0x81: {  	_ =	swait.ge [sflag:s25], $0x1000  }
0x82: {  	[sflag:s25] =	ssyncset.done $0x0  }
0x83: {  	[sflag:s25] =	ssyncadd.s32 $0xFFFFF000  }
0x84: {  	_ =	swait.ge [sflag:s25], $0x1000  }
0x85: {  	[sflag:s25] =	ssyncset.done $0x0  }
0x86: {  	[sflag:s25] =	ssyncadd.s32 $0xFFFFF000  }
0x87: {  	_ =	swait.ge [sflag:s25], $0x1000  }
0x88: {  	[sflag:s25] =	ssyncset.done $0x0  }
0x89: {  	[sflag:s25] =	ssyncadd.s32 $0xFFFFF000  }
0x8a: {  	_ =	swait.ge [sflag:s25], $0x1000  }
0x8b: {  	[sflag:s25] =	ssyncset.done $0x0  }
0x8c: {  	[sflag:s25] =	ssyncadd.s32 $0xFFFFF000  }
0x8d: {  	_ =	swait.ge [sflag:s25], $0x1000  }
0x8e: {  	[sflag:s25] =	ssyncset.done $0x0  }
0x8f: {  	s5 =	simm.s32 $0x6400;
	[sflag:s25] =	ssyncadd.s32 $0xFFFFF000  }
0x90: {  	[hbm4b:s7+s30] =	stream.strided.scatter [tilespmem:s5], [sflag:$0x3], $0x1000, s8, s30, $0x38;
	[tilespmem:$0x1A400] =	vst v63  }
0x91: {  	s14 =	sadd.s32 $0x4000, s7;
	s11 =	simm.s32 $0x7400  }
0x92: {  	[hbm4b:s14+s30] =	stream.strided.scatter [tilespmem:s11], [sflag:$0x3], $0x1000, s8, s30, $0x38;
	[tilespmem:$0x1A400] =	vst v63  }
0x93: {  	s12 =	simm.s32 $0x8400;
	s11 =	sadd.s32 $0x8000, s7  }
0x94: {  	[hbm4b:s11+s30] =	stream.strided.scatter [tilespmem:s12], [sflag:$0x3], $0x1000, s8, s30, $0x38;
	[tilespmem:$0x1A400] =	vst v63  }
0x95: {  	s14 =	sadd.s32 $0xC000, s7  }
0x96: {  	[hbm4b:s14+s30] =	stream.strided.scatter [tilespmem:s16], [sflag:$0x3], $0x1000, s8, s30, $0x38;
	[tilespmem:$0x1A400] =	vst v63  }
0x97: {  	s11 =	sadd.s32 $0x10000, s7  }
0x98: {  	[hbm4b:s11+s30] =	stream.strided.scatter [tilespmem:s18], [sflag:$0x3], $0x1000, s8, s30, $0x38;
	[tilespmem:$0x1A400] =	vst v63  }
0x99: {  	s12 =	sadd.s32 $0x14000, s7  }
0x9a: {  	[hbm4b:s12+s30] =	stream.strided.scatter [tilespmem:s20], [sflag:$0x3], $0x1000, s8, s30, $0x38;
	[tilespmem:$0x1A400] =	vst v63  }
0x9b: {  	s14 =	sadd.s32 $0x18000, s7  }
0x9c: {  	[hbm4b:s14+s30] =	stream.strided.scatter [tilespmem:s22], [sflag:$0x3], $0x1000, s8, s30, $0x38;
	[tilespmem:$0x1A400] =	vst v63  }
0x9d: {  	s11 =	sadd.s32 $0x1C000, s7  }
0x9e: {  	[hbm4b:s11+s30] =	stream.strided.scatter [tilespmem:s24], [sflag:$0x3], $0x1000, s8, s30, $0x38;
	[tilespmem:$0x1A400] =	vst v63  }
0x9f: {  	s12 =	sadd.s32 $0x20000, s7  }
0xa0: {  	[hbm4b:s12+s30] =	stream.strided.scatter [tilespmem:s26], [sflag:$0x3], $0x1000, s8, s30, $0x38;
	[tilespmem:$0x1A400] =	vst v63  }
0xa1: {  	p0 =	seq.s32 s6, $0x16800;
	s14 =	sadd.s32 $0x24000, s7  }
0xa2: {  	[hbm4b:s14+s30] =	stream.strided.scatter [tilespmem:s29], [sflag:$0x3], $0x1000, s8, s30, $0x38;
	[tilespmem:$0x1A400] =	vst v63  }
0xa3: {  	s5 =	sshra.s32 @!p0 s6, $0x2;
	_ =	swait.ge [sflag:s2], $0xA000  }
0xa4: {  	s11 =	sadd.s32 @!p0 $0xA00, s5;
	[sflag:s2] =	ssyncset.done $0x0  }
0xa5: {  	s12 =	simm.s32 @!p0 $0x80;
	s14 =	simm.s32 @!p0 $0x6400;
	[sflag:s2] =	ssyncadd.s32 $0xFFFF6000  }
0xa6: {  	[tilespmem:s14], [sflag:$0x1] =	stream.indirect.gather @!p0 [hbm4b:s3+s12], $0x20, s11, s12, $0xb8;
	[tilespmem:$0x1A400] =	vst v63  }
0xa7: {  	s11 =	sadd.s32 @!p0 $0xA80, s5;
	s14 =	simm.s32 @!p0 $0x7400  }
0xa8: {  	[tilespmem:s14], [sflag:$0x1] =	stream.indirect.gather @!p0 [hbm4b:s3+s12], $0x20, s11, s12, $0xb8;
	[tilespmem:$0x1A400] =	vst v63  }
0xa9: {  	s11 =	sadd.s32 @!p0 $0xB00, s5;
	s14 =	simm.s32 @!p0 $0x8400  }
0xaa: {  	[tilespmem:s14], [sflag:$0x1] =	stream.indirect.gather @!p0 [hbm4b:s3+s12], $0x20, s11, s12, $0xb8;
	[tilespmem:$0x1A400] =	vst v63  }
0xab: {  	s11 =	sadd.s32 @!p0 $0xB80, s5;
	s14 =	simm.s32 @!p0 $0x9400  }
0xac: {  	[tilespmem:s14], [sflag:$0x1] =	stream.indirect.gather @!p0 [hbm4b:s3+s12], $0x20, s11, s12, $0xb8;
	[tilespmem:$0x1A400] =	vst v63  }
0xad: {  	s11 =	sadd.s32 @!p0 $0xC00, s5;
	s14 =	simm.s32 @!p0 $0xA400  }
0xae: {  	[tilespmem:s14], [sflag:$0x1] =	stream.indirect.gather @!p0 [hbm4b:s3+s12], $0x20, s11, s12, $0xb8;
	[tilespmem:$0x1A400] =	vst v63  }
0xaf: {  	s11 =	sadd.s32 @!p0 $0xC80, s5;
	s14 =	simm.s32 @!p0 $0xB400  }
0xb0: {  	[tilespmem:s14], [sflag:$0x1] =	stream.indirect.gather @!p0 [hbm4b:s3+s12], $0x20, s11, s12, $0xb8;
	[tilespmem:$0x1A400] =	vst v63  }
0xb1: {  	s11 =	sadd.s32 @!p0 $0xD00, s5;
	s14 =	simm.s32 @!p0 $0xC400  }
0xb2: {  	[tilespmem:s14], [sflag:$0x1] =	stream.indirect.gather @!p0 [hbm4b:s3+s12], $0x20, s11, s12, $0xb8;
	[tilespmem:$0x1A400] =	vst v63  }
0xb3: {  	s11 =	sadd.s32 @!p0 $0xD80, s5;
	s14 =	simm.s32 @!p0 $0xD400  }
0xb4: {  	[tilespmem:s14], [sflag:$0x1] =	stream.indirect.gather @!p0 [hbm4b:s3+s12], $0x20, s11, s12, $0xb8;
	[tilespmem:$0x1A400] =	vst v63  }
0xb5: {  	s11 =	sadd.s32 @!p0 $0xE00, s5;
	s14 =	simm.s32 @!p0 $0xE400  }
0xb6: {  	[tilespmem:s14], [sflag:$0x1] =	stream.indirect.gather @!p0 [hbm4b:s3+s12], $0x20, s11, s12, $0xb8;
	[tilespmem:$0x1A400] =	vst v63  }
0xb7: {  	s5 =	sadd.s32 @!p0 $0xE80, s5;
	s11 =	simm.s32 @!p0 $0xF400  }
0xb8: {  	[tilespmem:s11], [sflag:$0x1] =	stream.indirect.gather @!p0 [hbm4b:s3+s12], $0x20, s5, s12, $0xb8;
	[tilespmem:$0x1A400] =	vst v63  }
0xb9: {  	_ =	swait.ge [sflag:s17], $0x1000  }
0xba: {  	[sflag:s17] =	ssyncset.done $0x0  }
0xbb: {  	[sflag:s17] =	ssyncadd.s32 $0xFFFFF000  }
0xbc: {  	_ =	swait.ge [sflag:s17], $0x1000  }
0xbd: {  	[sflag:s17] =	ssyncset.done $0x0  }
0xbe: {  	[sflag:s17] =	ssyncadd.s32 $0xFFFFF000  }
0xbf: {  	_ =	swait.ge [sflag:s17], $0x1000  }
0xc0: {  	[sflag:s17] =	ssyncset.done $0x0  }
0xc1: {  	[sflag:s17] =	ssyncadd.s32 $0xFFFFF000  }
0xc2: {  	_ =	swait.ge [sflag:s17], $0x1000  }
0xc3: {  	[sflag:s17] =	ssyncset.done $0x0  }
0xc4: {  	[sflag:s17] =	ssyncadd.s32 $0xFFFFF000  }
0xc5: {  	_ =	swait.ge [sflag:s17], $0x1000  }
0xc6: {  	[sflag:s17] =	ssyncset.done $0x0  }
0xc7: {  	[sflag:s17] =	ssyncadd.s32 $0xFFFFF000  }
0xc8: {  	_ =	swait.ge [sflag:s17], $0x1000  }
0xc9: {  	[sflag:s17] =	ssyncset.done $0x0  }
0xca: {  	[sflag:s17] =	ssyncadd.s32 $0xFFFFF000  }
0xcb: {  	_ =	swait.ge [sflag:s17], $0x1000  }
0xcc: {  	[sflag:s17] =	ssyncset.done $0x0  }
0xcd: {  	[sflag:s17] =	ssyncadd.s32 $0xFFFFF000  }
0xce: {  	_ =	swait.ge [sflag:s17], $0x1000  }
0xcf: {  	[sflag:s17] =	ssyncset.done $0x0  }
0xd0: {  	[sflag:s17] =	ssyncadd.s32 $0xFFFFF000  }
0xd1: {  	_ =	swait.ge [sflag:s17], $0x1000  }
0xd2: {  	[sflag:s17] =	ssyncset.done $0x0  }
0xd3: {  	[sflag:s17] =	ssyncadd.s32 $0xFFFFF000  }
0xd4: {  	_ =	swait.ge [sflag:s17], $0x1000  }
0xd5: {  	[sflag:s17] =	ssyncset.done $0x0  }
0xd6: {  	[sflag:s17] =	ssyncadd.s32 $0xFFFFF000  }
0xd7: {  	[hbm4b:s10+s30] =	stream.strided.scatter [tilespmem:s31], [sflag:$0x4], $0x1000, s8, s30, $0x38;
	[tilespmem:$0x1A400] =	vst v63  }
0xd8: {  	s11 =	sadd.s32 $0x4000, s10  }
0xd9: {  	[hbm4b:s11+s30] =	stream.strided.scatter [tilespmem:s1], [sflag:$0x4], $0x1000, s8, s30, $0x38;
	[tilespmem:$0x1A400] =	vst v63  }
0xda: {  	s12 =	sadd.s32 $0x8000, s10  }
0xdb: {  	[hbm4b:s12+s30] =	stream.strided.scatter [tilespmem:s9], [sflag:$0x4], $0x1000, s8, s30, $0x38;
	[tilespmem:$0x1A400] =	vst v63  }
0xdc: {  	s14 =	sadd.s32 $0xC000, s10  }
0xdd: {  	[hbm4b:s14+s30] =	stream.strided.scatter [tilespmem:s15], [sflag:$0x4], $0x1000, s8, s30, $0x38;
	[tilespmem:$0x1A400] =	vst v63  }
0xde: {  	s11 =	sadd.s32 $0x10000, s10  }
0xdf: {  	[hbm4b:s11+s30] =	stream.strided.scatter [tilespmem:s19], [sflag:$0x4], $0x1000, s8, s30, $0x38;
	[tilespmem:$0x1A400] =	vst v63  }
0xe0: {  	s12 =	sadd.s32 $0x14000, s10  }
0xe1: {  	[hbm4b:s12+s30] =	stream.strided.scatter [tilespmem:s23], [sflag:$0x4], $0x1000, s8, s30, $0x38;
	[tilespmem:$0x1A400] =	vst v63  }
0xe2: {  	s14 =	sadd.s32 $0x18000, s10  }
0xe3: {  	[hbm4b:s14+s30] =	stream.strided.scatter [tilespmem:s28], [sflag:$0x4], $0x1000, s8, s30, $0x38;
	[tilespmem:$0x1A400] =	vst v63  }
0xe4: {  	s11 =	sadd.s32 $0x1C000, s10  }
0xe5: {  	[hbm4b:s11+s30] =	stream.strided.scatter [tilespmem:s0], [sflag:$0x4], $0x1000, s8, s30, $0x38;
	[tilespmem:$0x1A400] =	vst v63  }
0xe6: {  	s12 =	sadd.s32 $0x20000, s10  }
0xe7: {  	[hbm4b:s12+s30] =	stream.strided.scatter [tilespmem:s13], [sflag:$0x4], $0x1000, s8, s30, $0x38;
	[tilespmem:$0x1A400] =	vst v63  }
.Ltmp3:
0xe8: {  	s14 =	sadd.s32 $0x24000, s10;
	(pc) =	sbr.rel @p0 .LBB2_6-.Ltmp3, $4  }
0xe9: {  	[hbm4b:s14+s30] =	stream.strided.scatter [tilespmem:s21], [sflag:$0x4], $0x1000, s8, s30, $0x38;
	[tilespmem:$0x1A400] =	vst v63  }
0xea: {  	_ =	swait.ge [sflag:s4], $0xA000  }
0xeb: {  	[sflag:s4] =	ssyncset.done $0x0  }
0xec: {  	[sflag:s4] =	ssyncadd.s32 $0xFFFF6000  }
0xed: {  	s5 =	sshra.s32 s6, $0x2  }
0xee: {  	s11 =	sadd.s32 $0xF00, s5  }
0xef: {  	[tilespmem:s31], [sflag:$0x2] =	stream.indirect.gather [hbm4b:s3+s8], $0x20, s11, s8, $0xb8;
	[tilespmem:$0x1A400] =	vst v63  }
0xf0: {  	s12 =	sadd.s32 $0xF80, s5  }
0xf1: {  	[tilespmem:s1], [sflag:$0x2] =	stream.indirect.gather [hbm4b:s3+s8], $0x20, s12, s8, $0xb8;
	[tilespmem:$0x1A400] =	vst v63  }
0xf2: {  	s14 =	sadd.s32 $0x1000, s5  }
0xf3: {  	[tilespmem:s9], [sflag:$0x2] =	stream.indirect.gather [hbm4b:s3+s8], $0x20, s14, s8, $0xb8;
	[tilespmem:$0x1A400] =	vst v63  }
0xf4: {  	s12 =	sadd.s32 $0x1080, s5  }
0xf5: {  	[tilespmem:s15], [sflag:$0x2] =	stream.indirect.gather [hbm4b:s3+s8], $0x20, s12, s8, $0xb8;
	[tilespmem:$0x1A400] =	vst v63  }
0xf6: {  	s14 =	sadd.s32 $0x1100, s5  }
0xf7: {  	[tilespmem:s19], [sflag:$0x2] =	stream.indirect.gather [hbm4b:s3+s8], $0x20, s14, s8, $0xb8;
	[tilespmem:$0x1A400] =	vst v63  }
0xf8: {  	s12 =	sadd.s32 $0x1180, s5  }
0xf9: {  	[tilespmem:s23], [sflag:$0x2] =	stream.indirect.gather [hbm4b:s3+s8], $0x20, s12, s8, $0xb8;
	[tilespmem:$0x1A400] =	vst v63  }
0xfa: {  	s14 =	sadd.s32 $0x1200, s5  }
0xfb: {  	[tilespmem:s28], [sflag:$0x2] =	stream.indirect.gather [hbm4b:s3+s8], $0x20, s14, s8, $0xb8;
	[tilespmem:$0x1A400] =	vst v63  }
0xfc: {  	s12 =	sadd.s32 $0x1280, s5  }
0xfd: {  	[tilespmem:s0], [sflag:$0x2] =	stream.indirect.gather [hbm4b:s3+s8], $0x20, s12, s8, $0xb8;
	[tilespmem:$0x1A400] =	vst v63  }
.Ltmp4:
0xfe: {  	_ = 	snop;
	(pc) =	sbr.rel .LBB2_4-.Ltmp4, $4  }
0xff: {  	s6 =	sadd.s32 $0x2800, s6;
	s14 =	sadd.s32 $0x1300, s5  }
0x100: {  	[tilespmem:s13], [sflag:$0x2] =	stream.indirect.gather [hbm4b:s3+s8], $0x20, s14, s8, $0xb8;
	[tilespmem:$0x1A400] =	vst v63  }
0x101: {  	s10 =	sadd.s32 $0x50000, s10;
	s7 =	sadd.s32 $0x50000, s7;
	s5 =	sadd.s32 $0x1380, s5  }
0x102: {  	[tilespmem:s21], [sflag:$0x2] =	stream.indirect.gather [hbm4b:s3+s8], $0x20, s5, s8, $0xb8;
	[tilespmem:$0x1A400] =	vst v63  }
.LBB2_7:
0x103: {  	_ =	sfence.sel $0x180000  }
0x104: {  	[bflag:$0x0] =	sbarrier.arrive $0xFFFF  }
0x105: {  	_ =	strace $0x90000047  }
0x106: {  	s0 =	stileid.u32;
	[bflag:$0x2] =	sbarrier.arrive $0xFFFF  }
0x107: {  	p0 =	sne.s32 s0, $0x0;
	s0 =	rddreg [dreg:$0x2]  }
0x108: {  	s0 =	sadd.s32 @!p0 $0x100000, s0  }
0x109: {  	[sflag:s0] =	ssyncadd.tile.s32 @!p0 $0x1;
	_ =	shalt  }
.Lfunc_end2:
_tile_overlayer_lowered:
.L_overlay_start_2:
0x10a: {  	(tag) =	ssettag $0x2  }
0x10b: {  	s0 =	rddreg [dreg:$0x0];
	s2 =	stileid.u32  }
0x10c: {  	s1 =	rddreg [dreg:$0x1];
	p0 =	sne.s32 s2, $0x0  }
0x10d: {  	s3 =	rddreg [dreg:$0x2];
	[bflag:$0x3] =	sbarrier.arrive $0xFFFF;
	s2 =	simm.s32 @!p0 $0x1C05  }
0x10e: {  	[timem:s3], [sflag:s2] =	dma.local @!p0 [hbm:s0], s1  }
0x10f: {  	s0 =	simm.s32 @!p0 $0x5  }
0x110: {  	_ =	swait.ge @!p0 [sflag:s0], s1  }
0x111: {  	s1 =	ssub.s32 @!p0 $0x0, s1;
	[sflag:s0] =	ssyncset.done @!p0 $0x0  }
0x112: {  	[sflag:s0] =	ssyncadd.s32 @!p0 s1  }
0x113: {  	[bflag:$0x3] =	sbarrier.arrive $0xFFFF  }
0x114: {  	_ =	shalt  }

</sc_bundles>
